<compile_context>
chip_gen: v7x
topology: tpu7x:2x2x1
jax: 0.10.2.dev20260603
libtpu: 0.0.44.dev20260713+nightly
codegen_flags: <defaults>
</compile_context>

<pallas_src>
import functools

import jax
import jax.numpy as jnp
from jax import lax
from jax.experimental import pallas as pl
from jax.experimental.pallas import tpu as pltpu
from jax.experimental.pallas import tpu_sc as plsc

N = 4096
G = 512
H = 512
L = 128
KSEL = 9
KPAD = 16
RBF_SIGMA = 1.0
EPS = 1e-08
BN = 512
NB = N // BN


def _enc_body(gene_ref, wg_ref, bg_ref, cb_ref, wc_ref, bc_ref, h_ref):
    x = gene_ref[...]
    hg = jnp.maximum(jnp.dot(x, wg_ref[...], preferred_element_type=jnp.float32) + bg_ref[...], 0.0)
    cb = cb_ref[...]
    wc = wc_ref[...]
    hc = cb[:, 0:1] * wc[0:1, :] + cb[:, 1:2] * wc[1:2, :] + bc_ref[...]
    h_ref[...] = hg + jnp.maximum(hc, 0.0)


def _knn_body(cb_ref, ct_ref, idx_ref, w_ref, idxT_ref, wT_ref, rs_ref):
    b = pl.program_id(0)
    cb = cb_ref[...]
    ct = ct_ref[...]
    sqb = cb[:, 0:1] * cb[:, 0:1] + cb[:, 1:2] * cb[:, 1:2]
    sqa = ct[0:1, :] * ct[0:1, :] + ct[1:2, :] * ct[1:2, :]
    cross = jnp.dot(cb, ct, preferred_element_type=jnp.float32)
    d2 = (sqb + sqa) - 2.0 * cross
    s = jnp.sqrt(jnp.maximum(d2, 1e-12))
    cols = lax.broadcasted_iota(jnp.int32, (BN, N), 1)
    rows = lax.broadcasted_iota(jnp.int32, (BN, 1), 0) + b * BN
    denom = jnp.float32(2.0 * RBF_SIGMA ** 2 + 1e-12)
    big = jnp.float32(1e30)
    idx_cols = []
    w_cols = []
    for t in range(KSEL):
        m = jnp.min(s, axis=1, keepdims=True)
        am = jnp.min(jnp.where(s == m, cols, N), axis=1, keepdims=True)
        if t + 1 < KSEL:
            s = jnp.where(cols == am, big, s)
        wt = jnp.exp(-(m * m) / denom)
        wt = jnp.where(am == rows, 0.0, wt)
        idx_cols.append(am)
        w_cols.append(wt)
    zero = jnp.zeros((BN, 1), jnp.float32)
    rowsum = w_cols[0]
    for t in range(1, KSEL):
        rowsum = rowsum + w_cols[t]
    for _ in range(KSEL, KPAD):
        idx_cols.append(rows)
        w_cols.append(zero)
    idx_blk = jnp.concatenate(idx_cols, axis=1)
    w_blk = jnp.concatenate(w_cols, axis=1)
    idx_ref[...] = idx_blk
    w_ref[...] = w_blk
    idxT_ref[...] = idx_blk.T
    wT_ref[...] = w_blk.T
    rs_ref[...] = rowsum


def _sc_deg_body(idx_hbm, w_hbm, out_hbm, idx_v, w_v, accf_v, acc_v):
    cid = lax.axis_index("c")
    sid = lax.axis_index("s")
    wid = cid * 16 + sid
    base = wid * (N // 32)
    pltpu.sync_copy(idx_hbm.at[pl.ds(base, N // 32)], idx_v)
    pltpu.sync_copy(w_hbm.at[pl.ds(base, N // 32)], w_v)

    def _z(i, c):
        accf_v[pl.ds(i * 16, 16)] = jnp.zeros((16,), jnp.float32)
        return c

    lax.fori_loop(0, 256, _z, 0)

    def _e(e, c):
        plsc.addupdate_scatter(accf_v, [idx_v[e, :]], w_v[e, :])
        return c

    lax.fori_loop(0, N // 32, _e, 0)

    def _rp(i, c):
        acc_v[i, :] = accf_v[pl.ds(i * 16, 16)]
        return c

    lax.fori_loop(0, 256, _rp, 0)

    pltpu.sync_copy(acc_v, out_hbm.at[wid])


def _sc_comb_body(parts_hbm, out_hbm, buf_v, acc2_v):
    cid = lax.axis_index("c")
    sid = lax.axis_index("s")
    wid = cid * 16 + sid
    base = wid * 8

    def _z(i, c):
        acc2_v[i, :] = jnp.zeros((16,), jnp.float32)
        return c

    lax.fori_loop(0, 8, _z, 0)
    for t in range(32):
        pltpu.sync_copy(parts_hbm.at[t, pl.ds(base, 8)], buf_v)

        def _add(r, c2):
            acc2_v[r, :] = acc2_v[r, :] + buf_v[r, :]
            return c2

        lax.fori_loop(0, 8, _add, 0)
    pltpu.sync_copy(acc2_v, out_hbm.at[pl.ds(base, 8)])


def _sc_deg(idx, w):
    mesh = plsc.VectorSubcoreMesh(core_axis_name="c", subcore_axis_name="s")
    parts = pl.kernel(
        _sc_deg_body,
        out_type=jax.ShapeDtypeStruct((32, 256, 16), jnp.float32),
        mesh=mesh,
        scratch_types=[
            pltpu.VMEM((N // 32, KPAD), jnp.int32),
            pltpu.VMEM((N // 32, KPAD), jnp.float32),
            pltpu.VMEM((N,), jnp.float32),
            pltpu.VMEM((256, 16), jnp.float32),
        ],
        compiler_params=pltpu.CompilerParams(needs_layout_passes=False),
    )(idx, w)
    colsum = pl.kernel(
        _sc_comb_body,
        out_type=jax.ShapeDtypeStruct((256, 16), jnp.float32),
        mesh=mesh,
        scratch_types=[
            pltpu.VMEM((8, 16), jnp.float32),
            pltpu.VMEM((8, 16), jnp.float32),
        ],
        compiler_params=pltpu.CompilerParams(needs_layout_passes=False),
    )(parts)
    return colsum


def _agg_body(idx_ref, w_ref, idxT_ref, wT_ref, dinvr_ref, dinvc_ref, h_ref,
              hb_ref, wmsg_ref, bmsg_ref, wself_ref, bself_ref, wz_ref,
              bz_ref, z_ref):
    b = pl.program_id(0)
    cols = lax.broadcasted_iota(jnp.int32, (BN, N), 1)
    rows = lax.broadcasted_iota(jnp.int32, (BN, 1), 0) + b * BN
    idxb = idx_ref[...]
    wb = w_ref[...]
    idxT = idxT_ref[...]
    wT = wT_ref[...]
    A = jnp.zeros((BN, N), jnp.float32)
    for t in range(KSEL):
        A = A + jnp.where(idxb[:, t:t + 1] == cols, wb[:, t:t + 1], 0.0)
        A = A + jnp.where(idxT[t:t + 1, :] == rows, wT[t:t + 1, :], 0.0)
    A = A * (0.5 * dinvc_ref[...])
    A = A * dinvr_ref[...]
    agg = jnp.dot(A, h_ref[...], preferred_element_type=jnp.float32)
    msg = jnp.maximum(
        jnp.dot(agg, wmsg_ref[...], preferred_element_type=jnp.float32)
        + bmsg_ref[...], 0.0)
    selff = jnp.maximum(
        jnp.dot(hb_ref[...], wself_ref[...], preferred_element_type=jnp.float32)
        + bself_ref[...], 0.0)
    hf = jnp.maximum(msg + selff, 0.0)
    z_ref[...] = jnp.dot(hf, wz_ref[...], preferred_element_type=jnp.float32) + bz_ref[...]


def _full(shape):
    nd = len(shape)
    return pl.BlockSpec(shape, lambda b: (0,) * nd)


def _rowblk(shape):
    nd = len(shape)
    return pl.BlockSpec(shape, lambda b: (b,) + (0,) * (nd - 1))


@jax.jit
def kernel(gene_expr, coords, W_g1, b_g1, W_c1, b_c1, W_msg, b_msg, W_self,
           b_self, W_z, b_z):
    f32 = jnp.float32
    coordsT = coords.T
    wgT = W_g1.T
    wcT = W_c1.T
    wmsgT = W_msg.T
    wselfT = W_self.T
    wzT = W_z.T
    bg = b_g1.reshape(1, H)
    bc = b_c1.reshape(1, H)
    bmsg = b_msg.reshape(1, H)
    bself = b_self.reshape(1, H)
    bz = b_z.reshape(1, L)

    h = pl.pallas_call(
        _enc_body,
        grid=(NB,),
        in_specs=[_rowblk((BN, G)), _full((G, H)), _full((1, H)),
                  _rowblk((BN, 2)), _full((2, H)), _full((1, H))],
        out_specs=_rowblk((BN, H)),
        out_shape=jax.ShapeDtypeStruct((N, H), f32),
    )(gene_expr, wgT, bg, coords, wcT, bc)

    idx, w, idxT, wT, rowsum = pl.pallas_call(
        _knn_body,
        grid=(NB,),
        in_specs=[_rowblk((BN, 2)), _full((2, N))],
        out_specs=[_rowblk((BN, KPAD)), _rowblk((BN, KPAD)),
                   pl.BlockSpec((KPAD, BN), lambda b: (0, b)),
                   pl.BlockSpec((KPAD, BN), lambda b: (0, b)),
                   _rowblk((BN, 1))],
        out_shape=[jax.ShapeDtypeStruct((N, KPAD), jnp.int32),
                   jax.ShapeDtypeStruct((N, KPAD), f32),
                   jax.ShapeDtypeStruct((KPAD, N), jnp.int32),
                   jax.ShapeDtypeStruct((KPAD, N), f32),
                   jax.ShapeDtypeStruct((N, 1), f32)],
    )(coords, coordsT)

    colsum = _sc_deg(idx, w)
    deg = 0.5 * (rowsum.reshape(N) + colsum.reshape(N))
    dinv = jnp.power(deg + EPS, -0.5)
    dinv_col = dinv.reshape(N, 1)
    dinv_row = dinv.reshape(1, N)

    z = pl.pallas_call(
        _agg_body,
        grid=(NB,),
        in_specs=[_rowblk((BN, KPAD)), _rowblk((BN, KPAD)), _full((KPAD, N)),
                  _full((KPAD, N)), _full((1, N)), _rowblk((BN, 1)),
                  _full((N, H)), _rowblk((BN, H)), _full((H, H)),
                  _full((1, H)), _full((H, H)), _full((1, H)), _full((H, L)),
                  _full((1, L))],
        out_specs=_rowblk((BN, L)),
        out_shape=jax.ShapeDtypeStruct((N, L), f32),
    )(idx, w, idxT, wT, dinv_row, dinv_col, h, h, wmsgT, bmsg, wselfT, bself,
      wzT, bz)
    return z

# --- scband reference (transcript-rebuilt; emitter-appended) ---
"""Pipeline reference for scband-encoder-graphical-23227183137440 (READ-ONLY COPY).

The authoritative reference and input builder live on the scoring server;
editing this copy changes nothing except your own understanding.
"""

import jax, jax.numpy as jnp
import numpy as np

N = 4096
G = 512
C = 2
H = 512
L = 128
K = 8
RBF_SIGMA = 1.0
EPS = 1e-08


def setup_inputs(seed: int = 0) -> dict:
    key = jax.random.key(seed)
    ks = jax.random.split(key, 12)
    gene_expr = jax.random.normal(ks[0], (N, G), dtype=jnp.float32)
    coords = jax.random.uniform(ks[1], (N, C), dtype=jnp.float32)
    W_g1 = jax.random.normal(ks[2], (H, G), dtype=jnp.float32) * 0.1
    b_g1 = jax.random.normal(ks[3], (H,), dtype=jnp.float32) * 0.1
    W_c1 = jax.random.normal(ks[4], (H, C), dtype=jnp.float32) * 0.1
    b_c1 = jax.random.normal(ks[5], (H,), dtype=jnp.float32) * 0.1
    W_msg = jax.random.normal(ks[6], (H, H), dtype=jnp.float32) * 0.1
    b_msg = jax.random.normal(ks[7], (H,), dtype=jnp.float32) * 0.1
    W_self = jax.random.normal(ks[8], (H, H), dtype=jnp.float32) * 0.1
    b_self = jax.random.normal(ks[9], (H,), dtype=jnp.float32) * 0.1
    W_z = jax.random.normal(ks[10], (L, H), dtype=jnp.float32) * 0.1
    b_z = jax.random.normal(ks[11], (L,), dtype=jnp.float32) * 0.1
    return {"gene_expr": gene_expr, "coords": coords, "W_g1": W_g1, "b_g1": b_g1, "W_c1": W_c1, "b_c1": b_c1, "W_msg": W_msg, "b_msg": b_msg, "W_self": W_self, "b_self": b_self, "W_z": W_z, "b_z": b_z}


def _build_adj_knn(coords):
    n = coords.shape[0]
    sq = jnp.sum(coords * coords, axis=1)
    d2 = sq[:, None] + sq[None, :] - 2.0 * (coords @ coords.T)
    dists = jnp.sqrt(jnp.maximum(d2, 1e-12))
    k = min(K + 1, n)
    neg_vals, idx = jax.lax.top_k(-dists, k)  # k smallest distances per row
    vals = -neg_vals
    rows = jnp.arange(n)[:, None]
    not_self = idx != rows  # skip self-edge (continue in torch loop)
    weight = jnp.exp(-(vals ** 2) / (2.0 * RBF_SIGMA ** 2 + 1e-12))
    weight = jnp.where(not_self, weight, 0.0)
    A = jnp.zeros((n, n), dtype=coords.dtype).at[jnp.broadcast_to(rows, (n, k)), idx].set(weight)
    A = (A + A.T) / 2.0
    return A


def _normalize_adj(A):
    deg = jnp.sum(A, axis=1)
    deg_inv_sqrt = jnp.power(deg + EPS, -0.5)
    return deg_inv_sqrt[:, None] * A * deg_inv_sqrt[None, :]


def reference(gene_expr, coords, W_g1, b_g1, W_c1, b_c1, W_msg, b_msg, W_self, b_self, W_z, b_z):
    h_g = jax.nn.relu(gene_expr @ W_g1.T + b_g1)
    h_c = jax.nn.relu(coords @ W_c1.T + b_c1)
    h = h_g + h_c
    A = _build_adj_knn(coords)
    A_norm = _normalize_adj(A)
    agg = A_norm @ h
    msg = jax.nn.relu(agg @ W_msg.T + b_msg)
    self_feat = jax.nn.relu(h @ W_self.T + b_self)
    h_final = jax.nn.relu(msg + self_feat)
    z = h_final @ W_z.T + b_z
    return z

if __name__ == "__main__":
    import jax
    _d = setup_inputs()
    print(jax.jit(kernel)(*tuple(_d.values())))

</pallas_src>

<mosaic_0001>
#map = affine_map<(d0, d1) -> (0, 0)>
#map1 = affine_map<(d0, d1) -> (0, 0, 0)>
module attributes {stable_mosaic.version = 14 : i64} {
  func.func @_sc_deg_body(%arg0: i32, %arg1: i32, %arg2: memref<4096x16xi32, #tpu.memory_space<hbm>>, %arg3: memref<4096x16xf32, #tpu.memory_space<hbm>>, %arg4: memref<32x256x16xf32, #tpu.memory_space<hbm>>, %arg5: memref<128x16xi32, #tpu.memory_space<vmem>>, %arg6: memref<128x16xf32, #tpu.memory_space<vmem>>, %arg7: memref<4096xf32, #tpu.memory_space<vmem>>, %arg8: memref<256x16xf32, #tpu.memory_space<vmem>>) attributes {dimension_semantics = [#tpu.dimension_semantics<core_parallel>, #tpu.dimension_semantics<subcore_parallel>], iteration_bounds = array<i64: 2, 16>, scalar_prefetch = 0 : i64, scratch_operands = 4 : i64, tpu.core_type = #tpu.core_type<sc_vector_subcore>, window_params = [{transform_indices = #map}, {transform_indices = #map}, {transform_indices = #map1}]} {
    %mul3A = arith.constant 16 : i32
    %mul3A_0 = arith.muli %arg0, %mul3A : i32
    %add3A = arith.addi %mul3A_0, %arg1 : i32
    %mul3A_1 = arith.constant 128 : i32
    %mul3A_2 = arith.muli %add3A, %mul3A_1 : i32
    "tpu.region"() ({
      %run_scoped3A = tpu.sem_alloc : memref<!tpu.dma_semaphore, #tpu.memory_space<semaphore_mem>>
      %dma_start3A = arith.constant 0 : i32
      %dma_start3A_20 = tpu.memref_slice %arg2[%mul3A_2, %dma_start3A] : memref<4096x16xi32, #tpu.memory_space<hbm>> -> memref<128x16xi32, #tpu.memory_space<hbm>>
      %dma_start3A_21 = arith.constant 0 : i32
      %dma_start3A_22 = tpu.memref_slice %arg2[%mul3A_2, %dma_start3A_21] : memref<4096x16xi32, #tpu.memory_space<hbm>> -> memref<128x16xi32, #tpu.memory_space<hbm>>
      tpu.enqueue_dma source(%dma_start3A_22 : memref<128x16xi32, #tpu.memory_space<hbm>>) target(%arg5 : memref<128x16xi32, #tpu.memory_space<vmem>>) target_semaphore(%run_scoped3A : memref<!tpu.dma_semaphore, #tpu.memory_space<semaphore_mem>>)
      %dma_wait3A = arith.constant 0 : i32
      %dma_wait3A_23 = tpu.memref_slice %arg2[%mul3A_2, %dma_wait3A] : memref<4096x16xi32, #tpu.memory_space<hbm>> -> memref<128x16xi32, #tpu.memory_space<hbm>>
      %dma_wait3A_24 = arith.constant 0 : i32
      %dma_wait3A_25 = tpu.memref_slice %arg2[%mul3A_2, %dma_wait3A_24] : memref<4096x16xi32, #tpu.memory_space<hbm>> -> memref<128x16xi32, #tpu.memory_space<hbm>>
      tpu.wait_dma2 semaphore(%run_scoped3A : memref<!tpu.dma_semaphore, #tpu.memory_space<semaphore_mem>>) src(%dma_wait3A_25 : memref<128x16xi32, #tpu.memory_space<hbm>>) dst(%arg5 : memref<128x16xi32, #tpu.memory_space<vmem>>)
      tpu.yield
    }) : () -> ()
    "tpu.region"() ({
      %run_scoped3A = tpu.sem_alloc : memref<!tpu.dma_semaphore, #tpu.memory_space<semaphore_mem>>
      %dma_start3A = arith.constant 0 : i32
      %dma_start3A_20 = tpu.memref_slice %arg3[%mul3A_2, %dma_start3A] : memref<4096x16xf32, #tpu.memory_space<hbm>> -> memref<128x16xf32, #tpu.memory_space<hbm>>
      %dma_start3A_21 = arith.constant 0 : i32
      %dma_start3A_22 = tpu.memref_slice %arg3[%mul3A_2, %dma_start3A_21] : memref<4096x16xf32, #tpu.memory_space<hbm>> -> memref<128x16xf32, #tpu.memory_space<hbm>>
      tpu.enqueue_dma source(%dma_start3A_22 : memref<128x16xf32, #tpu.memory_space<hbm>>) target(%arg6 : memref<128x16xf32, #tpu.memory_space<vmem>>) target_semaphore(%run_scoped3A : memref<!tpu.dma_semaphore, #tpu.memory_space<semaphore_mem>>)
      %dma_wait3A = arith.constant 0 : i32
      %dma_wait3A_23 = tpu.memref_slice %arg3[%mul3A_2, %dma_wait3A] : memref<4096x16xf32, #tpu.memory_space<hbm>> -> memref<128x16xf32, #tpu.memory_space<hbm>>
      %dma_wait3A_24 = arith.constant 0 : i32
      %dma_wait3A_25 = tpu.memref_slice %arg3[%mul3A_2, %dma_wait3A_24] : memref<4096x16xf32, #tpu.memory_space<hbm>> -> memref<128x16xf32, #tpu.memory_space<hbm>>
      tpu.wait_dma2 semaphore(%run_scoped3A : memref<!tpu.dma_semaphore, #tpu.memory_space<semaphore_mem>>) src(%dma_wait3A_25 : memref<128x16xf32, #tpu.memory_space<hbm>>) dst(%arg6 : memref<128x16xf32, #tpu.memory_space<vmem>>)
      tpu.yield
    }) : () -> ()
    %scan3A = arith.constant 0 : i32
    %scan3A_3 = arith.constant 0 : i32
    %scan3A_4 = arith.constant 256 : i32
    %scan3A_5 = arith.addi %scan3A_3, %scan3A_4 : i32
    %scan3A_6 = arith.constant 1 : i32
    scf.for %scan3A_20 = %scan3A_3 to %scan3A_5 step %scan3A_6  : i32 {
      %broadcast_in_dim3A = arith.constant 0.000000e+00 : f32
      %broadcast_in_dim3A_21 = vector.broadcast %broadcast_in_dim3A : f32 to vector<16xf32>
      %mul3A_22 = arith.constant 16 : i32
      %mul3A_23 = arith.muli %scan3A_20, %mul3A_22 : i32
      %swap3A = arith.index_cast %mul3A_23 : i32 to index
      %swap3A_24 = tpu.vector_load %arg7[%swap3A] {strides = array<i32>} : memref<4096xf32, #tpu.memory_space<vmem>>, vector<16xf32>,
      tpu.vector_store %arg7[%swap3A], %broadcast_in_dim3A_21 {strides = array<i32>} : memref<4096xf32, #tpu.memory_space<vmem>>, vector<16xf32>,
    }
    %scan3A_7 = arith.constant 256 : i32
    %scan3A_8 = arith.constant 0 : i32
    %scan3A_9 = arith.constant 0 : i32
    %scan3A_10 = arith.constant 128 : i32
    %scan3A_11 = arith.addi %scan3A_9, %scan3A_10 : i32
    %scan3A_12 = arith.constant 1 : i32
    scf.for %scan3A_20 = %scan3A_9 to %scan3A_11 step %scan3A_12  : i32 {
      %get3A = arith.index_cast %scan3A_20 : i32 to index
      %get3A_21 = arith.constant 0 : index
      %get3A_22 = tpu.vector_load %arg5[%get3A, %get3A_21] {strides = array<i32>} : memref<128x16xi32, #tpu.memory_space<vmem>>, vector<16xi32>,
      %get3A_23 = arith.index_cast %scan3A_20 : i32 to index
      %get3A_24 = arith.constant 0 : index
      %get3A_25 = tpu.vector_load %arg6[%get3A_23, %get3A_24] {strides = array<i32>} : memref<128x16xf32, #tpu.memory_space<vmem>>, vector<16xf32>,
      tpu.vector_store_idx %arg7[%get3A_22], %get3A_25 {add = true} : memref<4096xf32, #tpu.memory_space<vmem>>[vector<16xi32>], vector<16xf32>,
    }
    %scan3A_13 = arith.constant 128 : i32
    %scan3A_14 = arith.constant 0 : i32
    %scan3A_15 = arith.constant 0 : i32
    %scan3A_16 = arith.constant 256 : i32
    %scan3A_17 = arith.addi %scan3A_15, %scan3A_16 : i32
    %scan3A_18 = arith.constant 1 : i32
    scf.for %scan3A_20 = %scan3A_15 to %scan3A_17 step %scan3A_18  : i32 {
      %mul3A_21 = arith.constant 16 : i32
      %mul3A_22 = arith.muli %scan3A_20, %mul3A_21 : i32
      %get3A = arith.index_cast %mul3A_22 : i32 to index
      %get3A_23 = tpu.vector_load %arg7[%get3A] {strides = array<i32>} : memref<4096xf32, #tpu.memory_space<vmem>>, vector<16xf32>,
      %swap3A = arith.index_cast %scan3A_20 : i32 to index
      %swap3A_24 = arith.constant 0 : index
      %swap3A_25 = tpu.vector_load %arg8[%swap3A, %swap3A_24] {strides = array<i32>} : memref<256x16xf32, #tpu.memory_space<vmem>>, vector<16xf32>,
      tpu.vector_store %arg8[%swap3A, %swap3A_24], %get3A_23 {strides = array<i32>} : memref<256x16xf32, #tpu.memory_space<vmem>>, vector<16xf32>,
    }
    %scan3A_19 = arith.constant 256 : i32
    "tpu.region"() ({
      %run_scoped3A = tpu.sem_alloc : memref<!tpu.dma_semaphore, #tpu.memory_space<semaphore_mem>>
      %dma_start3A = arith.constant 0 : i32
      %dma_start3A_20 = arith.constant 0 : i32
      %dma_start3A_21 = tpu.memref_slice %arg4[%add3A, %dma_start3A, %dma_start3A_20] : memref<32x256x16xf32, #tpu.memory_space<hbm>> -> memref<1x256x16xf32, #tpu.memory_space<hbm>>
      %dma_start3A_22 = tpu.memref_squeeze %dma_start3A_21 : memref<1x256x16xf32, #tpu.memory_space<hbm>> -> memref<256x16xf32, #tpu.memory_space<hbm>>
      %dma_start3A_23 = arith.constant 0 : i32
      %dma_start3A_24 = arith.constant 0 : i32
      %dma_start3A_25 = tpu.memref_slice %arg4[%add3A, %dma_start3A_23, %dma_start3A_24] : memref<32x256x16xf32, #tpu.memory_space<hbm>> -> memref<1x256x16xf32, #tpu.memory_space<hbm>>
      %dma_start3A_26 = tpu.memref_squeeze %dma_start3A_25 : memref<1x256x16xf32, #tpu.memory_space<hbm>> -> memref<256x16xf32, #tpu.memory_space<hbm>>
      tpu.enqueue_dma source(%arg8 : memref<256x16xf32, #tpu.memory_space<vmem>>) target(%dma_start3A_26 : memref<256x16xf32, #tpu.memory_space<hbm>>) target_semaphore(%run_scoped3A : memref<!tpu.dma_semaphore, #tpu.memory_space<semaphore_mem>>)
      %dma_wait3A = arith.constant 0 : i32
      %dma_wait3A_27 = arith.constant 0 : i32
      %dma_wait3A_28 = tpu.memref_slice %arg4[%add3A, %dma_wait3A, %dma_wait3A_27] : memref<32x256x16xf32, #tpu.memory_space<hbm>> -> memref<1x256x16xf32, #tpu.memory_space<hbm>>
      %dma_wait3A_29 = tpu.memref_squeeze %dma_wait3A_28 : memref<1x256x16xf32, #tpu.memory_space<hbm>> -> memref<256x16xf32, #tpu.memory_space<hbm>>
      %dma_wait3A_30 = arith.constant 0 : i32
      %dma_wait3A_31 = arith.constant 0 : i32
      %dma_wait3A_32 = tpu.memref_slice %arg4[%add3A, %dma_wait3A_30, %dma_wait3A_31] : memref<32x256x16xf32, #tpu.memory_space<hbm>> -> memref<1x256x16xf32, #tpu.memory_space<hbm>>
      %dma_wait3A_33 = tpu.memref_squeeze %dma_wait3A_32 : memref<1x256x16xf32, #tpu.memory_space<hbm>> -> memref<256x16xf32, #tpu.memory_space<hbm>>
      tpu.wait_dma2 semaphore(%run_scoped3A : memref<!tpu.dma_semaphore, #tpu.memory_space<semaphore_mem>>) src(%arg8 : memref<256x16xf32, #tpu.memory_space<vmem>>) dst(%dma_wait3A_33 : memref<256x16xf32, #tpu.memory_space<hbm>>)
      tpu.yield
    }) : () -> ()
    return
  }
}

#map = affine_map<(d0, d1) -> (0, 0, 0)>
#map1 = affine_map<(d0, d1) -> (0, 0)>
module attributes {stable_mosaic.version = 14 : i64} {
  func.func @_sc_comb_body(%arg0: i32, %arg1: i32, %arg2: memref<32x256x16xf32, #tpu.memory_space<hbm>>, %arg3: memref<256x16xf32, #tpu.memory_space<hbm>>, %arg4: memref<8x16xf32, #tpu.memory_space<vmem>>, %arg5: memref<8x16xf32, #tpu.memory_space<vmem>>) attributes {dimension_semantics = [#tpu.dimension_semantics<core_parallel>, #tpu.dimension_semantics<subcore_parallel>], iteration_bounds = array<i64: 2, 16>, scalar_prefetch = 0 : i64, scratch_operands = 2 : i64, tpu.core_type = #tpu.core_type<sc_vector_subcore>, window_params = [{transform_indices = #map}, {transform_indices = #map1}]} {
    %mul3A = arith.constant 16 : i32
    %mul3A_0 = arith.muli %arg0, %mul3A : i32
    %add3A = arith.addi %mul3A_0, %arg1 : i32
    %mul3A_1 = arith.constant 8 : i32
    %mul3A_2 = arith.muli %add3A, %mul3A_1 : i32
    %scan3A = arith.constant 0 : i32
    %scan3A_3 = arith.constant 0 : i32
    %scan3A_4 = arith.constant 8 : i32
    %scan3A_5 = arith.addi %scan3A_3, %scan3A_4 : i32
    %scan3A_6 = arith.constant 1 : i32
    scf.for %scan3A_231 = %scan3A_3 to %scan3A_5 step %scan3A_6  : i32 {
      %broadcast_in_dim3A = arith.constant 0.000000e+00 : f32
      %broadcast_in_dim3A_232 = vector.broadcast %broadcast_in_dim3A : f32 to vector<16xf32>
      %swap3A = arith.index_cast %scan3A_231 : i32 to index
      %swap3A_233 = arith.constant 0 : index
      %swap3A_234 = tpu.vector_load %arg5[%swap3A, %swap3A_233] {strides = array<i32>} : memref<8x16xf32, #tpu.memory_space<vmem>>, vector<16xf32>,
      tpu.vector_store %arg5[%swap3A, %swap3A_233], %broadcast_in_dim3A_232 {strides = array<i32>} : memref<8x16xf32, #tpu.memory_space<vmem>>, vector<16xf32>,
    }
    %scan3A_7 = arith.constant 8 : i32
    %run_scoped3A = arith.constant 0 : i32
    "tpu.region"() ({
      %run_scoped3A_231 = tpu.sem_alloc : memref<!tpu.dma_semaphore, #tpu.memory_space<semaphore_mem>>
      %dma_start3A = arith.constant 0 : i32
      %dma_start3A_232 = tpu.memref_slice %arg2[%run_scoped3A, %mul3A_2, %dma_start3A] : memref<32x256x16xf32, #tpu.memory_space<hbm>> -> memref<1x8x16xf32, #tpu.memory_space<hbm>>
      %dma_start3A_233 = tpu.memref_squeeze %dma_start3A_232 : memref<1x8x16xf32, #tpu.memory_space<hbm>> -> memref<8x16xf32, #tpu.memory_space<hbm>>
      %dma_start3A_234 = arith.constant 0 : i32
      %dma_start3A_235 = tpu.memref_slice %arg2[%run_scoped3A, %mul3A_2, %dma_start3A_234] : memref<32x256x16xf32, #tpu.memory_space<hbm>> -> memref<1x8x16xf32, #tpu.memory_space<hbm>>
      %dma_start3A_236 = tpu.memref_squeeze %dma_start3A_235 : memref<1x8x16xf32, #tpu.memory_space<hbm>> -> memref<8x16xf32, #tpu.memory_space<hbm>>
      tpu.enqueue_dma source(%dma_start3A_236 : memref<8x16xf32, #tpu.memory_space<hbm>>) target(%arg4 : memref<8x16xf32, #tpu.memory_space<vmem>>) target_semaphore(%run_scoped3A_231 : memref<!tpu.dma_semaphore, #tpu.memory_space<semaphore_mem>>)
      %dma_wait3A = arith.constant 0 : i32
      %dma_wait3A_237 = tpu.memref_slice %arg2[%run_scoped3A, %mul3A_2, %dma_wait3A] : memref<32x256x16xf32, #tpu.memory_space<hbm>> -> memref<1x8x16xf32, #tpu.memory_space<hbm>>
      %dma_wait3A_238 = tpu.memref_squeeze %dma_wait3A_237 : memref<1x8x16xf32, #tpu.memory_space<hbm>> -> memref<8x16xf32, #tpu.memory_space<hbm>>
      %dma_wait3A_239 = arith.constant 0 : i32
      %dma_wait3A_240 = tpu.memref_slice %arg2[%run_scoped3A, %mul3A_2, %dma_wait3A_239] : memref<32x256x16xf32, #tpu.memory_space<hbm>> -> memref<1x8x16xf32, #tpu.memory_space<hbm>>
      %dma_wait3A_241 = tpu.memref_squeeze %dma_wait3A_240 : memref<1x8x16xf32, #tpu.memory_space<hbm>> -> memref<8x16xf32, #tpu.memory_space<hbm>>
      tpu.wait_dma2 semaphore(%run_scoped3A_231 : memref<!tpu.dma_semaphore, #tpu.memory_space<semaphore_mem>>) src(%dma_wait3A_241 : memref<8x16xf32, #tpu.memory_space<hbm>>) dst(%arg4 : memref<8x16xf32, #tpu.memory_space<vmem>>)
      tpu.yield
    }) : () -> ()
    %scan3A_8 = arith.constant 0 : i32
    %scan3A_9 = arith.constant 0 : i32
    %scan3A_10 = arith.constant 8 : i32
    %scan3A_11 = arith.addi %scan3A_9, %scan3A_10 : i32
    %scan3A_12 = arith.constant 1 : i32
    scf.for %scan3A_231 = %scan3A_9 to %scan3A_11 step %scan3A_12  : i32 {
      %get3A = arith.index_cast %scan3A_231 : i32 to index
      %get3A_232 = arith.constant 0 : index
      %get3A_233 = tpu.vector_load %arg5[%get3A, %get3A_232] {strides = array<i32>} : memref<8x16xf32, #tpu.memory_space<vmem>>, vector<16xf32>,
      %get3A_234 = arith.index_cast %scan3A_231 : i32 to index
      %get3A_235 = arith.constant 0 : index
      %get3A_236 = tpu.vector_load %arg4[%get3A_234, %get3A_235] {strides = array<i32>} : memref<8x16xf32, #tpu.memory_space<vmem>>, vector<16xf32>,
      %add3A_237 = arith.addf %get3A_233, %get3A_236 : vector<16xf32>
      %swap3A = arith.index_cast %scan3A_231 : i32 to index
      %swap3A_238 = arith.constant 0 : index
      %swap3A_239 = tpu.vector_load %arg5[%swap3A, %swap3A_238] {strides = array<i32>} : memref<8x16xf32, #tpu.memory_space<vmem>>, vector<16xf32>,
      tpu.vector_store %arg5[%swap3A, %swap3A_238], %add3A_237 {strides = array<i32>} : memref<8x16xf32, #tpu.memory_space<vmem>>, vector<16xf32>,
    }
    %scan3A_13 = arith.constant 8 : i32
    %run_scoped3A_14 = arith.constant 1 : i32
    "tpu.region"() ({
      %run_scoped3A_231 = tpu.sem_alloc : memref<!tpu.dma_semaphore, #tpu.memory_space<semaphore_mem>>
      %dma_start3A = arith.constant 0 : i32
      %dma_start3A_232 = tpu.memref_slice %arg2[%run_scoped3A_14, %mul3A_2, %dma_start3A] : memref<32x256x16xf32, #tpu.memory_space<hbm>> -> memref<1x8x16xf32, #tpu.memory_space<hbm>>
      %dma_start3A_233 = tpu.memref_squeeze %dma_start3A_232 : memref<1x8x16xf32, #tpu.memory_space<hbm>> -> memref<8x16xf32, #tpu.memory_space<hbm>>
      %dma_start3A_234 = arith.constant 0 : i32
      %dma_start3A_235 = tpu.memref_slice %arg2[%run_scoped3A_14, %mul3A_2, %dma_start3A_234] : memref<32x256x16xf32, #tpu.memory_space<hbm>> -> memref<1x8x16xf32, #tpu.memory_space<hbm>>
      %dma_start3A_236 = tpu.memref_squeeze %dma_start3A_235 : memref<1x8x16xf32, #tpu.memory_space<hbm>> -> memref<8x16xf32, #tpu.memory_space<hbm>>
      tpu.enqueue_dma source(%dma_start3A_236 : memref<8x16xf32, #tpu.memory_space<hbm>>) target(%arg4 : memref<8x16xf32, #tpu.memory_space<vmem>>) target_semaphore(%run_scoped3A_231 : memref<!tpu.dma_semaphore, #tpu.memory_space<semaphore_mem>>)
      %dma_wait3A = arith.constant 0 : i32
      %dma_wait3A_237 = tpu.memref_slice %arg2[%run_scoped3A_14, %mul3A_2, %dma_wait3A] : memref<32x256x16xf32, #tpu.memory_space<hbm>> -> memref<1x8x16xf32, #tpu.memory_space<hbm>>
      %dma_wait3A_238 = tpu.memref_squeeze %dma_wait3A_237 : memref<1x8x16xf32, #tpu.memory_space<hbm>> -> memref<8x16xf32, #tpu.memory_space<hbm>>
      %dma_wait3A_239 = arith.constant 0 : i32
      %dma_wait3A_240 = tpu.memref_slice %arg2[%run_scoped3A_14, %mul3A_2, %dma_wait3A_239] : memref<32x256x16xf32, #tpu.memory_space<hbm>> -> memref<1x8x16xf32, #tpu.memory_space<hbm>>
      %dma_wait3A_241 = tpu.memref_squeeze %dma_wait3A_240 : memref<1x8x16xf32, #tpu.memory_space<hbm>> -> memref<8x16xf32, #tpu.memory_space<hbm>>
      tpu.wait_dma2 semaphore(%run_scoped3A_231 : memref<!tpu.dma_semaphore, #tpu.memory_space<semaphore_mem>>) src(%dma_wait3A_241 : memref<8x16xf32, #tpu.memory_space<hbm>>) dst(%arg4 : memref<8x16xf32, #tpu.memory_space<vmem>>)
      tpu.yield
    }) : () -> ()
    %scan3A_15 = arith.constant 0 : i32
    %scan3A_16 = arith.constant 0 : i32
    %scan3A_17 = arith.constant 8 : i32
    %scan3A_18 = arith.addi %scan3A_16, %scan3A_17 : i32
    %scan3A_19 = arith.constant 1 : i32
    scf.for %scan3A_231 = %scan3A_16 to %scan3A_18 step %scan3A_19  : i32 {
      %get3A = arith.index_cast %scan3A_231 : i32 to index
      %get3A_232 = arith.constant 0 : index
      %get3A_233 = tpu.vector_load %arg5[%get3A, %get3A_232] {strides = array<i32>} : memref<8x16xf32, #tpu.memory_space<vmem>>, vector<16xf32>,
      %get3A_234 = arith.index_cast %scan3A_231 : i32 to index
      %get3A_235 = arith.constant 0 : index
      %get3A_236 = tpu.vector_load %arg4[%get3A_234, %get3A_235] {strides = array<i32>} : memref<8x16xf32, #tpu.memory_space<vmem>>, vector<16xf32>,
      %add3A_237 = arith.addf %get3A_233, %get3A_236 : vector<16xf32>
      %swap3A = arith.index_cast %scan3A_231 : i32 to index
      %swap3A_238 = arith.constant 0 : index
      %swap3A_239 = tpu.vector_load %arg5[%swap3A, %swap3A_238] {strides = array<i32>} : memref<8x16xf32, #tpu.memory_space<vmem>>, vector<16xf32>,
      tpu.vector_store %arg5[%swap3A, %swap3A_238], %add3A_237 {strides = array<i32>} : memref<8x16xf32, #tpu.memory_space<vmem>>, vector<16xf32>,
    }
    %scan3A_20 = arith.constant 8 : i32
    %run_scoped3A_21 = arith.constant 2 : i32
    "tpu.region"() ({
      %run_scoped3A_231 = tpu.sem_alloc : memref<!tpu.dma_semaphore, #tpu.memory_space<semaphore_mem>>
      %dma_start3A = arith.constant 0 : i32
      %dma_start3A_232 = tpu.memref_slice %arg2[%run_scoped3A_21, %mul3A_2, %dma_start3A] : memref<32x256x16xf32, #tpu.memory_space<hbm>> -> memref<1x8x16xf32, #tpu.memory_space<hbm>>
      %dma_start3A_233 = tpu.memref_squeeze %dma_start3A_232 : memref<1x8x16xf32, #tpu.memory_space<hbm>> -> memref<8x16xf32, #tpu.memory_space<hbm>>
      %dma_start3A_234 = arith.constant 0 : i32
      %dma_start3A_235 = tpu.memref_slice %arg2[%run_scoped3A_21, %mul3A_2, %dma_start3A_234] : memref<32x256x16xf32, #tpu.memory_space<hbm>> -> memref<1x8x16xf32, #tpu.memory_space<hbm>>
      %dma_start3A_236 = tpu.memref_squeeze %dma_start3A_235 : memref<1x8x16xf32, #tpu.memory_space<hbm>> -> memref<8x16xf32, #tpu.memory_space<hbm>>
      tpu.enqueue_dma source(%dma_start3A_236 : memref<8x16xf32, #tpu.memory_space<hbm>>) target(%arg4 : memref<8x16xf32, #tpu.memory_space<vmem>>) target_semaphore(%run_scoped3A_231 : memref<!tpu.dma_semaphore, #tpu.memory_space<semaphore_mem>>)
      %dma_wait3A = arith.constant 0 : i32
      %dma_wait3A_237 = tpu.memref_slice %arg2[%run_scoped3A_21, %mul3A_2, %dma_wait3A] : memref<32x256x16xf32, #tpu.memory_space<hbm>> -> memref<1x8x16xf32, #tpu.memory_space<hbm>>
      %dma_wait3A_238 = tpu.memref_squeeze %dma_wait3A_237 : memref<1x8x16xf32, #tpu.memory_space<hbm>> -> memref<8x16xf32, #tpu.memory_space<hbm>>
      %dma_wait3A_239 = arith.constant 0 : i32
      %dma_wait3A_240 = tpu.memref_slice %arg2[%run_scoped3A_21, %mul3A_2, %dma_wait3A_239] : memref<32x256x16xf32, #tpu.memory_space<hbm>> -> memref<1x8x16xf32, #tpu.memory_space<hbm>>
      %dma_wait3A_241 = tpu.memref_squeeze %dma_wait3A_240 : memref<1x8x16xf32, #tpu.memory_space<hbm>> -> memref<8x16xf32, #tpu.memory_space<hbm>>
      tpu.wait_dma2 semaphore(%run_scoped3A_231 : memref<!tpu.dma_semaphore, #tpu.memory_space<semaphore_mem>>) src(%dma_wait3A_241 : memref<8x16xf32, #tpu.memory_space<hbm>>) dst(%arg4 : memref<8x16xf32, #tpu.memory_space<vmem>>)
      tpu.yield
    }) : () -> ()
    %scan3A_22 = arith.constant 0 : i32
    %scan3A_23 = arith.constant 0 : i32
    %scan3A_24 = arith.constant 8 : i32
    %scan3A_25 = arith.addi %scan3A_23, %scan3A_24 : i32
    %scan3A_26 = arith.constant 1 : i32
    scf.for %scan3A_231 = %scan3A_23 to %scan3A_25 step %scan3A_26  : i32 {
      %get3A = arith.index_cast %scan3A_231 : i32 to index
      %get3A_232 = arith.constant 0 : index
      %get3A_233 = tpu.vector_load %arg5[%get3A, %get3A_232] {strides = array<i32>} : memref<8x16xf32, #tpu.memory_space<vmem>>, vector<16xf32>,
      %get3A_234 = arith.index_cast %scan3A_231 : i32 to index
      %get3A_235 = arith.constant 0 : index
      %get3A_236 = tpu.vector_load %arg4[%get3A_234, %get3A_235] {strides = array<i32>} : memref<8x16xf32, #tpu.memory_space<vmem>>, vector<16xf32>,
      %add3A_237 = arith.addf %get3A_233, %get3A_236 : vector<16xf32>
      %swap3A = arith.index_cast %scan3A_231 : i32 to index
      %swap3A_238 = arith.constant 0 : index
      %swap3A_239 = tpu.vector_load %arg5[%swap3A, %swap3A_238] {strides = array<i32>} : memref<8x16xf32, #tpu.memory_space<vmem>>, vector<16xf32>,
      tpu.vector_store %arg5[%swap3A, %swap3A_238], %add3A_237 {strides = array<i32>} : memref<8x16xf32, #tpu.memory_space<vmem>>, vector<16xf32>,
    }
    %scan3A_27 = arith.constant 8 : i32
    %run_scoped3A_28 = arith.constant 3 : i32
    "tpu.region"() ({
      %run_scoped3A_231 = tpu.sem_alloc : memref<!tpu.dma_semaphore, #tpu.memory_space<semaphore_mem>>
      %dma_start3A = arith.constant 0 : i32
      %dma_start3A_232 = tpu.memref_slice %arg2[%run_scoped3A_28, %mul3A_2, %dma_start3A] : memref<32x256x16xf32, #tpu.memory_space<hbm>> -> memref<1x8x16xf32, #tpu.memory_space<hbm>>
      %dma_start3A_233 = tpu.memref_squeeze %dma_start3A_232 : memref<1x8x16xf32, #tpu.memory_space<hbm>> -> memref<8x16xf32, #tpu.memory_space<hbm>>
      %dma_start3A_234 = arith.constant 0 : i32
      %dma_start3A_235 = tpu.memref_slice %arg2[%run_scoped3A_28, %mul3A_2, %dma_start3A_234] : memref<32x256x16xf32, #tpu.memory_space<hbm>> -> memref<1x8x16xf32, #tpu.memory_space<hbm>>
      %dma_start3A_236 = tpu.memref_squeeze %dma_start3A_235 : memref<1x8x16xf32, #tpu.memory_space<hbm>> -> memref<8x16xf32, #tpu.memory_space<hbm>>
      tpu.enqueue_dma source(%dma_start3A_236 : memref<8x16xf32, #tpu.memory_space<hbm>>) target(%arg4 : memref<8x16xf32, #tpu.memory_space<vmem>>) target_semaphore(%run_scoped3A_231 : memref<!tpu.dma_semaphore, #tpu.memory_space<semaphore_mem>>)
      %dma_wait3A = arith.constant 0 : i32
      %dma_wait3A_237 = tpu.memref_slice %arg2[%run_scoped3A_28, %mul3A_2, %dma_wait3A] : memref<32x256x16xf32, #tpu.memory_space<hbm>> -> memref<1x8x16xf32, #tpu.memory_space<hbm>>
      %dma_wait3A_238 = tpu.memref_squeeze %dma_wait3A_237 : memref<1x8x16xf32, #tpu.memory_space<hbm>> -> memref<8x16xf32, #tpu.memory_space<hbm>>
      %dma_wait3A_239 = arith.constant 0 : i32
      %dma_wait3A_240 = tpu.memref_slice %arg2[%run_scoped3A_28, %mul3A_2, %dma_wait3A_239] : memref<32x256x16xf32, #tpu.memory_space<hbm>> -> memref<1x8x16xf32, #tpu.memory_space<hbm>>
      %dma_wait3A_241 = tpu.memref_squeeze %dma_wait3A_240 : memref<1x8x16xf32, #tpu.memory_space<hbm>> -> memref<8x16xf32, #tpu.memory_space<hbm>>
      tpu.wait_dma2 semaphore(%run_scoped3A_231 : memref<!tpu.dma_semaphore, #tpu.memory_space<semaphore_mem>>) src(%dma_wait3A_241 : memref<8x16xf32, #tpu.memory_space<hbm>>) dst(%arg4 : memref<8x16xf32, #tpu.memory_space<vmem>>)
      tpu.yield
    }) : () -> ()
    %scan3A_29 = arith.constant 0 : i32
    %scan3A_30 = arith.constant 0 : i32
    %scan3A_31 = arith.constant 8 : i32
    %scan3A_32 = arith.addi %scan3A_30, %scan3A_31 : i32
    %scan3A_33 = arith.constant 1 : i32
    scf.for %scan3A_231 = %scan3A_30 to %scan3A_32 step %scan3A_33  : i32 {
      %get3A = arith.index_cast %scan3A_231 : i32 to index
      %get3A_232 = arith.constant 0 : index
      %get3A_233 = tpu.vector_load %arg5[%get3A, %get3A_232] {strides = array<i32>} : memref<8x16xf32, #tpu.memory_space<vmem>>, vector<16xf32>,
      %get3A_234 = arith.index_cast %scan3A_231 : i32 to index
      %get3A_235 = arith.constant 0 : index
      %get3A_236 = tpu.vector_load %arg4[%get3A_234, %get3A_235] {strides = array<i32>} : memref<8x16xf32, #tpu.memory_space<vmem>>, vector<16xf32>,
      %add3A_237 = arith.addf %get3A_233, %get3A_236 : vector<16xf32>
      %swap3A = arith.index_cast %scan3A_231 : i32 to index
      %swap3A_238 = arith.constant 0 : index
      %swap3A_239 = tpu.vector_load %arg5[%swap3A, %swap3A_238] {strides = array<i32>} : memref<8x16xf32, #tpu.memory_space<vmem>>, vector<16xf32>,
      tpu.vector_store %arg5[%swap3A, %swap3A_238], %add3A_237 {strides = array<i32>} : memref<8x16xf32, #tpu.memory_space<vmem>>, vector<16xf32>,
    }
    %scan3A_34 = arith.constant 8 : i32
    %run_scoped3A_35 = arith.constant 4 : i32
    "tpu.region"() ({
      %run_scoped3A_231 = tpu.sem_alloc : memref<!tpu.dma_semaphore, #tpu.memory_space<semaphore_mem>>
      %dma_start3A = arith.constant 0 : i32
      %dma_start3A_232 = tpu.memref_slice %arg2[%run_scoped3A_35, %mul3A_2, %dma_start3A] : memref<32x256x16xf32, #tpu.memory_space<hbm>> -> memref<1x8x16xf32, #tpu.memory_space<hbm>>
      %dma_start3A_233 = tpu.memref_squeeze %dma_start3A_232 : memref<1x8x16xf32, #tpu.memory_space<hbm>> -> memref<8x16xf32, #tpu.memory_space<hbm>>
      %dma_start3A_234 = arith.constant 0 : i32
      %dma_start3A_235 = tpu.memref_slice %arg2[%run_scoped3A_35, %mul3A_2, %dma_start3A_234] : memref<32x256x16xf32, #tpu.memory_space<hbm>> -> memref<1x8x16xf32, #tpu.memory_space<hbm>>
      %dma_start3A_236 = tpu.memref_squeeze %dma_start3A_235 : memref<1x8x16xf32, #tpu.memory_space<hbm>> -> memref<8x16xf32, #tpu.memory_space<hbm>>
      tpu.enqueue_dma source(%dma_start3A_236 : memref<8x16xf32, #tpu.memory_space<hbm>>) target(%arg4 : memref<8x16xf32, #tpu.memory_space<vmem>>) target_semaphore(%run_scoped3A_231 : memref<!tpu.dma_semaphore, #tpu.memory_space<semaphore_mem>>)
      %dma_wait3A = arith.constant 0 : i32
      %dma_wait3A_237 = tpu.memref_slice %arg2[%run_scoped3A_35, %mul3A_2, %dma_wait3A] : memref<32x256x16xf32, #tpu.memory_space<hbm>> -> memref<1x8x16xf32, #tpu.memory_space<hbm>>
      %dma_wait3A_238 = tpu.memref_squeeze %dma_wait3A_237 : memref<1x8x16xf32, #tpu.memory_space<hbm>> -> memref<8x16xf32, #tpu.memory_space<hbm>>
      %dma_wait3A_239 = arith.constant 0 : i32
      %dma_wait3A_240 = tpu.memref_slice %arg2[%run_scoped3A_35, %mul3A_2, %dma_wait3A_239] : memref<32x256x16xf32, #tpu.memory_space<hbm>> -> memref<1x8x16xf32, #tpu.memory_space<hbm>>
      %dma_wait3A_241 = tpu.memref_squeeze %dma_wait3A_240 : memref<1x8x16xf32, #tpu.memory_space<hbm>> -> memref<8x16xf32, #tpu.memory_space<hbm>>
      tpu.wait_dma2 semaphore(%run_scoped3A_231 : memref<!tpu.dma_semaphore, #tpu.memory_space<semaphore_mem>>) src(%dma_wait3A_241 : memref<8x16xf32, #tpu.memory_space<hbm>>) dst(%arg4 : memref<8x16xf32, #tpu.memory_space<vmem>>)
      tpu.yield
    }) : () -> ()
    %scan3A_36 = arith.constant 0 : i32
    %scan3A_37 = arith.constant 0 : i32
    %scan3A_38 = arith.constant 8 : i32
    %scan3A_39 = arith.addi %scan3A_37, %scan3A_38 : i32
    %scan3A_40 = arith.constant 1 : i32
    scf.for %scan3A_231 = %scan3A_37 to %scan3A_39 step %scan3A_40  : i32 {
      %get3A = arith.index_cast %scan3A_231 : i32 to index
      %get3A_232 = arith.constant 0 : index
      %get3A_233 = tpu.vector_load %arg5[%get3A, %get3A_232] {strides = array<i32>} : memref<8x16xf32, #tpu.memory_space<vmem>>, vector<16xf32>,
      %get3A_234 = arith.index_cast %scan3A_231 : i32 to index
      %get3A_235 = arith.constant 0 : index
      %get3A_236 = tpu.vector_load %arg4[%get3A_234, %get3A_235] {strides = array<i32>} : memref<8x16xf32, #tpu.memory_space<vmem>>, vector<16xf32>,
      %add3A_237 = arith.addf %get3A_233, %get3A_236 : vector<16xf32>
      %swap3A = arith.index_cast %scan3A_231 : i32 to index
      %swap3A_238 = arith.constant 0 : index
      %swap3A_239 = tpu.vector_load %arg5[%swap3A, %swap3A_238] {strides = array<i32>} : memref<8x16xf32, #tpu.memory_space<vmem>>, vector<16xf32>,
      tpu.vector_store %arg5[%swap3A, %swap3A_238], %add3A_237 {strides = array<i32>} : memref<8x16xf32, #tpu.memory_space<vmem>>, vector<16xf32>,
    }
    %scan3A_41 = arith.constant 8 : i32
    %run_scoped3A_42 = arith.constant 5 : i32
    "tpu.region"() ({
      %run_scoped3A_231 = tpu.sem_alloc : memref<!tpu.dma_semaphore, #tpu.memory_space<semaphore_mem>>
      %dma_start3A = arith.constant 0 : i32
      %dma_start3A_232 = tpu.memref_slice %arg2[%run_scoped3A_42, %mul3A_2, %dma_start3A] : memref<32x256x16xf32, #tpu.memory_space<hbm>> -> memref<1x8x16xf32, #tpu.memory_space<hbm>>
      %dma_start3A_233 = tpu.memref_squeeze %dma_start3A_232 : memref<1x8x16xf32, #tpu.memory_space<hbm>> -> memref<8x16xf32, #tpu.memory_space<hbm>>
      %dma_start3A_234 = arith.constant 0 : i32
      %dma_start3A_235 = tpu.memref_slice %arg2[%run_scoped3A_42, %mul3A_2, %dma_start3A_234] : memref<32x256x16xf32, #tpu.memory_space<hbm>> -> memref<1x8x16xf32, #tpu.memory_space<hbm>>
      %dma_start3A_236 = tpu.memref_squeeze %dma_start3A_235 : memref<1x8x16xf32, #tpu.memory_space<hbm>> -> memref<8x16xf32, #tpu.memory_space<hbm>>
      tpu.enqueue_dma source(%dma_start3A_236 : memref<8x16xf32, #tpu.memory_space<hbm>>) target(%arg4 : memref<8x16xf32, #tpu.memory_space<vmem>>) target_semaphore(%run_scoped3A_231 : memref<!tpu.dma_semaphore, #tpu.memory_space<semaphore_mem>>)
      %dma_wait3A = arith.constant 0 : i32
      %dma_wait3A_237 = tpu.memref_slice %arg2[%run_scoped3A_42, %mul3A_2, %dma_wait3A] : memref<32x256x16xf32, #tpu.memory_space<hbm>> -> memref<1x8x16xf32, #tpu.memory_space<hbm>>
      %dma_wait3A_238 = tpu.memref_squeeze %dma_wait3A_237 : memref<1x8x16xf32, #tpu.memory_space<hbm>> -> memref<8x16xf32, #tpu.memory_space<hbm>>
      %dma_wait3A_239 = arith.constant 0 : i32
      %dma_wait3A_240 = tpu.memref_slice %arg2[%run_scoped3A_42, %mul3A_2, %dma_wait3A_239] : memref<32x256x16xf32, #tpu.memory_space<hbm>> -> memref<1x8x16xf32, #tpu.memory_space<hbm>>
      %dma_wait3A_241 = tpu.memref_squeeze %dma_wait3A_240 : memref<1x8x16xf32, #tpu.memory_space<hbm>> -> memref<8x16xf32, #tpu.memory_space<hbm>>
      tpu.wait_dma2 semaphore(%run_scoped3A_231 : memref<!tpu.dma_semaphore, #tpu.memory_space<semaphore_mem>>) src(%dma_wait3A_241 : memref<8x16xf32, #tpu.memory_space<hbm>>) dst(%arg4 : memref<8x16xf32, #tpu.memory_space<vmem>>)
      tpu.yield
    }) : () -> ()
    %scan3A_43 = arith.constant 0 : i32
    %scan3A_44 = arith.constant 0 : i32
    %scan3A_45 = arith.constant 8 : i32
    %scan3A_46 = arith.addi %scan3A_44, %scan3A_45 : i32
    %scan3A_47 = arith.constant 1 : i32
    scf.for %scan3A_231 = %scan3A_44 to %scan3A_46 step %scan3A_47  : i32 {
      %get3A = arith.index_cast %scan3A_231 : i32 to index
      %get3A_232 = arith.constant 0 : index
      %get3A_233 = tpu.vector_load %arg5[%get3A, %get3A_232] {strides = array<i32>} : memref<8x16xf32, #tpu.memory_space<vmem>>, vector<16xf32>,
      %get3A_234 = arith.index_cast %scan3A_231 : i32 to index
      %get3A_235 = arith.constant 0 : index
      %get3A_236 = tpu.vector_load %arg4[%get3A_234, %get3A_235] {strides = array<i32>} : memref<8x16xf32, #tpu.memory_space<vmem>>, vector<16xf32>,
      %add3A_237 = arith.addf %get3A_233, %get3A_236 : vector<16xf32>
      %swap3A = arith.index_cast %scan3A_231 : i32 to index
      %swap3A_238 = arith.constant 0 : index
      %swap3A_239 = tpu.vector_load %arg5[%swap3A, %swap3A_238] {strides = array<i32>} : memref<8x16xf32, #tpu.memory_space<vmem>>, vector<16xf32>,
      tpu.vector_store %arg5[%swap3A, %swap3A_238], %add3A_237 {strides = array<i32>} : memref<8x16xf32, #tpu.memory_space<vmem>>, vector<16xf32>,
    }
    %scan3A_48 = arith.constant 8 : i32
    %run_scoped3A_49 = arith.constant 6 : i32
    "tpu.region"() ({
      %run_scoped3A_231 = tpu.sem_alloc : memref<!tpu.dma_semaphore, #tpu.memory_space<semaphore_mem>>
      %dma_start3A = arith.constant 0 : i32
      %dma_start3A_232 = tpu.memref_slice %arg2[%run_scoped3A_49, %mul3A_2, %dma_start3A] : memref<32x256x16xf32, #tpu.memory_space<hbm>> -> memref<1x8x16xf32, #tpu.memory_space<hbm>>
      %dma_start3A_233 = tpu.memref_squeeze %dma_start3A_232 : memref<1x8x16xf32, #tpu.memory_space<hbm>> -> memref<8x16xf32, #tpu.memory_space<hbm>>
      %dma_start3A_234 = arith.constant 0 : i32
      %dma_start3A_235 = tpu.memref_slice %arg2[%run_scoped3A_49, %mul3A_2, %dma_start3A_234] : memref<32x256x16xf32, #tpu.memory_space<hbm>> -> memref<1x8x16xf32, #tpu.memory_space<hbm>>
      %dma_start3A_236 = tpu.memref_squeeze %dma_start3A_235 : memref<1x8x16xf32, #tpu.memory_space<hbm>> -> memref<8x16xf32, #tpu.memory_space<hbm>>
      tpu.enqueue_dma source(%dma_start3A_236 : memref<8x16xf32, #tpu.memory_space<hbm>>) target(%arg4 : memref<8x16xf32, #tpu.memory_space<vmem>>) target_semaphore(%run_scoped3A_231 : memref<!tpu.dma_semaphore, #tpu.memory_space<semaphore_mem>>)
      %dma_wait3A = arith.constant 0 : i32
      %dma_wait3A_237 = tpu.memref_slice %arg2[%run_scoped3A_49, %mul3A_2, %dma_wait3A] : memref<32x256x16xf32, #tpu.memory_space<hbm>> -> memref<1x8x16xf32, #tpu.memory_space<hbm>>
      %dma_wait3A_238 = tpu.memref_squeeze %dma_wait3A_237 : memref<1x8x16xf32, #tpu.memory_space<hbm>> -> memref<8x16xf32, #tpu.memory_space<hbm>>
      %dma_wait3A_239 = arith.constant 0 : i32
      %dma_wait3A_240 = tpu.memref_slice %arg2[%run_scoped3A_49, %mul3A_2, %dma_wait3A_239] : memref<32x256x16xf32, #tpu.memory_space<hbm>> -> memref<1x8x16xf32, #tpu.memory_space<hbm>>
      %dma_wait3A_241 = tpu.memref_squeeze %dma_wait3A_240 : memref<1x8x16xf32, #tpu.memory_space<hbm>> -> memref<8x16xf32, #tpu.memory_space<hbm>>
      tpu.wait_dma2 semaphore(%run_scoped3A_231 : memref<!tpu.dma_semaphore, #tpu.memory_space<semaphore_mem>>) src(%dma_wait3A_241 : memref<8x16xf32, #tpu.memory_space<hbm>>) dst(%arg4 : memref<8x16xf32, #tpu.memory_space<vmem>>)
      tpu.yield
    }) : () -> ()
    %scan3A_50 = arith.constant 0 : i32
    %scan3A_51 = arith.constant 0 : i32
    %scan3A_52 = arith.constant 8 : i32
    %scan3A_53 = arith.addi %scan3A_51, %scan3A_52 : i32
    %scan3A_54 = arith.constant 1 : i32
    scf.for %scan3A_231 = %scan3A_51 to %scan3A_53 step %scan3A_54  : i32 {
      %get3A = arith.index_cast %scan3A_231 : i32 to index
      %get3A_232 = arith.constant 0 : index
      %get3A_233 = tpu.vector_load %arg5[%get3A, %get3A_232] {strides = array<i32>} : memref<8x16xf32, #tpu.memory_space<vmem>>, vector<16xf32>,
      %get3A_234 = arith.index_cast %scan3A_231 : i32 to index
      %get3A_235 = arith.constant 0 : index
      %get3A_236 = tpu.vector_load %arg4[%get3A_234, %get3A_235] {strides = array<i32>} : memref<8x16xf32, #tpu.memory_space<vmem>>, vector<16xf32>,
      %add3A_237 = arith.addf %get3A_233, %get3A_236 : vector<16xf32>
      %swap3A = arith.index_cast %scan3A_231 : i32 to index
      %swap3A_238 = arith.constant 0 : index
      %swap3A_239 = tpu.vector_load %arg5[%swap3A, %swap3A_238] {strides = array<i32>} : memref<8x16xf32, #tpu.memory_space<vmem>>, vector<16xf32>,
      tpu.vector_store %arg5[%swap3A, %swap3A_238], %add3A_237 {strides = array<i32>} : memref<8x16xf32, #tpu.memory_space<vmem>>, vector<16xf32>,
    }
    %scan3A_55 = arith.constant 8 : i32
    %run_scoped3A_56 = arith.constant 7 : i32
    "tpu.region"() ({
      %run_scoped3A_231 = tpu.sem_alloc : memref<!tpu.dma_semaphore, #tpu.memory_space<semaphore_mem>>
      %dma_start3A = arith.constant 0 : i32
      %dma_start3A_232 = tpu.memref_slice %arg2[%run_scoped3A_56, %mul3A_2, %dma_start3A] : memref<32x256x16xf32, #tpu.memory_space<hbm>> -> memref<1x8x16xf32, #tpu.memory_space<hbm>>
      %dma_start3A_233 = tpu.memref_squeeze %dma_start3A_232 : memref<1x8x16xf32, #tpu.memory_space<hbm>> -> memref<8x16xf32, #tpu.memory_space<hbm>>
      %dma_start3A_234 = arith.constant 0 : i32
      %dma_start3A_235 = tpu.memref_slice %arg2[%run_scoped3A_56, %mul3A_2, %dma_start3A_234] : memref<32x256x16xf32, #tpu.memory_space<hbm>> -> memref<1x8x16xf32, #tpu.memory_space<hbm>>
      %dma_start3A_236 = tpu.memref_squeeze %dma_start3A_235 : memref<1x8x16xf32, #tpu.memory_space<hbm>> -> memref<8x16xf32, #tpu.memory_space<hbm>>
      tpu.enqueue_dma source(%dma_start3A_236 : memref<8x16xf32, #tpu.memory_space<hbm>>) target(%arg4 : memref<8x16xf32, #tpu.memory_space<vmem>>) target_semaphore(%run_scoped3A_231 : memref<!tpu.dma_semaphore, #tpu.memory_space<semaphore_mem>>)
      %dma_wait3A = arith.constant 0 : i32
      %dma_wait3A_237 = tpu.memref_slice %arg2[%run_scoped3A_56, %mul3A_2, %dma_wait3A] : memref<32x256x16xf32, #tpu.memory_space<hbm>> -> memref<1x8x16xf32, #tpu.memory_space<hbm>>
      %dma_wait3A_238 = tpu.memref_squeeze %dma_wait3A_237 : memref<1x8x16xf32, #tpu.memory_space<hbm>> -> memref<8x16xf32, #tpu.memory_space<hbm>>
      %dma_wait3A_239 = arith.constant 0 : i32
      %dma_wait3A_240 = tpu.memref_slice %arg2[%run_scoped3A_56, %mul3A_2, %dma_wait3A_239] : memref<32x256x16xf32, #tpu.memory_space<hbm>> -> memref<1x8x16xf32, #tpu.memory_space<hbm>>
      %dma_wait3A_241 = tpu.memref_squeeze %dma_wait3A_240 : memref<1x8x16xf32, #tpu.memory_space<hbm>> -> memref<8x16xf32, #tpu.memory_space<hbm>>
      tpu.wait_dma2 semaphore(%run_scoped3A_231 : memref<!tpu.dma_semaphore, #tpu.memory_space<semaphore_mem>>) src(%dma_wait3A_241 : memref<8x16xf32, #tpu.memory_space<hbm>>) dst(%arg4 : memref<8x16xf32, #tpu.memory_space<vmem>>)
      tpu.yield
    }) : () -> ()
    %scan3A_57 = arith.constant 0 : i32
    %scan3A_58 = arith.constant 0 : i32
    %scan3A_59 = arith.constant 8 : i32
    %scan3A_60 = arith.addi %scan3A_58, %scan3A_59 : i32
    %scan3A_61 = arith.constant 1 : i32
    scf.for %scan3A_231 = %scan3A_58 to %scan3A_60 step %scan3A_61  : i32 {
      %get3A = arith.index_cast %scan3A_231 : i32 to index
      %get3A_232 = arith.constant 0 : index
      %get3A_233 = tpu.vector_load %arg5[%get3A, %get3A_232] {strides = array<i32>} : memref<8x16xf32, #tpu.memory_space<vmem>>, vector<16xf32>,
      %get3A_234 = arith.index_cast %scan3A_231 : i32 to index
      %get3A_235 = arith.constant 0 : index
      %get3A_236 = tpu.vector_load %arg4[%get3A_234, %get3A_235] {strides = array<i32>} : memref<8x16xf32, #tpu.memory_space<vmem>>, vector<16xf32>,
      %add3A_237 = arith.addf %get3A_233, %get3A_236 : vector<16xf32>
      %swap3A = arith.index_cast %scan3A_231 : i32 to index
      %swap3A_238 = arith.constant 0 : index
      %swap3A_239 = tpu.vector_load %arg5[%swap3A, %swap3A_238] {strides = array<i32>} : memref<8x16xf32, #tpu.memory_space<vmem>>, vector<16xf32>,
      tpu.vector_store %arg5[%swap3A, %swap3A_238], %add3A_237 {strides = array<i32>} : memref<8x16xf32, #tpu.memory_space<vmem>>, vector<16xf32>,
    }
    %scan3A_62 = arith.constant 8 : i32
    %run_scoped3A_63 = arith.constant 8 : i32
    "tpu.region"() ({
      %run_scoped3A_231 = tpu.sem_alloc : memref<!tpu.dma_semaphore, #tpu.memory_space<semaphore_mem>>
      %dma_start3A = arith.constant 0 : i32
      %dma_start3A_232 = tpu.memref_slice %arg2[%run_scoped3A_63, %mul3A_2, %dma_start3A] : memref<32x256x16xf32, #tpu.memory_space<hbm>> -> memref<1x8x16xf32, #tpu.memory_space<hbm>>
      %dma_start3A_233 = tpu.memref_squeeze %dma_start3A_232 : memref<1x8x16xf32, #tpu.memory_space<hbm>> -> memref<8x16xf32, #tpu.memory_space<hbm>>
      %dma_start3A_234 = arith.constant 0 : i32
      %dma_start3A_235 = tpu.memref_slice %arg2[%run_scoped3A_63, %mul3A_2, %dma_start3A_234] : memref<32x256x16xf32, #tpu.memory_space<hbm>> -> memref<1x8x16xf32, #tpu.memory_space<hbm>>
      %dma_start3A_236 = tpu.memref_squeeze %dma_start3A_235 : memref<1x8x16xf32, #tpu.memory_space<hbm>> -> memref<8x16xf32, #tpu.memory_space<hbm>>
      tpu.enqueue_dma source(%dma_start3A_236 : memref<8x16xf32, #tpu.memory_space<hbm>>) target(%arg4 : memref<8x16xf32, #tpu.memory_space<vmem>>) target_semaphore(%run_scoped3A_231 : memref<!tpu.dma_semaphore, #tpu.memory_space<semaphore_mem>>)
      %dma_wait3A = arith.constant 0 : i32
      %dma_wait3A_237 = tpu.memref_slice %arg2[%run_scoped3A_63, %mul3A_2, %dma_wait3A] : memref<32x256x16xf32, #tpu.memory_space<hbm>> -> memref<1x8x16xf32, #tpu.memory_space<hbm>>
      %dma_wait3A_238 = tpu.memref_squeeze %dma_wait3A_237 : memref<1x8x16xf32, #tpu.memory_space<hbm>> -> memref<8x16xf32, #tpu.memory_space<hbm>>
      %dma_wait3A_239 = arith.constant 0 : i32
      %dma_wait3A_240 = tpu.memref_slice %arg2[%run_scoped3A_63, %mul3A_2, %dma_wait3A_239] : memref<32x256x16xf32, #tpu.memory_space<hbm>> -> memref<1x8x16xf32, #tpu.memory_space<hbm>>
      %dma_wait3A_241 = tpu.memref_squeeze %dma_wait3A_240 : memref<1x8x16xf32, #tpu.memory_space<hbm>> -> memref<8x16xf32, #tpu.memory_space<hbm>>
      tpu.wait_dma2 semaphore(%run_scoped3A_231 : memref<!tpu.dma_semaphore, #tpu.memory_space<semaphore_mem>>) src(%dma_wait3A_241 : memref<8x16xf32, #tpu.memory_space<hbm>>) dst(%arg4 : memref<8x16xf32, #tpu.memory_space<vmem>>)
      tpu.yield
    }) : () -> ()
    %scan3A_64 = arith.constant 0 : i32
    %scan3A_65 = arith.constant 0 : i32
    %scan3A_66 = arith.constant 8 : i32
    %scan3A_67 = arith.addi %scan3A_65, %scan3A_66 : i32
    %scan3A_68 = arith.constant 1 : i32
    scf.for %scan3A_231 = %scan3A_65 to %scan3A_67 step %scan3A_68  : i32 {
      %get3A = arith.index_cast %scan3A_231 : i32 to index
      %get3A_232 = arith.constant 0 : index
      %get3A_233 = tpu.vector_load %arg5[%get3A, %get3A_232] {strides = array<i32>} : memref<8x16xf32, #tpu.memory_space<vmem>>, vector<16xf32>,
      %get3A_234 = arith.index_cast %scan3A_231 : i32 to index
      %get3A_235 = arith.constant 0 : index
      %get3A_236 = tpu.vector_load %arg4[%get3A_234, %get3A_235] {strides = array<i32>} : memref<8x16xf32, #tpu.memory_space<vmem>>, vector<16xf32>,
      %add3A_237 = arith.addf %get3A_233, %get3A_236 : vector<16xf32>
      %swap3A = arith.index_cast %scan3A_231 : i32 to index
      %swap3A_238 = arith.constant 0 : index
      %swap3A_239 = tpu.vector_load %arg5[%swap3A, %swap3A_238] {strides = array<i32>} : memref<8x16xf32, #tpu.memory_space<vmem>>, vector<16xf32>,
      tpu.vector_store %arg5[%swap3A, %swap3A_238], %add3A_237 {strides = array<i32>} : memref<8x16xf32, #tpu.memory_space<vmem>>, vector<16xf32>,
    }
    %scan3A_69 = arith.constant 8 : i32
    %run_scoped3A_70 = arith.constant 9 : i32
    "tpu.region"() ({
      %run_scoped3A_231 = tpu.sem_alloc : memref<!tpu.dma_semaphore, #tpu.memory_space<semaphore_mem>>
      %dma_start3A = arith.constant 0 : i32
      %dma_start3A_232 = tpu.memref_slice %arg2[%run_scoped3A_70, %mul3A_2, %dma_start3A] : memref<32x256x16xf32, #tpu.memory_space<hbm>> -> memref<1x8x16xf32, #tpu.memory_space<hbm>>
      %dma_start3A_233 = tpu.memref_squeeze %dma_start3A_232 : memref<1x8x16xf32, #tpu.memory_space<hbm>> -> memref<8x16xf32, #tpu.memory_space<hbm>>
      %dma_start3A_234 = arith.constant 0 : i32
      %dma_start3A_235 = tpu.memref_slice %arg2[%run_scoped3A_70, %mul3A_2, %dma_start3A_234] : memref<32x256x16xf32, #tpu.memory_space<hbm>> -> memref<1x8x16xf32, #tpu.memory_space<hbm>>
      %dma_start3A_236 = tpu.memref_squeeze %dma_start3A_235 : memref<1x8x16xf32, #tpu.memory_space<hbm>> -> memref<8x16xf32, #tpu.memory_space<hbm>>
      tpu.enqueue_dma source(%dma_start3A_236 : memref<8x16xf32, #tpu.memory_space<hbm>>) target(%arg4 : memref<8x16xf32, #tpu.memory_space<vmem>>) target_semaphore(%run_scoped3A_231 : memref<!tpu.dma_semaphore, #tpu.memory_space<semaphore_mem>>)
      %dma_wait3A = arith.constant 0 : i32
      %dma_wait3A_237 = tpu.memref_slice %arg2[%run_scoped3A_70, %mul3A_2, %dma_wait3A] : memref<32x256x16xf32, #tpu.memory_space<hbm>> -> memref<1x8x16xf32, #tpu.memory_space<hbm>>
      %dma_wait3A_238 = tpu.memref_squeeze %dma_wait3A_237 : memref<1x8x16xf32, #tpu.memory_space<hbm>> -> memref<8x16xf32, #tpu.memory_space<hbm>>
      %dma_wait3A_239 = arith.constant 0 : i32
      %dma_wait3A_240 = tpu.memref_slice %arg2[%run_scoped3A_70, %mul3A_2, %dma_wait3A_239] : memref<32x256x16xf32, #tpu.memory_space<hbm>> -> memref<1x8x16xf32, #tpu.memory_space<hbm>>
      %dma_wait3A_241 = tpu.memref_squeeze %dma_wait3A_240 : memref<1x8x16xf32, #tpu.memory_space<hbm>> -> memref<8x16xf32, #tpu.memory_space<hbm>>
      tpu.wait_dma2 semaphore(%run_scoped3A_231 : memref<!tpu.dma_semaphore, #tpu.memory_space<semaphore_mem>>) src(%dma_wait3A_241 : memref<8x16xf32, #tpu.memory_space<hbm>>) dst(%arg4 : memref<8x16xf32, #tpu.memory_space<vmem>>)
      tpu.yield
    }) : () -> ()
    %scan3A_71 = arith.constant 0 : i32
    %scan3A_72 = arith.constant 0 : i32
    %scan3A_73 = arith.constant 8 : i32
    %scan3A_74 = arith.addi %scan3A_72, %scan3A_73 : i32
    %scan3A_75 = arith.constant 1 : i32
    scf.for %scan3A_231 = %scan3A_72 to %scan3A_74 step %scan3A_75  : i32 {
      %get3A = arith.index_cast %scan3A_231 : i32 to index
      %get3A_232 = arith.constant 0 : index
      %get3A_233 = tpu.vector_load %arg5[%get3A, %get3A_232] {strides = array<i32>} : memref<8x16xf32, #tpu.memory_space<vmem>>, vector<16xf32>,
      %get3A_234 = arith.index_cast %scan3A_231 : i32 to index
      %get3A_235 = arith.constant 0 : index
      %get3A_236 = tpu.vector_load %arg4[%get3A_234, %get3A_235] {strides = array<i32>} : memref<8x16xf32, #tpu.memory_space<vmem>>, vector<16xf32>,
      %add3A_237 = arith.addf %get3A_233, %get3A_236 : vector<16xf32>
      %swap3A = arith.index_cast %scan3A_231 : i32 to index
      %swap3A_238 = arith.constant 0 : index
      %swap3A_239 = tpu.vector_load %arg5[%swap3A, %swap3A_238] {strides = array<i32>} : memref<8x16xf32, #tpu.memory_space<vmem>>, vector<16xf32>,
      tpu.vector_store %arg5[%swap3A, %swap3A_238], %add3A_237 {strides = array<i32>} : memref<8x16xf32, #tpu.memory_space<vmem>>, vector<16xf32>,
    }
    %scan3A_76 = arith.constant 8 : i32
    %run_scoped3A_77 = arith.constant 10 : i32
    "tpu.region"() ({
      %run_scoped3A_231 = tpu.sem_alloc : memref<!tpu.dma_semaphore, #tpu.memory_space<semaphore_mem>>
      %dma_start3A = arith.constant 0 : i32
      %dma_start3A_232 = tpu.memref_slice %arg2[%run_scoped3A_77, %mul3A_2, %dma_start3A] : memref<32x256x16xf32, #tpu.memory_space<hbm>> -> memref<1x8x16xf32, #tpu.memory_space<hbm>>
      %dma_start3A_233 = tpu.memref_squeeze %dma_start3A_232 : memref<1x8x16xf32, #tpu.memory_space<hbm>> -> memref<8x16xf32, #tpu.memory_space<hbm>>
      %dma_start3A_234 = arith.constant 0 : i32
      %dma_start3A_235 = tpu.memref_slice %arg2[%run_scoped3A_77, %mul3A_2, %dma_start3A_234] : memref<32x256x16xf32, #tpu.memory_space<hbm>> -> memref<1x8x16xf32, #tpu.memory_space<hbm>>
      %dma_start3A_236 = tpu.memref_squeeze %dma_start3A_235 : memref<1x8x16xf32, #tpu.memory_space<hbm>> -> memref<8x16xf32, #tpu.memory_space<hbm>>
      tpu.enqueue_dma source(%dma_start3A_236 : memref<8x16xf32, #tpu.memory_space<hbm>>) target(%arg4 : memref<8x16xf32, #tpu.memory_space<vmem>>) target_semaphore(%run_scoped3A_231 : memref<!tpu.dma_semaphore, #tpu.memory_space<semaphore_mem>>)
      %dma_wait3A = arith.constant 0 : i32
      %dma_wait3A_237 = tpu.memref_slice %arg2[%run_scoped3A_77, %mul3A_2, %dma_wait3A] : memref<32x256x16xf32, #tpu.memory_space<hbm>> -> memref<1x8x16xf32, #tpu.memory_space<hbm>>
      %dma_wait3A_238 = tpu.memref_squeeze %dma_wait3A_237 : memref<1x8x16xf32, #tpu.memory_space<hbm>> -> memref<8x16xf32, #tpu.memory_space<hbm>>
      %dma_wait3A_239 = arith.constant 0 : i32
      %dma_wait3A_240 = tpu.memref_slice %arg2[%run_scoped3A_77, %mul3A_2, %dma_wait3A_239] : memref<32x256x16xf32, #tpu.memory_space<hbm>> -> memref<1x8x16xf32, #tpu.memory_space<hbm>>
      %dma_wait3A_241 = tpu.memref_squeeze %dma_wait3A_240 : memref<1x8x16xf32, #tpu.memory_space<hbm>> -> memref<8x16xf32, #tpu.memory_space<hbm>>
      tpu.wait_dma2 semaphore(%run_scoped3A_231 : memref<!tpu.dma_semaphore, #tpu.memory_space<semaphore_mem>>) src(%dma_wait3A_241 : memref<8x16xf32, #tpu.memory_space<hbm>>) dst(%arg4 : memref<8x16xf32, #tpu.memory_space<vmem>>)
      tpu.yield
    }) : () -> ()
    %scan3A_78 = arith.constant 0 : i32
    %scan3A_79 = arith.constant 0 : i32
    %scan3A_80 = arith.constant 8 : i32
    %scan3A_81 = arith.addi %scan3A_79, %scan3A_80 : i32
    %scan3A_82 = arith.constant 1 : i32
    scf.for %scan3A_231 = %scan3A_79 to %scan3A_81 step %scan3A_82  : i32 {
      %get3A = arith.index_cast %scan3A_231 : i32 to index
      %get3A_232 = arith.constant 0 : index
      %get3A_233 = tpu.vector_load %arg5[%get3A, %get3A_232] {strides = array<i32>} : memref<8x16xf32, #tpu.memory_space<vmem>>, vector<16xf32>,
      %get3A_234 = arith.index_cast %scan3A_231 : i32 to index
      %get3A_235 = arith.constant 0 : index
      %get3A_236 = tpu.vector_load %arg4[%get3A_234, %get3A_235] {strides = array<i32>} : memref<8x16xf32, #tpu.memory_space<vmem>>, vector<16xf32>,
      %add3A_237 = arith.addf %get3A_233, %get3A_236 : vector<16xf32>
      %swap3A = arith.index_cast %scan3A_231 : i32 to index
      %swap3A_238 = arith.constant 0 : index
      %swap3A_239 = tpu.vector_load %arg5[%swap3A, %swap3A_238] {strides = array<i32>} : memref<8x16xf32, #tpu.memory_space<vmem>>, vector<16xf32>,
      tpu.vector_store %arg5[%swap3A, %swap3A_238], %add3A_237 {strides = array<i32>} : memref<8x16xf32, #tpu.memory_space<vmem>>, vector<16xf32>,
    }
    %scan3A_83 = arith.constant 8 : i32
    %run_scoped3A_84 = arith.constant 11 : i32
    "tpu.region"() ({
      %run_scoped3A_231 = tpu.sem_alloc : memref<!tpu.dma_semaphore, #tpu.memory_space<semaphore_mem>>
      %dma_start3A = arith.constant 0 : i32
      %dma_start3A_232 = tpu.memref_slice %arg2[%run_scoped3A_84, %mul3A_2, %dma_start3A] : memref<32x256x16xf32, #tpu.memory_space<hbm>> -> memref<1x8x16xf32, #tpu.memory_space<hbm>>
      %dma_start3A_233 = tpu.memref_squeeze %dma_start3A_232 : memref<1x8x16xf32, #tpu.memory_space<hbm>> -> memref<8x16xf32, #tpu.memory_space<hbm>>
      %dma_start3A_234 = arith.constant 0 : i32
      %dma_start3A_235 = tpu.memref_slice %arg2[%run_scoped3A_84, %mul3A_2, %dma_start3A_234] : memref<32x256x16xf32, #tpu.memory_space<hbm>> -> memref<1x8x16xf32, #tpu.memory_space<hbm>>
      %dma_start3A_236 = tpu.memref_squeeze %dma_start3A_235 : memref<1x8x16xf32, #tpu.memory_space<hbm>> -> memref<8x16xf32, #tpu.memory_space<hbm>>
      tpu.enqueue_dma source(%dma_start3A_236 : memref<8x16xf32, #tpu.memory_space<hbm>>) target(%arg4 : memref<8x16xf32, #tpu.memory_space<vmem>>) target_semaphore(%run_scoped3A_231 : memref<!tpu.dma_semaphore, #tpu.memory_space<semaphore_mem>>)
      %dma_wait3A = arith.constant 0 : i32
      %dma_wait3A_237 = tpu.memref_slice %arg2[%run_scoped3A_84, %mul3A_2, %dma_wait3A] : memref<32x256x16xf32, #tpu.memory_space<hbm>> -> memref<1x8x16xf32, #tpu.memory_space<hbm>>
      %dma_wait3A_238 = tpu.memref_squeeze %dma_wait3A_237 : memref<1x8x16xf32, #tpu.memory_space<hbm>> -> memref<8x16xf32, #tpu.memory_space<hbm>>
      %dma_wait3A_239 = arith.constant 0 : i32
      %dma_wait3A_240 = tpu.memref_slice %arg2[%run_scoped3A_84, %mul3A_2, %dma_wait3A_239] : memref<32x256x16xf32, #tpu.memory_space<hbm>> -> memref<1x8x16xf32, #tpu.memory_space<hbm>>
      %dma_wait3A_241 = tpu.memref_squeeze %dma_wait3A_240 : memref<1x8x16xf32, #tpu.memory_space<hbm>> -> memref<8x16xf32, #tpu.memory_space<hbm>>
      tpu.wait_dma2 semaphore(%run_scoped3A_231 : memref<!tpu.dma_semaphore, #tpu.memory_space<semaphore_mem>>) src(%dma_wait3A_241 : memref<8x16xf32, #tpu.memory_space<hbm>>) dst(%arg4 : memref<8x16xf32, #tpu.memory_space<vmem>>)
      tpu.yield
    }) : () -> ()
    %scan3A_85 = arith.constant 0 : i32
    %scan3A_86 = arith.constant 0 : i32
    %scan3A_87 = arith.constant 8 : i32
    %scan3A_88 = arith.addi %scan3A_86, %scan3A_87 : i32
    %scan3A_89 = arith.constant 1 : i32
    scf.for %scan3A_231 = %scan3A_86 to %scan3A_88 step %scan3A_89  : i32 {
      %get3A = arith.index_cast %scan3A_231 : i32 to index
      %get3A_232 = arith.constant 0 : index
      %get3A_233 = tpu.vector_load %arg5[%get3A, %get3A_232] {strides = array<i32>} : memref<8x16xf32, #tpu.memory_space<vmem>>, vector<16xf32>,
      %get3A_234 = arith.index_cast %scan3A_231 : i32 to index
      %get3A_235 = arith.constant 0 : index
      %get3A_236 = tpu.vector_load %arg4[%get3A_234, %get3A_235] {strides = array<i32>} : memref<8x16xf32, #tpu.memory_space<vmem>>, vector<16xf32>,
      %add3A_237 = arith.addf %get3A_233, %get3A_236 : vector<16xf32>
      %swap3A = arith.index_cast %scan3A_231 : i32 to index
      %swap3A_238 = arith.constant 0 : index
      %swap3A_239 = tpu.vector_load %arg5[%swap3A, %swap3A_238] {strides = array<i32>} : memref<8x16xf32, #tpu.memory_space<vmem>>, vector<16xf32>,
      tpu.vector_store %arg5[%swap3A, %swap3A_238], %add3A_237 {strides = array<i32>} : memref<8x16xf32, #tpu.memory_space<vmem>>, vector<16xf32>,
    }
    %scan3A_90 = arith.constant 8 : i32
    %run_scoped3A_91 = arith.constant 12 : i32
    "tpu.region"() ({
      %run_scoped3A_231 = tpu.sem_alloc : memref<!tpu.dma_semaphore, #tpu.memory_space<semaphore_mem>>
      %dma_start3A = arith.constant 0 : i32
      %dma_start3A_232 = tpu.memref_slice %arg2[%run_scoped3A_91, %mul3A_2, %dma_start3A] : memref<32x256x16xf32, #tpu.memory_space<hbm>> -> memref<1x8x16xf32, #tpu.memory_space<hbm>>
      %dma_start3A_233 = tpu.memref_squeeze %dma_start3A_232 : memref<1x8x16xf32, #tpu.memory_space<hbm>> -> memref<8x16xf32, #tpu.memory_space<hbm>>
      %dma_start3A_234 = arith.constant 0 : i32
      %dma_start3A_235 = tpu.memref_slice %arg2[%run_scoped3A_91, %mul3A_2, %dma_start3A_234] : memref<32x256x16xf32, #tpu.memory_space<hbm>> -> memref<1x8x16xf32, #tpu.memory_space<hbm>>
      %dma_start3A_236 = tpu.memref_squeeze %dma_start3A_235 : memref<1x8x16xf32, #tpu.memory_space<hbm>> -> memref<8x16xf32, #tpu.memory_space<hbm>>
      tpu.enqueue_dma source(%dma_start3A_236 : memref<8x16xf32, #tpu.memory_space<hbm>>) target(%arg4 : memref<8x16xf32, #tpu.memory_space<vmem>>) target_semaphore(%run_scoped3A_231 : memref<!tpu.dma_semaphore, #tpu.memory_space<semaphore_mem>>)
      %dma_wait3A = arith.constant 0 : i32
      %dma_wait3A_237 = tpu.memref_slice %arg2[%run_scoped3A_91, %mul3A_2, %dma_wait3A] : memref<32x256x16xf32, #tpu.memory_space<hbm>> -> memref<1x8x16xf32, #tpu.memory_space<hbm>>
      %dma_wait3A_238 = tpu.memref_squeeze %dma_wait3A_237 : memref<1x8x16xf32, #tpu.memory_space<hbm>> -> memref<8x16xf32, #tpu.memory_space<hbm>>
      %dma_wait3A_239 = arith.constant 0 : i32
      %dma_wait3A_240 = tpu.memref_slice %arg2[%run_scoped3A_91, %mul3A_2, %dma_wait3A_239] : memref<32x256x16xf32, #tpu.memory_space<hbm>> -> memref<1x8x16xf32, #tpu.memory_space<hbm>>
      %dma_wait3A_241 = tpu.memref_squeeze %dma_wait3A_240 : memref<1x8x16xf32, #tpu.memory_space<hbm>> -> memref<8x16xf32, #tpu.memory_space<hbm>>
      tpu.wait_dma2 semaphore(%run_scoped3A_231 : memref<!tpu.dma_semaphore, #tpu.memory_space<semaphore_mem>>) src(%dma_wait3A_241 : memref<8x16xf32, #tpu.memory_space<hbm>>) dst(%arg4 : memref<8x16xf32, #tpu.memory_space<vmem>>)
      tpu.yield
    }) : () -> ()
    %scan3A_92 = arith.constant 0 : i32
    %scan3A_93 = arith.constant 0 : i32
    %scan3A_94 = arith.constant 8 : i32
    %scan3A_95 = arith.addi %scan3A_93, %scan3A_94 : i32
    %scan3A_96 = arith.constant 1 : i32
    scf.for %scan3A_231 = %scan3A_93 to %scan3A_95 step %scan3A_96  : i32 {
      %get3A = arith.index_cast %scan3A_231 : i32 to index
      %get3A_232 = arith.constant 0 : index
      %get3A_233 = tpu.vector_load %arg5[%get3A, %get3A_232] {strides = array<i32>} : memref<8x16xf32, #tpu.memory_space<vmem>>, vector<16xf32>,
      %get3A_234 = arith.index_cast %scan3A_231 : i32 to index
      %get3A_235 = arith.constant 0 : index
      %get3A_236 = tpu.vector_load %arg4[%get3A_234, %get3A_235] {strides = array<i32>} : memref<8x16xf32, #tpu.memory_space<vmem>>, vector<16xf32>,
      %add3A_237 = arith.addf %get3A_233, %get3A_236 : vector<16xf32>
      %swap3A = arith.index_cast %scan3A_231 : i32 to index
      %swap3A_238 = arith.constant 0 : index
      %swap3A_239 = tpu.vector_load %arg5[%swap3A, %swap3A_238] {strides = array<i32>} : memref<8x16xf32, #tpu.memory_space<vmem>>, vector<16xf32>,
      tpu.vector_store %arg5[%swap3A, %swap3A_238], %add3A_237 {strides = array<i32>} : memref<8x16xf32, #tpu.memory_space<vmem>>, vector<16xf32>,
    }
    %scan3A_97 = arith.constant 8 : i32
    %run_scoped3A_98 = arith.constant 13 : i32
    "tpu.region"() ({
      %run_scoped3A_231 = tpu.sem_alloc : memref<!tpu.dma_semaphore, #tpu.memory_space<semaphore_mem>>
      %dma_start3A = arith.constant 0 : i32
      %dma_start3A_232 = tpu.memref_slice %arg2[%run_scoped3A_98, %mul3A_2, %dma_start3A] : memref<32x256x16xf32, #tpu.memory_space<hbm>> -> memref<1x8x16xf32, #tpu.memory_space<hbm>>
      %dma_start3A_233 = tpu.memref_squeeze %dma_start3A_232 : memref<1x8x16xf32, #tpu.memory_space<hbm>> -> memref<8x16xf32, #tpu.memory_space<hbm>>
      %dma_start3A_234 = arith.constant 0 : i32
      %dma_start3A_235 = tpu.memref_slice %arg2[%run_scoped3A_98, %mul3A_2, %dma_start3A_234] : memref<32x256x16xf32, #tpu.memory_space<hbm>> -> memref<1x8x16xf32, #tpu.memory_space<hbm>>
      %dma_start3A_236 = tpu.memref_squeeze %dma_start3A_235 : memref<1x8x16xf32, #tpu.memory_space<hbm>> -> memref<8x16xf32, #tpu.memory_space<hbm>>
      tpu.enqueue_dma source(%dma_start3A_236 : memref<8x16xf32, #tpu.memory_space<hbm>>) target(%arg4 : memref<8x16xf32, #tpu.memory_space<vmem>>) target_semaphore(%run_scoped3A_231 : memref<!tpu.dma_semaphore, #tpu.memory_space<semaphore_mem>>)
      %dma_wait3A = arith.constant 0 : i32
      %dma_wait3A_237 = tpu.memref_slice %arg2[%run_scoped3A_98, %mul3A_2, %dma_wait3A] : memref<32x256x16xf32, #tpu.memory_space<hbm>> -> memref<1x8x16xf32, #tpu.memory_space<hbm>>
      %dma_wait3A_238 = tpu.memref_squeeze %dma_wait3A_237 : memref<1x8x16xf32, #tpu.memory_space<hbm>> -> memref<8x16xf32, #tpu.memory_space<hbm>>
      %dma_wait3A_239 = arith.constant 0 : i32
      %dma_wait3A_240 = tpu.memref_slice %arg2[%run_scoped3A_98, %mul3A_2, %dma_wait3A_239] : memref<32x256x16xf32, #tpu.memory_space<hbm>> -> memref<1x8x16xf32, #tpu.memory_space<hbm>>
      %dma_wait3A_241 = tpu.memref_squeeze %dma_wait3A_240 : memref<1x8x16xf32, #tpu.memory_space<hbm>> -> memref<8x16xf32, #tpu.memory_space<hbm>>
      tpu.wait_dma2 semaphore(%run_scoped3A_231 : memref<!tpu.dma_semaphore, #tpu.memory_space<semaphore_mem>>) src(%dma_wait3A_241 : memref<8x16xf32, #tpu.memory_space<hbm>>) dst(%arg4 : memref<8x16xf32, #tpu.memory_space<vmem>>)
      tpu.yield
    }) : () -> ()
    %scan3A_99 = arith.constant 0 : i32
    %scan3A_100 = arith.constant 0 : i32
    %scan3A_101 = arith.constant 8 : i32
    %scan3A_102 = arith.addi %scan3A_100, %scan3A_101 : i32
    %scan3A_103 = arith.constant 1 : i32
    scf.for %scan3A_231 = %scan3A_100 to %scan3A_102 step %scan3A_103  : i32 {
      %get3A = arith.index_cast %scan3A_231 : i32 to index
      %get3A_232 = arith.constant 0 : index
      %get3A_233 = tpu.vector_load %arg5[%get3A, %get3A_232] {strides = array<i32>} : memref<8x16xf32, #tpu.memory_space<vmem>>, vector<16xf32>,
      %get3A_234 = arith.index_cast %scan3A_231 : i32 to index
      %get3A_235 = arith.constant 0 : index
      %get3A_236 = tpu.vector_load %arg4[%get3A_234, %get3A_235] {strides = array<i32>} : memref<8x16xf32, #tpu.memory_space<vmem>>, vector<16xf32>,
      %add3A_237 = arith.addf %get3A_233, %get3A_236 : vector<16xf32>
      %swap3A = arith.index_cast %scan3A_231 : i32 to index
      %swap3A_238 = arith.constant 0 : index
      %swap3A_239 = tpu.vector_load %arg5[%swap3A, %swap3A_238] {strides = array<i32>} : memref<8x16xf32, #tpu.memory_space<vmem>>, vector<16xf32>,
      tpu.vector_store %arg5[%swap3A, %swap3A_238], %add3A_237 {strides = array<i32>} : memref<8x16xf32, #tpu.memory_space<vmem>>, vector<16xf32>,
    }
    %scan3A_104 = arith.constant 8 : i32
    %run_scoped3A_105 = arith.constant 14 : i32
    "tpu.region"() ({
      %run_scoped3A_231 = tpu.sem_alloc : memref<!tpu.dma_semaphore, #tpu.memory_space<semaphore_mem>>
      %dma_start3A = arith.constant 0 : i32
      %dma_start3A_232 = tpu.memref_slice %arg2[%run_scoped3A_105, %mul3A_2, %dma_start3A] : memref<32x256x16xf32, #tpu.memory_space<hbm>> -> memref<1x8x16xf32, #tpu.memory_space<hbm>>
      %dma_start3A_233 = tpu.memref_squeeze %dma_start3A_232 : memref<1x8x16xf32, #tpu.memory_space<hbm>> -> memref<8x16xf32, #tpu.memory_space<hbm>>
      %dma_start3A_234 = arith.constant 0 : i32
      %dma_start3A_235 = tpu.memref_slice %arg2[%run_scoped3A_105, %mul3A_2, %dma_start3A_234] : memref<32x256x16xf32, #tpu.memory_space<hbm>> -> memref<1x8x16xf32, #tpu.memory_space<hbm>>
      %dma_start3A_236 = tpu.memref_squeeze %dma_start3A_235 : memref<1x8x16xf32, #tpu.memory_space<hbm>> -> memref<8x16xf32, #tpu.memory_space<hbm>>
      tpu.enqueue_dma source(%dma_start3A_236 : memref<8x16xf32, #tpu.memory_space<hbm>>) target(%arg4 : memref<8x16xf32, #tpu.memory_space<vmem>>) target_semaphore(%run_scoped3A_231 : memref<!tpu.dma_semaphore, #tpu.memory_space<semaphore_mem>>)
      %dma_wait3A = arith.constant 0 : i32
      %dma_wait3A_237 = tpu.memref_slice %arg2[%run_scoped3A_105, %mul3A_2, %dma_wait3A] : memref<32x256x16xf32, #tpu.memory_space<hbm>> -> memref<1x8x16xf32, #tpu.memory_space<hbm>>
      %dma_wait3A_238 = tpu.memref_squeeze %dma_wait3A_237 : memref<1x8x16xf32, #tpu.memory_space<hbm>> -> memref<8x16xf32, #tpu.memory_space<hbm>>
      %dma_wait3A_239 = arith.constant 0 : i32
      %dma_wait3A_240 = tpu.memref_slice %arg2[%run_scoped3A_105, %mul3A_2, %dma_wait3A_239] : memref<32x256x16xf32, #tpu.memory_space<hbm>> -> memref<1x8x16xf32, #tpu.memory_space<hbm>>
      %dma_wait3A_241 = tpu.memref_squeeze %dma_wait3A_240 : memref<1x8x16xf32, #tpu.memory_space<hbm>> -> memref<8x16xf32, #tpu.memory_space<hbm>>
      tpu.wait_dma2 semaphore(%run_scoped3A_231 : memref<!tpu.dma_semaphore, #tpu.memory_space<semaphore_mem>>) src(%dma_wait3A_241 : memref<8x16xf32, #tpu.memory_space<hbm>>) dst(%arg4 : memref<8x16xf32, #tpu.memory_space<vmem>>)
      tpu.yield
    }) : () -> ()
    %scan3A_106 = arith.constant 0 : i32
    %scan3A_107 = arith.constant 0 : i32
    %scan3A_108 = arith.constant 8 : i32
    %scan3A_109 = arith.addi %scan3A_107, %scan3A_108 : i32
    %scan3A_110 = arith.constant 1 : i32
    scf.for %scan3A_231 = %scan3A_107 to %scan3A_109 step %scan3A_110  : i32 {
      %get3A = arith.index_cast %scan3A_231 : i32 to index
      %get3A_232 = arith.constant 0 : index
      %get3A_233 = tpu.vector_load %arg5[%get3A, %get3A_232] {strides = array<i32>} : memref<8x16xf32, #tpu.memory_space<vmem>>, vector<16xf32>,
      %get3A_234 = arith.index_cast %scan3A_231 : i32 to index
      %get3A_235 = arith.constant 0 : index
      %get3A_236 = tpu.vector_load %arg4[%get3A_234, %get3A_235] {strides = array<i32>} : memref<8x16xf32, #tpu.memory_space<vmem>>, vector<16xf32>,
      %add3A_237 = arith.addf %get3A_233, %get3A_236 : vector<16xf32>
      %swap3A = arith.index_cast %scan3A_231 : i32 to index
      %swap3A_238 = arith.constant 0 : index
      %swap3A_239 = tpu.vector_load %arg5[%swap3A, %swap3A_238] {strides = array<i32>} : memref<8x16xf32, #tpu.memory_space<vmem>>, vector<16xf32>,
      tpu.vector_store %arg5[%swap3A, %swap3A_238], %add3A_237 {strides = array<i32>} : memref<8x16xf32, #tpu.memory_space<vmem>>, vector<16xf32>,
    }
    %scan3A_111 = arith.constant 8 : i32
    %run_scoped3A_112 = arith.constant 15 : i32
    "tpu.region"() ({
      %run_scoped3A_231 = tpu.sem_alloc : memref<!tpu.dma_semaphore, #tpu.memory_space<semaphore_mem>>
      %dma_start3A = arith.constant 0 : i32
      %dma_start3A_232 = tpu.memref_slice %arg2[%run_scoped3A_112, %mul3A_2, %dma_start3A] : memref<32x256x16xf32, #tpu.memory_space<hbm>> -> memref<1x8x16xf32, #tpu.memory_space<hbm>>
      %dma_start3A_233 = tpu.memref_squeeze %dma_start3A_232 : memref<1x8x16xf32, #tpu.memory_space<hbm>> -> memref<8x16xf32, #tpu.memory_space<hbm>>
      %dma_start3A_234 = arith.constant 0 : i32
      %dma_start3A_235 = tpu.memref_slice %arg2[%run_scoped3A_112, %mul3A_2, %dma_start3A_234] : memref<32x256x16xf32, #tpu.memory_space<hbm>> -> memref<1x8x16xf32, #tpu.memory_space<hbm>>
      %dma_start3A_236 = tpu.memref_squeeze %dma_start3A_235 : memref<1x8x16xf32, #tpu.memory_space<hbm>> -> memref<8x16xf32, #tpu.memory_space<hbm>>
      tpu.enqueue_dma source(%dma_start3A_236 : memref<8x16xf32, #tpu.memory_space<hbm>>) target(%arg4 : memref<8x16xf32, #tpu.memory_space<vmem>>) target_semaphore(%run_scoped3A_231 : memref<!tpu.dma_semaphore, #tpu.memory_space<semaphore_mem>>)
      %dma_wait3A = arith.constant 0 : i32
      %dma_wait3A_237 = tpu.memref_slice %arg2[%run_scoped3A_112, %mul3A_2, %dma_wait3A] : memref<32x256x16xf32, #tpu.memory_space<hbm>> -> memref<1x8x16xf32, #tpu.memory_space<hbm>>
      %dma_wait3A_238 = tpu.memref_squeeze %dma_wait3A_237 : memref<1x8x16xf32, #tpu.memory_space<hbm>> -> memref<8x16xf32, #tpu.memory_space<hbm>>
      %dma_wait3A_239 = arith.constant 0 : i32
      %dma_wait3A_240 = tpu.memref_slice %arg2[%run_scoped3A_112, %mul3A_2, %dma_wait3A_239] : memref<32x256x16xf32, #tpu.memory_space<hbm>> -> memref<1x8x16xf32, #tpu.memory_space<hbm>>
      %dma_wait3A_241 = tpu.memref_squeeze %dma_wait3A_240 : memref<1x8x16xf32, #tpu.memory_space<hbm>> -> memref<8x16xf32, #tpu.memory_space<hbm>>
      tpu.wait_dma2 semaphore(%run_scoped3A_231 : memref<!tpu.dma_semaphore, #tpu.memory_space<semaphore_mem>>) src(%dma_wait3A_241 : memref<8x16xf32, #tpu.memory_space<hbm>>) dst(%arg4 : memref<8x16xf32, #tpu.memory_space<vmem>>)
      tpu.yield
    }) : () -> ()
    %scan3A_113 = arith.constant 0 : i32
    %scan3A_114 = arith.constant 0 : i32
    %scan3A_115 = arith.constant 8 : i32
    %scan3A_116 = arith.addi %scan3A_114, %scan3A_115 : i32
    %scan3A_117 = arith.constant 1 : i32
    scf.for %scan3A_231 = %scan3A_114 to %scan3A_116 step %scan3A_117  : i32 {
      %get3A = arith.index_cast %scan3A_231 : i32 to index
      %get3A_232 = arith.constant 0 : index
      %get3A_233 = tpu.vector_load %arg5[%get3A, %get3A_232] {strides = array<i32>} : memref<8x16xf32, #tpu.memory_space<vmem>>, vector<16xf32>,
      %get3A_234 = arith.index_cast %scan3A_231 : i32 to index
      %get3A_235 = arith.constant 0 : index
      %get3A_236 = tpu.vector_load %arg4[%get3A_234, %get3A_235] {strides = array<i32>} : memref<8x16xf32, #tpu.memory_space<vmem>>, vector<16xf32>,
      %add3A_237 = arith.addf %get3A_233, %get3A_236 : vector<16xf32>
      %swap3A = arith.index_cast %scan3A_231 : i32 to index
      %swap3A_238 = arith.constant 0 : index
      %swap3A_239 = tpu.vector_load %arg5[%swap3A, %swap3A_238] {strides = array<i32>} : memref<8x16xf32, #tpu.memory_space<vmem>>, vector<16xf32>,
      tpu.vector_store %arg5[%swap3A, %swap3A_238], %add3A_237 {strides = array<i32>} : memref<8x16xf32, #tpu.memory_space<vmem>>, vector<16xf32>,
    }
    %scan3A_118 = arith.constant 8 : i32
    %run_scoped3A_119 = arith.constant 16 : i32
    "tpu.region"() ({
      %run_scoped3A_231 = tpu.sem_alloc : memref<!tpu.dma_semaphore, #tpu.memory_space<semaphore_mem>>
      %dma_start3A = arith.constant 0 : i32
      %dma_start3A_232 = tpu.memref_slice %arg2[%run_scoped3A_119, %mul3A_2, %dma_start3A] : memref<32x256x16xf32, #tpu.memory_space<hbm>> -> memref<1x8x16xf32, #tpu.memory_space<hbm>>
      %dma_start3A_233 = tpu.memref_squeeze %dma_start3A_232 : memref<1x8x16xf32, #tpu.memory_space<hbm>> -> memref<8x16xf32, #tpu.memory_space<hbm>>
      %dma_start3A_234 = arith.constant 0 : i32
      %dma_start3A_235 = tpu.memref_slice %arg2[%run_scoped3A_119, %mul3A_2, %dma_start3A_234] : memref<32x256x16xf32, #tpu.memory_space<hbm>> -> memref<1x8x16xf32, #tpu.memory_space<hbm>>
      %dma_start3A_236 = tpu.memref_squeeze %dma_start3A_235 : memref<1x8x16xf32, #tpu.memory_space<hbm>> -> memref<8x16xf32, #tpu.memory_space<hbm>>
      tpu.enqueue_dma source(%dma_start3A_236 : memref<8x16xf32, #tpu.memory_space<hbm>>) target(%arg4 : memref<8x16xf32, #tpu.memory_space<vmem>>) target_semaphore(%run_scoped3A_231 : memref<!tpu.dma_semaphore, #tpu.memory_space<semaphore_mem>>)
      %dma_wait3A = arith.constant 0 : i32
      %dma_wait3A_237 = tpu.memref_slice %arg2[%run_scoped3A_119, %mul3A_2, %dma_wait3A] : memref<32x256x16xf32, #tpu.memory_space<hbm>> -> memref<1x8x16xf32, #tpu.memory_space<hbm>>
      %dma_wait3A_238 = tpu.memref_squeeze %dma_wait3A_237 : memref<1x8x16xf32, #tpu.memory_space<hbm>> -> memref<8x16xf32, #tpu.memory_space<hbm>>
      %dma_wait3A_239 = arith.constant 0 : i32
      %dma_wait3A_240 = tpu.memref_slice %arg2[%run_scoped3A_119, %mul3A_2, %dma_wait3A_239] : memref<32x256x16xf32, #tpu.memory_space<hbm>> -> memref<1x8x16xf32, #tpu.memory_space<hbm>>
      %dma_wait3A_241 = tpu.memref_squeeze %dma_wait3A_240 : memref<1x8x16xf32, #tpu.memory_space<hbm>> -> memref<8x16xf32, #tpu.memory_space<hbm>>
      tpu.wait_dma2 semaphore(%run_scoped3A_231 : memref<!tpu.dma_semaphore, #tpu.memory_space<semaphore_mem>>) src(%dma_wait3A_241 : memref<8x16xf32, #tpu.memory_space<hbm>>) dst(%arg4 : memref<8x16xf32, #tpu.memory_space<vmem>>)
      tpu.yield
    }) : () -> ()
    %scan3A_120 = arith.constant 0 : i32
    %scan3A_121 = arith.constant 0 : i32
    %scan3A_122 = arith.constant 8 : i32
    %scan3A_123 = arith.addi %scan3A_121, %scan3A_122 : i32
    %scan3A_124 = arith.constant 1 : i32
    scf.for %scan3A_231 = %scan3A_121 to %scan3A_123 step %scan3A_124  : i32 {
      %get3A = arith.index_cast %scan3A_231 : i32 to index
      %get3A_232 = arith.constant 0 : index
      %get3A_233 = tpu.vector_load %arg5[%get3A, %get3A_232] {strides = array<i32>} : memref<8x16xf32, #tpu.memory_space<vmem>>, vector<16xf32>,
      %get3A_234 = arith.index_cast %scan3A_231 : i32 to index
      %get3A_235 = arith.constant 0 : index
      %get3A_236 = tpu.vector_load %arg4[%get3A_234, %get3A_235] {strides = array<i32>} : memref<8x16xf32, #tpu.memory_space<vmem>>, vector<16xf32>,
      %add3A_237 = arith.addf %get3A_233, %get3A_236 : vector<16xf32>
      %swap3A = arith.index_cast %scan3A_231 : i32 to index
      %swap3A_238 = arith.constant 0 : index
      %swap3A_239 = tpu.vector_load %arg5[%swap3A, %swap3A_238] {strides = array<i32>} : memref<8x16xf32, #tpu.memory_space<vmem>>, vector<16xf32>,
      tpu.vector_store %arg5[%swap3A, %swap3A_238], %add3A_237 {strides = array<i32>} : memref<8x16xf32, #tpu.memory_space<vmem>>, vector<16xf32>,
    }
    %scan3A_125 = arith.constant 8 : i32
    %run_scoped3A_126 = arith.constant 17 : i32
    "tpu.region"() ({
      %run_scoped3A_231 = tpu.sem_alloc : memref<!tpu.dma_semaphore, #tpu.memory_space<semaphore_mem>>
      %dma_start3A = arith.constant 0 : i32
      %dma_start3A_232 = tpu.memref_slice %arg2[%run_scoped3A_126, %mul3A_2, %dma_start3A] : memref<32x256x16xf32, #tpu.memory_space<hbm>> -> memref<1x8x16xf32, #tpu.memory_space<hbm>>
      %dma_start3A_233 = tpu.memref_squeeze %dma_start3A_232 : memref<1x8x16xf32, #tpu.memory_space<hbm>> -> memref<8x16xf32, #tpu.memory_space<hbm>>
      %dma_start3A_234 = arith.constant 0 : i32
      %dma_start3A_235 = tpu.memref_slice %arg2[%run_scoped3A_126, %mul3A_2, %dma_start3A_234] : memref<32x256x16xf32, #tpu.memory_space<hbm>> -> memref<1x8x16xf32, #tpu.memory_space<hbm>>
      %dma_start3A_236 = tpu.memref_squeeze %dma_start3A_235 : memref<1x8x16xf32, #tpu.memory_space<hbm>> -> memref<8x16xf32, #tpu.memory_space<hbm>>
      tpu.enqueue_dma source(%dma_start3A_236 : memref<8x16xf32, #tpu.memory_space<hbm>>) target(%arg4 : memref<8x16xf32, #tpu.memory_space<vmem>>) target_semaphore(%run_scoped3A_231 : memref<!tpu.dma_semaphore, #tpu.memory_space<semaphore_mem>>)
      %dma_wait3A = arith.constant 0 : i32
      %dma_wait3A_237 = tpu.memref_slice %arg2[%run_scoped3A_126, %mul3A_2, %dma_wait3A] : memref<32x256x16xf32, #tpu.memory_space<hbm>> -> memref<1x8x16xf32, #tpu.memory_space<hbm>>
      %dma_wait3A_238 = tpu.memref_squeeze %dma_wait3A_237 : memref<1x8x16xf32, #tpu.memory_space<hbm>> -> memref<8x16xf32, #tpu.memory_space<hbm>>
      %dma_wait3A_239 = arith.constant 0 : i32
      %dma_wait3A_240 = tpu.memref_slice %arg2[%run_scoped3A_126, %mul3A_2, %dma_wait3A_239] : memref<32x256x16xf32, #tpu.memory_space<hbm>> -> memref<1x8x16xf32, #tpu.memory_space<hbm>>
      %dma_wait3A_241 = tpu.memref_squeeze %dma_wait3A_240 : memref<1x8x16xf32, #tpu.memory_space<hbm>> -> memref<8x16xf32, #tpu.memory_space<hbm>>
      tpu.wait_dma2 semaphore(%run_scoped3A_231 : memref<!tpu.dma_semaphore, #tpu.memory_space<semaphore_mem>>) src(%dma_wait3A_241 : memref<8x16xf32, #tpu.memory_space<hbm>>) dst(%arg4 : memref<8x16xf32, #tpu.memory_space<vmem>>)
      tpu.yield
    }) : () -> ()
    %scan3A_127 = arith.constant 0 : i32
    %scan3A_128 = arith.constant 0 : i32
    %scan3A_129 = arith.constant 8 : i32
    %scan3A_130 = arith.addi %scan3A_128, %scan3A_129 : i32
    %scan3A_131 = arith.constant 1 : i32
    scf.for %scan3A_231 = %scan3A_128 to %scan3A_130 step %scan3A_131  : i32 {
      %get3A = arith.index_cast %scan3A_231 : i32 to index
      %get3A_232 = arith.constant 0 : index
      %get3A_233 = tpu.vector_load %arg5[%get3A, %get3A_232] {strides = array<i32>} : memref<8x16xf32, #tpu.memory_space<vmem>>, vector<16xf32>,
      %get3A_234 = arith.index_cast %scan3A_231 : i32 to index
      %get3A_235 = arith.constant 0 : index
      %get3A_236 = tpu.vector_load %arg4[%get3A_234, %get3A_235] {strides = array<i32>} : memref<8x16xf32, #tpu.memory_space<vmem>>, vector<16xf32>,
      %add3A_237 = arith.addf %get3A_233, %get3A_236 : vector<16xf32>
      %swap3A = arith.index_cast %scan3A_231 : i32 to index
      %swap3A_238 = arith.constant 0 : index
      %swap3A_239 = tpu.vector_load %arg5[%swap3A, %swap3A_238] {strides = array<i32>} : memref<8x16xf32, #tpu.memory_space<vmem>>, vector<16xf32>,
      tpu.vector_store %arg5[%swap3A, %swap3A_238], %add3A_237 {strides = array<i32>} : memref<8x16xf32, #tpu.memory_space<vmem>>, vector<16xf32>,
    }
    %scan3A_132 = arith.constant 8 : i32
    %run_scoped3A_133 = arith.constant 18 : i32
    "tpu.region"() ({
      %run_scoped3A_231 = tpu.sem_alloc : memref<!tpu.dma_semaphore, #tpu.memory_space<semaphore_mem>>
      %dma_start3A = arith.constant 0 : i32
      %dma_start3A_232 = tpu.memref_slice %arg2[%run_scoped3A_133, %mul3A_2, %dma_start3A] : memref<32x256x16xf32, #tpu.memory_space<hbm>> -> memref<1x8x16xf32, #tpu.memory_space<hbm>>
      %dma_start3A_233 = tpu.memref_squeeze %dma_start3A_232 : memref<1x8x16xf32, #tpu.memory_space<hbm>> -> memref<8x16xf32, #tpu.memory_space<hbm>>
      %dma_start3A_234 = arith.constant 0 : i32
      %dma_start3A_235 = tpu.memref_slice %arg2[%run_scoped3A_133, %mul3A_2, %dma_start3A_234] : memref<32x256x16xf32, #tpu.memory_space<hbm>> -> memref<1x8x16xf32, #tpu.memory_space<hbm>>
      %dma_start3A_236 = tpu.memref_squeeze %dma_start3A_235 : memref<1x8x16xf32, #tpu.memory_space<hbm>> -> memref<8x16xf32, #tpu.memory_space<hbm>>
      tpu.enqueue_dma source(%dma_start3A_236 : memref<8x16xf32, #tpu.memory_space<hbm>>) target(%arg4 : memref<8x16xf32, #tpu.memory_space<vmem>>) target_semaphore(%run_scoped3A_231 : memref<!tpu.dma_semaphore, #tpu.memory_space<semaphore_mem>>)
      %dma_wait3A = arith.constant 0 : i32
      %dma_wait3A_237 = tpu.memref_slice %arg2[%run_scoped3A_133, %mul3A_2, %dma_wait3A] : memref<32x256x16xf32, #tpu.memory_space<hbm>> -> memref<1x8x16xf32, #tpu.memory_space<hbm>>
      %dma_wait3A_238 = tpu.memref_squeeze %dma_wait3A_237 : memref<1x8x16xf32, #tpu.memory_space<hbm>> -> memref<8x16xf32, #tpu.memory_space<hbm>>
      %dma_wait3A_239 = arith.constant 0 : i32
      %dma_wait3A_240 = tpu.memref_slice %arg2[%run_scoped3A_133, %mul3A_2, %dma_wait3A_239] : memref<32x256x16xf32, #tpu.memory_space<hbm>> -> memref<1x8x16xf32, #tpu.memory_space<hbm>>
      %dma_wait3A_241 = tpu.memref_squeeze %dma_wait3A_240 : memref<1x8x16xf32, #tpu.memory_space<hbm>> -> memref<8x16xf32, #tpu.memory_space<hbm>>
      tpu.wait_dma2 semaphore(%run_scoped3A_231 : memref<!tpu.dma_semaphore, #tpu.memory_space<semaphore_mem>>) src(%dma_wait3A_241 : memref<8x16xf32, #tpu.memory_space<hbm>>) dst(%arg4 : memref<8x16xf32, #tpu.memory_space<vmem>>)
      tpu.yield
    }) : () -> ()
    %scan3A_134 = arith.constant 0 : i32
    %scan3A_135 = arith.constant 0 : i32
    %scan3A_136 = arith.constant 8 : i32
    %scan3A_137 = arith.addi %scan3A_135, %scan3A_136 : i32
    %scan3A_138 = arith.constant 1 : i32
    scf.for %scan3A_231 = %scan3A_135 to %scan3A_137 step %scan3A_138  : i32 {
      %get3A = arith.index_cast %scan3A_231 : i32 to index
      %get3A_232 = arith.constant 0 : index
      %get3A_233 = tpu.vector_load %arg5[%get3A, %get3A_232] {strides = array<i32>} : memref<8x16xf32, #tpu.memory_space<vmem>>, vector<16xf32>,
      %get3A_234 = arith.index_cast %scan3A_231 : i32 to index
      %get3A_235 = arith.constant 0 : index
      %get3A_236 = tpu.vector_load %arg4[%get3A_234, %get3A_235] {strides = array<i32>} : memref<8x16xf32, #tpu.memory_space<vmem>>, vector<16xf32>,
      %add3A_237 = arith.addf %get3A_233, %get3A_236 : vector<16xf32>
      %swap3A = arith.index_cast %scan3A_231 : i32 to index
      %swap3A_238 = arith.constant 0 : index
      %swap3A_239 = tpu.vector_load %arg5[%swap3A, %swap3A_238] {strides = array<i32>} : memref<8x16xf32, #tpu.memory_space<vmem>>, vector<16xf32>,
      tpu.vector_store %arg5[%swap3A, %swap3A_238], %add3A_237 {strides = array<i32>} : memref<8x16xf32, #tpu.memory_space<vmem>>, vector<16xf32>,
    }
    %scan3A_139 = arith.constant 8 : i32
    %run_scoped3A_140 = arith.constant 19 : i32
    "tpu.region"() ({
      %run_scoped3A_231 = tpu.sem_alloc : memref<!tpu.dma_semaphore, #tpu.memory_space<semaphore_mem>>
      %dma_start3A = arith.constant 0 : i32
      %dma_start3A_232 = tpu.memref_slice %arg2[%run_scoped3A_140, %mul3A_2, %dma_start3A] : memref<32x256x16xf32, #tpu.memory_space<hbm>> -> memref<1x8x16xf32, #tpu.memory_space<hbm>>
      %dma_start3A_233 = tpu.memref_squeeze %dma_start3A_232 : memref<1x8x16xf32, #tpu.memory_space<hbm>> -> memref<8x16xf32, #tpu.memory_space<hbm>>
      %dma_start3A_234 = arith.constant 0 : i32
      %dma_start3A_235 = tpu.memref_slice %arg2[%run_scoped3A_140, %mul3A_2, %dma_start3A_234] : memref<32x256x16xf32, #tpu.memory_space<hbm>> -> memref<1x8x16xf32, #tpu.memory_space<hbm>>
      %dma_start3A_236 = tpu.memref_squeeze %dma_start3A_235 : memref<1x8x16xf32, #tpu.memory_space<hbm>> -> memref<8x16xf32, #tpu.memory_space<hbm>>
      tpu.enqueue_dma source(%dma_start3A_236 : memref<8x16xf32, #tpu.memory_space<hbm>>) target(%arg4 : memref<8x16xf32, #tpu.memory_space<vmem>>) target_semaphore(%run_scoped3A_231 : memref<!tpu.dma_semaphore, #tpu.memory_space<semaphore_mem>>)
      %dma_wait3A = arith.constant 0 : i32
      %dma_wait3A_237 = tpu.memref_slice %arg2[%run_scoped3A_140, %mul3A_2, %dma_wait3A] : memref<32x256x16xf32, #tpu.memory_space<hbm>> -> memref<1x8x16xf32, #tpu.memory_space<hbm>>
      %dma_wait3A_238 = tpu.memref_squeeze %dma_wait3A_237 : memref<1x8x16xf32, #tpu.memory_space<hbm>> -> memref<8x16xf32, #tpu.memory_space<hbm>>
      %dma_wait3A_239 = arith.constant 0 : i32
      %dma_wait3A_240 = tpu.memref_slice %arg2[%run_scoped3A_140, %mul3A_2, %dma_wait3A_239] : memref<32x256x16xf32, #tpu.memory_space<hbm>> -> memref<1x8x16xf32, #tpu.memory_space<hbm>>
      %dma_wait3A_241 = tpu.memref_squeeze %dma_wait3A_240 : memref<1x8x16xf32, #tpu.memory_space<hbm>> -> memref<8x16xf32, #tpu.memory_space<hbm>>
      tpu.wait_dma2 semaphore(%run_scoped3A_231 : memref<!tpu.dma_semaphore, #tpu.memory_space<semaphore_mem>>) src(%dma_wait3A_241 : memref<8x16xf32, #tpu.memory_space<hbm>>) dst(%arg4 : memref<8x16xf32, #tpu.memory_space<vmem>>)
      tpu.yield
    }) : () -> ()
    %scan3A_141 = arith.constant 0 : i32
    %scan3A_142 = arith.constant 0 : i32
    %scan3A_143 = arith.constant 8 : i32
    %scan3A_144 = arith.addi %scan3A_142, %scan3A_143 : i32
    %scan3A_145 = arith.constant 1 : i32
    scf.for %scan3A_231 = %scan3A_142 to %scan3A_144 step %scan3A_145  : i32 {
      %get3A = arith.index_cast %scan3A_231 : i32 to index
      %get3A_232 = arith.constant 0 : index
      %get3A_233 = tpu.vector_load %arg5[%get3A, %get3A_232] {strides = array<i32>} : memref<8x16xf32, #tpu.memory_space<vmem>>, vector<16xf32>,
      %get3A_234 = arith.index_cast %scan3A_231 : i32 to index
      %get3A_235 = arith.constant 0 : index
      %get3A_236 = tpu.vector_load %arg4[%get3A_234, %get3A_235] {strides = array<i32>} : memref<8x16xf32, #tpu.memory_space<vmem>>, vector<16xf32>,
      %add3A_237 = arith.addf %get3A_233, %get3A_236 : vector<16xf32>
      %swap3A = arith.index_cast %scan3A_231 : i32 to index
      %swap3A_238 = arith.constant 0 : index
      %swap3A_239 = tpu.vector_load %arg5[%swap3A, %swap3A_238] {strides = array<i32>} : memref<8x16xf32, #tpu.memory_space<vmem>>, vector<16xf32>,
      tpu.vector_store %arg5[%swap3A, %swap3A_238], %add3A_237 {strides = array<i32>} : memref<8x16xf32, #tpu.memory_space<vmem>>, vector<16xf32>,
    }
    %scan3A_146 = arith.constant 8 : i32
    %run_scoped3A_147 = arith.constant 20 : i32
    "tpu.region"() ({
      %run_scoped3A_231 = tpu.sem_alloc : memref<!tpu.dma_semaphore, #tpu.memory_space<semaphore_mem>>
      %dma_start3A = arith.constant 0 : i32
      %dma_start3A_232 = tpu.memref_slice %arg2[%run_scoped3A_147, %mul3A_2, %dma_start3A] : memref<32x256x16xf32, #tpu.memory_space<hbm>> -> memref<1x8x16xf32, #tpu.memory_space<hbm>>
      %dma_start3A_233 = tpu.memref_squeeze %dma_start3A_232 : memref<1x8x16xf32, #tpu.memory_space<hbm>> -> memref<8x16xf32, #tpu.memory_space<hbm>>
      %dma_start3A_234 = arith.constant 0 : i32
      %dma_start3A_235 = tpu.memref_slice %arg2[%run_scoped3A_147, %mul3A_2, %dma_start3A_234] : memref<32x256x16xf32, #tpu.memory_space<hbm>> -> memref<1x8x16xf32, #tpu.memory_space<hbm>>
      %dma_start3A_236 = tpu.memref_squeeze %dma_start3A_235 : memref<1x8x16xf32, #tpu.memory_space<hbm>> -> memref<8x16xf32, #tpu.memory_space<hbm>>
      tpu.enqueue_dma source(%dma_start3A_236 : memref<8x16xf32, #tpu.memory_space<hbm>>) target(%arg4 : memref<8x16xf32, #tpu.memory_space<vmem>>) target_semaphore(%run_scoped3A_231 : memref<!tpu.dma_semaphore, #tpu.memory_space<semaphore_mem>>)
      %dma_wait3A = arith.constant 0 : i32
      %dma_wait3A_237 = tpu.memref_slice %arg2[%run_scoped3A_147, %mul3A_2, %dma_wait3A] : memref<32x256x16xf32, #tpu.memory_space<hbm>> -> memref<1x8x16xf32, #tpu.memory_space<hbm>>
      %dma_wait3A_238 = tpu.memref_squeeze %dma_wait3A_237 : memref<1x8x16xf32, #tpu.memory_space<hbm>> -> memref<8x16xf32, #tpu.memory_space<hbm>>
      %dma_wait3A_239 = arith.constant 0 : i32
      %dma_wait3A_240 = tpu.memref_slice %arg2[%run_scoped3A_147, %mul3A_2, %dma_wait3A_239] : memref<32x256x16xf32, #tpu.memory_space<hbm>> -> memref<1x8x16xf32, #tpu.memory_space<hbm>>
      %dma_wait3A_241 = tpu.memref_squeeze %dma_wait3A_240 : memref<1x8x16xf32, #tpu.memory_space<hbm>> -> memref<8x16xf32, #tpu.memory_space<hbm>>
      tpu.wait_dma2 semaphore(%run_scoped3A_231 : memref<!tpu.dma_semaphore, #tpu.memory_space<semaphore_mem>>) src(%dma_wait3A_241 : memref<8x16xf32, #tpu.memory_space<hbm>>) dst(%arg4 : memref<8x16xf32, #tpu.memory_space<vmem>>)
      tpu.yield
    }) : () -> ()
    %scan3A_148 = arith.constant 0 : i32
    %scan3A_149 = arith.constant 0 : i32
    %scan3A_150 = arith.constant 8 : i32
    %scan3A_151 = arith.addi %scan3A_149, %scan3A_150 : i32
    %scan3A_152 = arith.constant 1 : i32
    scf.for %scan3A_231 = %scan3A_149 to %scan3A_151 step %scan3A_152  : i32 {
      %get3A = arith.index_cast %scan3A_231 : i32 to index
      %get3A_232 = arith.constant 0 : index
      %get3A_233 = tpu.vector_load %arg5[%get3A, %get3A_232] {strides = array<i32>} : memref<8x16xf32, #tpu.memory_space<vmem>>, vector<16xf32>,
      %get3A_234 = arith.index_cast %scan3A_231 : i32 to index
      %get3A_235 = arith.constant 0 : index
      %get3A_236 = tpu.vector_load %arg4[%get3A_234, %get3A_235] {strides = array<i32>} : memref<8x16xf32, #tpu.memory_space<vmem>>, vector<16xf32>,
      %add3A_237 = arith.addf %get3A_233, %get3A_236 : vector<16xf32>
      %swap3A = arith.index_cast %scan3A_231 : i32 to index
      %swap3A_238 = arith.constant 0 : index
      %swap3A_239 = tpu.vector_load %arg5[%swap3A, %swap3A_238] {strides = array<i32>} : memref<8x16xf32, #tpu.memory_space<vmem>>, vector<16xf32>,
      tpu.vector_store %arg5[%swap3A, %swap3A_238], %add3A_237 {strides = array<i32>} : memref<8x16xf32, #tpu.memory_space<vmem>>, vector<16xf32>,
    }
    %scan3A_153 = arith.constant 8 : i32
    %run_scoped3A_154 = arith.constant 21 : i32
    "tpu.region"() ({
      %run_scoped3A_231 = tpu.sem_alloc : memref<!tpu.dma_semaphore, #tpu.memory_space<semaphore_mem>>
      %dma_start3A = arith.constant 0 : i32
      %dma_start3A_232 = tpu.memref_slice %arg2[%run_scoped3A_154, %mul3A_2, %dma_start3A] : memref<32x256x16xf32, #tpu.memory_space<hbm>> -> memref<1x8x16xf32, #tpu.memory_space<hbm>>
      %dma_start3A_233 = tpu.memref_squeeze %dma_start3A_232 : memref<1x8x16xf32, #tpu.memory_space<hbm>> -> memref<8x16xf32, #tpu.memory_space<hbm>>
      %dma_start3A_234 = arith.constant 0 : i32
      %dma_start3A_235 = tpu.memref_slice %arg2[%run_scoped3A_154, %mul3A_2, %dma_start3A_234] : memref<32x256x16xf32, #tpu.memory_space<hbm>> -> memref<1x8x16xf32, #tpu.memory_space<hbm>>
      %dma_start3A_236 = tpu.memref_squeeze %dma_start3A_235 : memref<1x8x16xf32, #tpu.memory_space<hbm>> -> memref<8x16xf32, #tpu.memory_space<hbm>>
      tpu.enqueue_dma source(%dma_start3A_236 : memref<8x16xf32, #tpu.memory_space<hbm>>) target(%arg4 : memref<8x16xf32, #tpu.memory_space<vmem>>) target_semaphore(%run_scoped3A_231 : memref<!tpu.dma_semaphore, #tpu.memory_space<semaphore_mem>>)
      %dma_wait3A = arith.constant 0 : i32
      %dma_wait3A_237 = tpu.memref_slice %arg2[%run_scoped3A_154, %mul3A_2, %dma_wait3A] : memref<32x256x16xf32, #tpu.memory_space<hbm>> -> memref<1x8x16xf32, #tpu.memory_space<hbm>>
      %dma_wait3A_238 = tpu.memref_squeeze %dma_wait3A_237 : memref<1x8x16xf32, #tpu.memory_space<hbm>> -> memref<8x16xf32, #tpu.memory_space<hbm>>
      %dma_wait3A_239 = arith.constant 0 : i32
      %dma_wait3A_240 = tpu.memref_slice %arg2[%run_scoped3A_154, %mul3A_2, %dma_wait3A_239] : memref<32x256x16xf32, #tpu.memory_space<hbm>> -> memref<1x8x16xf32, #tpu.memory_space<hbm>>
      %dma_wait3A_241 = tpu.memref_squeeze %dma_wait3A_240 : memref<1x8x16xf32, #tpu.memory_space<hbm>> -> memref<8x16xf32, #tpu.memory_space<hbm>>
      tpu.wait_dma2 semaphore(%run_scoped3A_231 : memref<!tpu.dma_semaphore, #tpu.memory_space<semaphore_mem>>) src(%dma_wait3A_241 : memref<8x16xf32, #tpu.memory_space<hbm>>) dst(%arg4 : memref<8x16xf32, #tpu.memory_space<vmem>>)
      tpu.yield
    }) : () -> ()
    %scan3A_155 = arith.constant 0 : i32
    %scan3A_156 = arith.constant 0 : i32
    %scan3A_157 = arith.constant 8 : i32
    %scan3A_158 = arith.addi %scan3A_156, %scan3A_157 : i32
    %scan3A_159 = arith.constant 1 : i32
    scf.for %scan3A_231 = %scan3A_156 to %scan3A_158 step %scan3A_159  : i32 {
      %get3A = arith.index_cast %scan3A_231 : i32 to index
      %get3A_232 = arith.constant 0 : index
      %get3A_233 = tpu.vector_load %arg5[%get3A, %get3A_232] {strides = array<i32>} : memref<8x16xf32, #tpu.memory_space<vmem>>, vector<16xf32>,
      %get3A_234 = arith.index_cast %scan3A_231 : i32 to index
      %get3A_235 = arith.constant 0 : index
      %get3A_236 = tpu.vector_load %arg4[%get3A_234, %get3A_235] {strides = array<i32>} : memref<8x16xf32, #tpu.memory_space<vmem>>, vector<16xf32>,
      %add3A_237 = arith.addf %get3A_233, %get3A_236 : vector<16xf32>
      %swap3A = arith.index_cast %scan3A_231 : i32 to index
      %swap3A_238 = arith.constant 0 : index
      %swap3A_239 = tpu.vector_load %arg5[%swap3A, %swap3A_238] {strides = array<i32>} : memref<8x16xf32, #tpu.memory_space<vmem>>, vector<16xf32>,
      tpu.vector_store %arg5[%swap3A, %swap3A_238], %add3A_237 {strides = array<i32>} : memref<8x16xf32, #tpu.memory_space<vmem>>, vector<16xf32>,
    }
    %scan3A_160 = arith.constant 8 : i32
    %run_scoped3A_161 = arith.constant 22 : i32
    "tpu.region"() ({
      %run_scoped3A_231 = tpu.sem_alloc : memref<!tpu.dma_semaphore, #tpu.memory_space<semaphore_mem>>
      %dma_start3A = arith.constant 0 : i32
      %dma_start3A_232 = tpu.memref_slice %arg2[%run_scoped3A_161, %mul3A_2, %dma_start3A] : memref<32x256x16xf32, #tpu.memory_space<hbm>> -> memref<1x8x16xf32, #tpu.memory_space<hbm>>
      %dma_start3A_233 = tpu.memref_squeeze %dma_start3A_232 : memref<1x8x16xf32, #tpu.memory_space<hbm>> -> memref<8x16xf32, #tpu.memory_space<hbm>>
      %dma_start3A_234 = arith.constant 0 : i32
      %dma_start3A_235 = tpu.memref_slice %arg2[%run_scoped3A_161, %mul3A_2, %dma_start3A_234] : memref<32x256x16xf32, #tpu.memory_space<hbm>> -> memref<1x8x16xf32, #tpu.memory_space<hbm>>
      %dma_start3A_236 = tpu.memref_squeeze %dma_start3A_235 : memref<1x8x16xf32, #tpu.memory_space<hbm>> -> memref<8x16xf32, #tpu.memory_space<hbm>>
      tpu.enqueue_dma source(%dma_start3A_236 : memref<8x16xf32, #tpu.memory_space<hbm>>) target(%arg4 : memref<8x16xf32, #tpu.memory_space<vmem>>) target_semaphore(%run_scoped3A_231 : memref<!tpu.dma_semaphore, #tpu.memory_space<semaphore_mem>>)
      %dma_wait3A = arith.constant 0 : i32
      %dma_wait3A_237 = tpu.memref_slice %arg2[%run_scoped3A_161, %mul3A_2, %dma_wait3A] : memref<32x256x16xf32, #tpu.memory_space<hbm>> -> memref<1x8x16xf32, #tpu.memory_space<hbm>>
      %dma_wait3A_238 = tpu.memref_squeeze %dma_wait3A_237 : memref<1x8x16xf32, #tpu.memory_space<hbm>> -> memref<8x16xf32, #tpu.memory_space<hbm>>
      %dma_wait3A_239 = arith.constant 0 : i32
      %dma_wait3A_240 = tpu.memref_slice %arg2[%run_scoped3A_161, %mul3A_2, %dma_wait3A_239] : memref<32x256x16xf32, #tpu.memory_space<hbm>> -> memref<1x8x16xf32, #tpu.memory_space<hbm>>
      %dma_wait3A_241 = tpu.memref_squeeze %dma_wait3A_240 : memref<1x8x16xf32, #tpu.memory_space<hbm>> -> memref<8x16xf32, #tpu.memory_space<hbm>>
      tpu.wait_dma2 semaphore(%run_scoped3A_231 : memref<!tpu.dma_semaphore, #tpu.memory_space<semaphore_mem>>) src(%dma_wait3A_241 : memref<8x16xf32, #tpu.memory_space<hbm>>) dst(%arg4 : memref<8x16xf32, #tpu.memory_space<vmem>>)
      tpu.yield
    }) : () -> ()
    %scan3A_162 = arith.constant 0 : i32
    %scan3A_163 = arith.constant 0 : i32
    %scan3A_164 = arith.constant 8 : i32
    %scan3A_165 = arith.addi %scan3A_163, %scan3A_164 : i32
    %scan3A_166 = arith.constant 1 : i32
    scf.for %scan3A_231 = %scan3A_163 to %scan3A_165 step %scan3A_166  : i32 {
      %get3A = arith.index_cast %scan3A_231 : i32 to index
      %get3A_232 = arith.constant 0 : index
      %get3A_233 = tpu.vector_load %arg5[%get3A, %get3A_232] {strides = array<i32>} : memref<8x16xf32, #tpu.memory_space<vmem>>, vector<16xf32>,
      %get3A_234 = arith.index_cast %scan3A_231 : i32 to index
      %get3A_235 = arith.constant 0 : index
      %get3A_236 = tpu.vector_load %arg4[%get3A_234, %get3A_235] {strides = array<i32>} : memref<8x16xf32, #tpu.memory_space<vmem>>, vector<16xf32>,
      %add3A_237 = arith.addf %get3A_233, %get3A_236 : vector<16xf32>
      %swap3A = arith.index_cast %scan3A_231 : i32 to index
      %swap3A_238 = arith.constant 0 : index
      %swap3A_239 = tpu.vector_load %arg5[%swap3A, %swap3A_238] {strides = array<i32>} : memref<8x16xf32, #tpu.memory_space<vmem>>, vector<16xf32>,
      tpu.vector_store %arg5[%swap3A, %swap3A_238], %add3A_237 {strides = array<i32>} : memref<8x16xf32, #tpu.memory_space<vmem>>, vector<16xf32>,
    }
    %scan3A_167 = arith.constant 8 : i32
    %run_scoped3A_168 = arith.constant 23 : i32
    "tpu.region"() ({
      %run_scoped3A_231 = tpu.sem_alloc : memref<!tpu.dma_semaphore, #tpu.memory_space<semaphore_mem>>
      %dma_start3A = arith.constant 0 : i32
      %dma_start3A_232 = tpu.memref_slice %arg2[%run_scoped3A_168, %mul3A_2, %dma_start3A] : memref<32x256x16xf32, #tpu.memory_space<hbm>> -> memref<1x8x16xf32, #tpu.memory_space<hbm>>
      %dma_start3A_233 = tpu.memref_squeeze %dma_start3A_232 : memref<1x8x16xf32, #tpu.memory_space<hbm>> -> memref<8x16xf32, #tpu.memory_space<hbm>>
      %dma_start3A_234 = arith.constant 0 : i32
      %dma_start3A_235 = tpu.memref_slice %arg2[%run_scoped3A_168, %mul3A_2, %dma_start3A_234] : memref<32x256x16xf32, #tpu.memory_space<hbm>> -> memref<1x8x16xf32, #tpu.memory_space<hbm>>
      %dma_start3A_236 = tpu.memref_squeeze %dma_start3A_235 : memref<1x8x16xf32, #tpu.memory_space<hbm>> -> memref<8x16xf32, #tpu.memory_space<hbm>>
      tpu.enqueue_dma source(%dma_start3A_236 : memref<8x16xf32, #tpu.memory_space<hbm>>) target(%arg4 : memref<8x16xf32, #tpu.memory_space<vmem>>) target_semaphore(%run_scoped3A_231 : memref<!tpu.dma_semaphore, #tpu.memory_space<semaphore_mem>>)
      %dma_wait3A = arith.constant 0 : i32
      %dma_wait3A_237 = tpu.memref_slice %arg2[%run_scoped3A_168, %mul3A_2, %dma_wait3A] : memref<32x256x16xf32, #tpu.memory_space<hbm>> -> memref<1x8x16xf32, #tpu.memory_space<hbm>>
      %dma_wait3A_238 = tpu.memref_squeeze %dma_wait3A_237 : memref<1x8x16xf32, #tpu.memory_space<hbm>> -> memref<8x16xf32, #tpu.memory_space<hbm>>
      %dma_wait3A_239 = arith.constant 0 : i32
      %dma_wait3A_240 = tpu.memref_slice %arg2[%run_scoped3A_168, %mul3A_2, %dma_wait3A_239] : memref<32x256x16xf32, #tpu.memory_space<hbm>> -> memref<1x8x16xf32, #tpu.memory_space<hbm>>
      %dma_wait3A_241 = tpu.memref_squeeze %dma_wait3A_240 : memref<1x8x16xf32, #tpu.memory_space<hbm>> -> memref<8x16xf32, #tpu.memory_space<hbm>>
      tpu.wait_dma2 semaphore(%run_scoped3A_231 : memref<!tpu.dma_semaphore, #tpu.memory_space<semaphore_mem>>) src(%dma_wait3A_241 : memref<8x16xf32, #tpu.memory_space<hbm>>) dst(%arg4 : memref<8x16xf32, #tpu.memory_space<vmem>>)
      tpu.yield
    }) : () -> ()
    %scan3A_169 = arith.constant 0 : i32
    %scan3A_170 = arith.constant 0 : i32
    %scan3A_171 = arith.constant 8 : i32
    %scan3A_172 = arith.addi %scan3A_170, %scan3A_171 : i32
    %scan3A_173 = arith.constant 1 : i32
    scf.for %scan3A_231 = %scan3A_170 to %scan3A_172 step %scan3A_173  : i32 {
      %get3A = arith.index_cast %scan3A_231 : i32 to index
      %get3A_232 = arith.constant 0 : index
      %get3A_233 = tpu.vector_load %arg5[%get3A, %get3A_232] {strides = array<i32>} : memref<8x16xf32, #tpu.memory_space<vmem>>, vector<16xf32>,
      %get3A_234 = arith.index_cast %scan3A_231 : i32 to index
      %get3A_235 = arith.constant 0 : index
      %get3A_236 = tpu.vector_load %arg4[%get3A_234, %get3A_235] {strides = array<i32>} : memref<8x16xf32, #tpu.memory_space<vmem>>, vector<16xf32>,
      %add3A_237 = arith.addf %get3A_233, %get3A_236 : vector<16xf32>
      %swap3A = arith.index_cast %scan3A_231 : i32 to index
      %swap3A_238 = arith.constant 0 : index
      %swap3A_239 = tpu.vector_load %arg5[%swap3A, %swap3A_238] {strides = array<i32>} : memref<8x16xf32, #tpu.memory_space<vmem>>, vector<16xf32>,
      tpu.vector_store %arg5[%swap3A, %swap3A_238], %add3A_237 {strides = array<i32>} : memref<8x16xf32, #tpu.memory_space<vmem>>, vector<16xf32>,
    }
    %scan3A_174 = arith.constant 8 : i32
    %run_scoped3A_175 = arith.constant 24 : i32
    "tpu.region"() ({
      %run_scoped3A_231 = tpu.sem_alloc : memref<!tpu.dma_semaphore, #tpu.memory_space<semaphore_mem>>
      %dma_start3A = arith.constant 0 : i32
      %dma_start3A_232 = tpu.memref_slice %arg2[%run_scoped3A_175, %mul3A_2, %dma_start3A] : memref<32x256x16xf32, #tpu.memory_space<hbm>> -> memref<1x8x16xf32, #tpu.memory_space<hbm>>
      %dma_start3A_233 = tpu.memref_squeeze %dma_start3A_232 : memref<1x8x16xf32, #tpu.memory_space<hbm>> -> memref<8x16xf32, #tpu.memory_space<hbm>>
      %dma_start3A_234 = arith.constant 0 : i32
      %dma_start3A_235 = tpu.memref_slice %arg2[%run_scoped3A_175, %mul3A_2, %dma_start3A_234] : memref<32x256x16xf32, #tpu.memory_space<hbm>> -> memref<1x8x16xf32, #tpu.memory_space<hbm>>
      %dma_start3A_236 = tpu.memref_squeeze %dma_start3A_235 : memref<1x8x16xf32, #tpu.memory_space<hbm>> -> memref<8x16xf32, #tpu.memory_space<hbm>>
      tpu.enqueue_dma source(%dma_start3A_236 : memref<8x16xf32, #tpu.memory_space<hbm>>) target(%arg4 : memref<8x16xf32, #tpu.memory_space<vmem>>) target_semaphore(%run_scoped3A_231 : memref<!tpu.dma_semaphore, #tpu.memory_space<semaphore_mem>>)
      %dma_wait3A = arith.constant 0 : i32
      %dma_wait3A_237 = tpu.memref_slice %arg2[%run_scoped3A_175, %mul3A_2, %dma_wait3A] : memref<32x256x16xf32, #tpu.memory_space<hbm>> -> memref<1x8x16xf32, #tpu.memory_space<hbm>>
      %dma_wait3A_238 = tpu.memref_squeeze %dma_wait3A_237 : memref<1x8x16xf32, #tpu.memory_space<hbm>> -> memref<8x16xf32, #tpu.memory_space<hbm>>
      %dma_wait3A_239 = arith.constant 0 : i32
      %dma_wait3A_240 = tpu.memref_slice %arg2[%run_scoped3A_175, %mul3A_2, %dma_wait3A_239] : memref<32x256x16xf32, #tpu.memory_space<hbm>> -> memref<1x8x16xf32, #tpu.memory_space<hbm>>
      %dma_wait3A_241 = tpu.memref_squeeze %dma_wait3A_240 : memref<1x8x16xf32, #tpu.memory_space<hbm>> -> memref<8x16xf32, #tpu.memory_space<hbm>>
      tpu.wait_dma2 semaphore(%run_scoped3A_231 : memref<!tpu.dma_semaphore, #tpu.memory_space<semaphore_mem>>) src(%dma_wait3A_241 : memref<8x16xf32, #tpu.memory_space<hbm>>) dst(%arg4 : memref<8x16xf32, #tpu.memory_space<vmem>>)
      tpu.yield
    }) : () -> ()
    %scan3A_176 = arith.constant 0 : i32
    %scan3A_177 = arith.constant 0 : i32
    %scan3A_178 = arith.constant 8 : i32
    %scan3A_179 = arith.addi %scan3A_177, %scan3A_178 : i32
    %scan3A_180 = arith.constant 1 : i32
    scf.for %scan3A_231 = %scan3A_177 to %scan3A_179 step %scan3A_180  : i32 {
      %get3A = arith.index_cast %scan3A_231 : i32 to index
      %get3A_232 = arith.constant 0 : index
      %get3A_233 = tpu.vector_load %arg5[%get3A, %get3A_232] {strides = array<i32>} : memref<8x16xf32, #tpu.memory_space<vmem>>, vector<16xf32>,
      %get3A_234 = arith.index_cast %scan3A_231 : i32 to index
      %get3A_235 = arith.constant 0 : index
      %get3A_236 = tpu.vector_load %arg4[%get3A_234, %get3A_235] {strides = array<i32>} : memref<8x16xf32, #tpu.memory_space<vmem>>, vector<16xf32>,
      %add3A_237 = arith.addf %get3A_233, %get3A_236 : vector<16xf32>
      %swap3A = arith.index_cast %scan3A_231 : i32 to index
      %swap3A_238 = arith.constant 0 : index
      %swap3A_239 = tpu.vector_load %arg5[%swap3A, %swap3A_238] {strides = array<i32>} : memref<8x16xf32, #tpu.memory_space<vmem>>, vector<16xf32>,
      tpu.vector_store %arg5[%swap3A, %swap3A_238], %add3A_237 {strides = array<i32>} : memref<8x16xf32, #tpu.memory_space<vmem>>, vector<16xf32>,
    }
    %scan3A_181 = arith.constant 8 : i32
    %run_scoped3A_182 = arith.constant 25 : i32
    "tpu.region"() ({
      %run_scoped3A_231 = tpu.sem_alloc : memref<!tpu.dma_semaphore, #tpu.memory_space<semaphore_mem>>
      %dma_start3A = arith.constant 0 : i32
      %dma_start3A_232 = tpu.memref_slice %arg2[%run_scoped3A_182, %mul3A_2, %dma_start3A] : memref<32x256x16xf32, #tpu.memory_space<hbm>> -> memref<1x8x16xf32, #tpu.memory_space<hbm>>
      %dma_start3A_233 = tpu.memref_squeeze %dma_start3A_232 : memref<1x8x16xf32, #tpu.memory_space<hbm>> -> memref<8x16xf32, #tpu.memory_space<hbm>>
      %dma_start3A_234 = arith.constant 0 : i32
      %dma_start3A_235 = tpu.memref_slice %arg2[%run_scoped3A_182, %mul3A_2, %dma_start3A_234] : memref<32x256x16xf32, #tpu.memory_space<hbm>> -> memref<1x8x16xf32, #tpu.memory_space<hbm>>
      %dma_start3A_236 = tpu.memref_squeeze %dma_start3A_235 : memref<1x8x16xf32, #tpu.memory_space<hbm>> -> memref<8x16xf32, #tpu.memory_space<hbm>>
      tpu.enqueue_dma source(%dma_start3A_236 : memref<8x16xf32, #tpu.memory_space<hbm>>) target(%arg4 : memref<8x16xf32, #tpu.memory_space<vmem>>) target_semaphore(%run_scoped3A_231 : memref<!tpu.dma_semaphore, #tpu.memory_space<semaphore_mem>>)
      %dma_wait3A = arith.constant 0 : i32
      %dma_wait3A_237 = tpu.memref_slice %arg2[%run_scoped3A_182, %mul3A_2, %dma_wait3A] : memref<32x256x16xf32, #tpu.memory_space<hbm>> -> memref<1x8x16xf32, #tpu.memory_space<hbm>>
      %dma_wait3A_238 = tpu.memref_squeeze %dma_wait3A_237 : memref<1x8x16xf32, #tpu.memory_space<hbm>> -> memref<8x16xf32, #tpu.memory_space<hbm>>
      %dma_wait3A_239 = arith.constant 0 : i32
      %dma_wait3A_240 = tpu.memref_slice %arg2[%run_scoped3A_182, %mul3A_2, %dma_wait3A_239] : memref<32x256x16xf32, #tpu.memory_space<hbm>> -> memref<1x8x16xf32, #tpu.memory_space<hbm>>
      %dma_wait3A_241 = tpu.memref_squeeze %dma_wait3A_240 : memref<1x8x16xf32, #tpu.memory_space<hbm>> -> memref<8x16xf32, #tpu.memory_space<hbm>>
      tpu.wait_dma2 semaphore(%run_scoped3A_231 : memref<!tpu.dma_semaphore, #tpu.memory_space<semaphore_mem>>) src(%dma_wait3A_241 : memref<8x16xf32, #tpu.memory_space<hbm>>) dst(%arg4 : memref<8x16xf32, #tpu.memory_space<vmem>>)
      tpu.yield
    }) : () -> ()
    %scan3A_183 = arith.constant 0 : i32
    %scan3A_184 = arith.constant 0 : i32
    %scan3A_185 = arith.constant 8 : i32
    %scan3A_186 = arith.addi %scan3A_184, %scan3A_185 : i32
    %scan3A_187 = arith.constant 1 : i32
    scf.for %scan3A_231 = %scan3A_184 to %scan3A_186 step %scan3A_187  : i32 {
      %get3A = arith.index_cast %scan3A_231 : i32 to index
      %get3A_232 = arith.constant 0 : index
      %get3A_233 = tpu.vector_load %arg5[%get3A, %get3A_232] {strides = array<i32>} : memref<8x16xf32, #tpu.memory_space<vmem>>, vector<16xf32>,
      %get3A_234 = arith.index_cast %scan3A_231 : i32 to index
      %get3A_235 = arith.constant 0 : index
      %get3A_236 = tpu.vector_load %arg4[%get3A_234, %get3A_235] {strides = array<i32>} : memref<8x16xf32, #tpu.memory_space<vmem>>, vector<16xf32>,
      %add3A_237 = arith.addf %get3A_233, %get3A_236 : vector<16xf32>
      %swap3A = arith.index_cast %scan3A_231 : i32 to index
      %swap3A_238 = arith.constant 0 : index
      %swap3A_239 = tpu.vector_load %arg5[%swap3A, %swap3A_238] {strides = array<i32>} : memref<8x16xf32, #tpu.memory_space<vmem>>, vector<16xf32>,
      tpu.vector_store %arg5[%swap3A, %swap3A_238], %add3A_237 {strides = array<i32>} : memref<8x16xf32, #tpu.memory_space<vmem>>, vector<16xf32>,
    }
    %scan3A_188 = arith.constant 8 : i32
    %run_scoped3A_189 = arith.constant 26 : i32
    "tpu.region"() ({
      %run_scoped3A_231 = tpu.sem_alloc : memref<!tpu.dma_semaphore, #tpu.memory_space<semaphore_mem>>
      %dma_start3A = arith.constant 0 : i32
      %dma_start3A_232 = tpu.memref_slice %arg2[%run_scoped3A_189, %mul3A_2, %dma_start3A] : memref<32x256x16xf32, #tpu.memory_space<hbm>> -> memref<1x8x16xf32, #tpu.memory_space<hbm>>
      %dma_start3A_233 = tpu.memref_squeeze %dma_start3A_232 : memref<1x8x16xf32, #tpu.memory_space<hbm>> -> memref<8x16xf32, #tpu.memory_space<hbm>>
      %dma_start3A_234 = arith.constant 0 : i32
      %dma_start3A_235 = tpu.memref_slice %arg2[%run_scoped3A_189, %mul3A_2, %dma_start3A_234] : memref<32x256x16xf32, #tpu.memory_space<hbm>> -> memref<1x8x16xf32, #tpu.memory_space<hbm>>
      %dma_start3A_236 = tpu.memref_squeeze %dma_start3A_235 : memref<1x8x16xf32, #tpu.memory_space<hbm>> -> memref<8x16xf32, #tpu.memory_space<hbm>>
      tpu.enqueue_dma source(%dma_start3A_236 : memref<8x16xf32, #tpu.memory_space<hbm>>) target(%arg4 : memref<8x16xf32, #tpu.memory_space<vmem>>) target_semaphore(%run_scoped3A_231 : memref<!tpu.dma_semaphore, #tpu.memory_space<semaphore_mem>>)
      %dma_wait3A = arith.constant 0 : i32
      %dma_wait3A_237 = tpu.memref_slice %arg2[%run_scoped3A_189, %mul3A_2, %dma_wait3A] : memref<32x256x16xf32, #tpu.memory_space<hbm>> -> memref<1x8x16xf32, #tpu.memory_space<hbm>>
      %dma_wait3A_238 = tpu.memref_squeeze %dma_wait3A_237 : memref<1x8x16xf32, #tpu.memory_space<hbm>> -> memref<8x16xf32, #tpu.memory_space<hbm>>
      %dma_wait3A_239 = arith.constant 0 : i32
      %dma_wait3A_240 = tpu.memref_slice %arg2[%run_scoped3A_189, %mul3A_2, %dma_wait3A_239] : memref<32x256x16xf32, #tpu.memory_space<hbm>> -> memref<1x8x16xf32, #tpu.memory_space<hbm>>
      %dma_wait3A_241 = tpu.memref_squeeze %dma_wait3A_240 : memref<1x8x16xf32, #tpu.memory_space<hbm>> -> memref<8x16xf32, #tpu.memory_space<hbm>>
      tpu.wait_dma2 semaphore(%run_scoped3A_231 : memref<!tpu.dma_semaphore, #tpu.memory_space<semaphore_mem>>) src(%dma_wait3A_241 : memref<8x16xf32, #tpu.memory_space<hbm>>) dst(%arg4 : memref<8x16xf32, #tpu.memory_space<vmem>>)
      tpu.yield
    }) : () -> ()
    %scan3A_190 = arith.constant 0 : i32
    %scan3A_191 = arith.constant 0 : i32
    %scan3A_192 = arith.constant 8 : i32
    %scan3A_193 = arith.addi %scan3A_191, %scan3A_192 : i32
    %scan3A_194 = arith.constant 1 : i32
    scf.for %scan3A_231 = %scan3A_191 to %scan3A_193 step %scan3A_194  : i32 {
      %get3A = arith.index_cast %scan3A_231 : i32 to index
      %get3A_232 = arith.constant 0 : index
      %get3A_233 = tpu.vector_load %arg5[%get3A, %get3A_232] {strides = array<i32>} : memref<8x16xf32, #tpu.memory_space<vmem>>, vector<16xf32>,
      %get3A_234 = arith.index_cast %scan3A_231 : i32 to index
      %get3A_235 = arith.constant 0 : index
      %get3A_236 = tpu.vector_load %arg4[%get3A_234, %get3A_235] {strides = array<i32>} : memref<8x16xf32, #tpu.memory_space<vmem>>, vector<16xf32>,
      %add3A_237 = arith.addf %get3A_233, %get3A_236 : vector<16xf32>
      %swap3A = arith.index_cast %scan3A_231 : i32 to index
      %swap3A_238 = arith.constant 0 : index
      %swap3A_239 = tpu.vector_load %arg5[%swap3A, %swap3A_238] {strides = array<i32>} : memref<8x16xf32, #tpu.memory_space<vmem>>, vector<16xf32>,
      tpu.vector_store %arg5[%swap3A, %swap3A_238], %add3A_237 {strides = array<i32>} : memref<8x16xf32, #tpu.memory_space<vmem>>, vector<16xf32>,
    }
    %scan3A_195 = arith.constant 8 : i32
    %run_scoped3A_196 = arith.constant 27 : i32
    "tpu.region"() ({
      %run_scoped3A_231 = tpu.sem_alloc : memref<!tpu.dma_semaphore, #tpu.memory_space<semaphore_mem>>
      %dma_start3A = arith.constant 0 : i32
      %dma_start3A_232 = tpu.memref_slice %arg2[%run_scoped3A_196, %mul3A_2, %dma_start3A] : memref<32x256x16xf32, #tpu.memory_space<hbm>> -> memref<1x8x16xf32, #tpu.memory_space<hbm>>
      %dma_start3A_233 = tpu.memref_squeeze %dma_start3A_232 : memref<1x8x16xf32, #tpu.memory_space<hbm>> -> memref<8x16xf32, #tpu.memory_space<hbm>>
      %dma_start3A_234 = arith.constant 0 : i32
      %dma_start3A_235 = tpu.memref_slice %arg2[%run_scoped3A_196, %mul3A_2, %dma_start3A_234] : memref<32x256x16xf32, #tpu.memory_space<hbm>> -> memref<1x8x16xf32, #tpu.memory_space<hbm>>
      %dma_start3A_236 = tpu.memref_squeeze %dma_start3A_235 : memref<1x8x16xf32, #tpu.memory_space<hbm>> -> memref<8x16xf32, #tpu.memory_space<hbm>>
      tpu.enqueue_dma source(%dma_start3A_236 : memref<8x16xf32, #tpu.memory_space<hbm>>) target(%arg4 : memref<8x16xf32, #tpu.memory_space<vmem>>) target_semaphore(%run_scoped3A_231 : memref<!tpu.dma_semaphore, #tpu.memory_space<semaphore_mem>>)
      %dma_wait3A = arith.constant 0 : i32
      %dma_wait3A_237 = tpu.memref_slice %arg2[%run_scoped3A_196, %mul3A_2, %dma_wait3A] : memref<32x256x16xf32, #tpu.memory_space<hbm>> -> memref<1x8x16xf32, #tpu.memory_space<hbm>>
      %dma_wait3A_238 = tpu.memref_squeeze %dma_wait3A_237 : memref<1x8x16xf32, #tpu.memory_space<hbm>> -> memref<8x16xf32, #tpu.memory_space<hbm>>
      %dma_wait3A_239 = arith.constant 0 : i32
      %dma_wait3A_240 = tpu.memref_slice %arg2[%run_scoped3A_196, %mul3A_2, %dma_wait3A_239] : memref<32x256x16xf32, #tpu.memory_space<hbm>> -> memref<1x8x16xf32, #tpu.memory_space<hbm>>
      %dma_wait3A_241 = tpu.memref_squeeze %dma_wait3A_240 : memref<1x8x16xf32, #tpu.memory_space<hbm>> -> memref<8x16xf32, #tpu.memory_space<hbm>>
      tpu.wait_dma2 semaphore(%run_scoped3A_231 : memref<!tpu.dma_semaphore, #tpu.memory_space<semaphore_mem>>) src(%dma_wait3A_241 : memref<8x16xf32, #tpu.memory_space<hbm>>) dst(%arg4 : memref<8x16xf32, #tpu.memory_space<vmem>>)
      tpu.yield
    }) : () -> ()
    %scan3A_197 = arith.constant 0 : i32
    %scan3A_198 = arith.constant 0 : i32
    %scan3A_199 = arith.constant 8 : i32
    %scan3A_200 = arith.addi %scan3A_198, %scan3A_199 : i32
    %scan3A_201 = arith.constant 1 : i32
    scf.for %scan3A_231 = %scan3A_198 to %scan3A_200 step %scan3A_201  : i32 {
      %get3A = arith.index_cast %scan3A_231 : i32 to index
      %get3A_232 = arith.constant 0 : index
      %get3A_233 = tpu.vector_load %arg5[%get3A, %get3A_232] {strides = array<i32>} : memref<8x16xf32, #tpu.memory_space<vmem>>, vector<16xf32>,
      %get3A_234 = arith.index_cast %scan3A_231 : i32 to index
      %get3A_235 = arith.constant 0 : index
      %get3A_236 = tpu.vector_load %arg4[%get3A_234, %get3A_235] {strides = array<i32>} : memref<8x16xf32, #tpu.memory_space<vmem>>, vector<16xf32>,
      %add3A_237 = arith.addf %get3A_233, %get3A_236 : vector<16xf32>
      %swap3A = arith.index_cast %scan3A_231 : i32 to index
      %swap3A_238 = arith.constant 0 : index
      %swap3A_239 = tpu.vector_load %arg5[%swap3A, %swap3A_238] {strides = array<i32>} : memref<8x16xf32, #tpu.memory_space<vmem>>, vector<16xf32>,
      tpu.vector_store %arg5[%swap3A, %swap3A_238], %add3A_237 {strides = array<i32>} : memref<8x16xf32, #tpu.memory_space<vmem>>, vector<16xf32>,
    }
    %scan3A_202 = arith.constant 8 : i32
    %run_scoped3A_203 = arith.constant 28 : i32
    "tpu.region"() ({
      %run_scoped3A_231 = tpu.sem_alloc : memref<!tpu.dma_semaphore, #tpu.memory_space<semaphore_mem>>
      %dma_start3A = arith.constant 0 : i32
      %dma_start3A_232 = tpu.memref_slice %arg2[%run_scoped3A_203, %mul3A_2, %dma_start3A] : memref<32x256x16xf32, #tpu.memory_space<hbm>> -> memref<1x8x16xf32, #tpu.memory_space<hbm>>
      %dma_start3A_233 = tpu.memref_squeeze %dma_start3A_232 : memref<1x8x16xf32, #tpu.memory_space<hbm>> -> memref<8x16xf32, #tpu.memory_space<hbm>>
      %dma_start3A_234 = arith.constant 0 : i32
      %dma_start3A_235 = tpu.memref_slice %arg2[%run_scoped3A_203, %mul3A_2, %dma_start3A_234] : memref<32x256x16xf32, #tpu.memory_space<hbm>> -> memref<1x8x16xf32, #tpu.memory_space<hbm>>
      %dma_start3A_236 = tpu.memref_squeeze %dma_start3A_235 : memref<1x8x16xf32, #tpu.memory_space<hbm>> -> memref<8x16xf32, #tpu.memory_space<hbm>>
      tpu.enqueue_dma source(%dma_start3A_236 : memref<8x16xf32, #tpu.memory_space<hbm>>) target(%arg4 : memref<8x16xf32, #tpu.memory_space<vmem>>) target_semaphore(%run_scoped3A_231 : memref<!tpu.dma_semaphore, #tpu.memory_space<semaphore_mem>>)
      %dma_wait3A = arith.constant 0 : i32
      %dma_wait3A_237 = tpu.memref_slice %arg2[%run_scoped3A_203, %mul3A_2, %dma_wait3A] : memref<32x256x16xf32, #tpu.memory_space<hbm>> -> memref<1x8x16xf32, #tpu.memory_space<hbm>>
      %dma_wait3A_238 = tpu.memref_squeeze %dma_wait3A_237 : memref<1x8x16xf32, #tpu.memory_space<hbm>> -> memref<8x16xf32, #tpu.memory_space<hbm>>
      %dma_wait3A_239 = arith.constant 0 : i32
      %dma_wait3A_240 = tpu.memref_slice %arg2[%run_scoped3A_203, %mul3A_2, %dma_wait3A_239] : memref<32x256x16xf32, #tpu.memory_space<hbm>> -> memref<1x8x16xf32, #tpu.memory_space<hbm>>
      %dma_wait3A_241 = tpu.memref_squeeze %dma_wait3A_240 : memref<1x8x16xf32, #tpu.memory_space<hbm>> -> memref<8x16xf32, #tpu.memory_space<hbm>>
      tpu.wait_dma2 semaphore(%run_scoped3A_231 : memref<!tpu.dma_semaphore, #tpu.memory_space<semaphore_mem>>) src(%dma_wait3A_241 : memref<8x16xf32, #tpu.memory_space<hbm>>) dst(%arg4 : memref<8x16xf32, #tpu.memory_space<vmem>>)
      tpu.yield
    }) : () -> ()
    %scan3A_204 = arith.constant 0 : i32
    %scan3A_205 = arith.constant 0 : i32
    %scan3A_206 = arith.constant 8 : i32
    %scan3A_207 = arith.addi %scan3A_205, %scan3A_206 : i32
    %scan3A_208 = arith.constant 1 : i32
    scf.for %scan3A_231 = %scan3A_205 to %scan3A_207 step %scan3A_208  : i32 {
      %get3A = arith.index_cast %scan3A_231 : i32 to index
      %get3A_232 = arith.constant 0 : index
      %get3A_233 = tpu.vector_load %arg5[%get3A, %get3A_232] {strides = array<i32>} : memref<8x16xf32, #tpu.memory_space<vmem>>, vector<16xf32>,
      %get3A_234 = arith.index_cast %scan3A_231 : i32 to index
      %get3A_235 = arith.constant 0 : index
      %get3A_236 = tpu.vector_load %arg4[%get3A_234, %get3A_235] {strides = array<i32>} : memref<8x16xf32, #tpu.memory_space<vmem>>, vector<16xf32>,
      %add3A_237 = arith.addf %get3A_233, %get3A_236 : vector<16xf32>
      %swap3A = arith.index_cast %scan3A_231 : i32 to index
      %swap3A_238 = arith.constant 0 : index
      %swap3A_239 = tpu.vector_load %arg5[%swap3A, %swap3A_238] {strides = array<i32>} : memref<8x16xf32, #tpu.memory_space<vmem>>, vector<16xf32>,
      tpu.vector_store %arg5[%swap3A, %swap3A_238], %add3A_237 {strides = array<i32>} : memref<8x16xf32, #tpu.memory_space<vmem>>, vector<16xf32>,
    }
    %scan3A_209 = arith.constant 8 : i32
    %run_scoped3A_210 = arith.constant 29 : i32
    "tpu.region"() ({
      %run_scoped3A_231 = tpu.sem_alloc : memref<!tpu.dma_semaphore, #tpu.memory_space<semaphore_mem>>
      %dma_start3A = arith.constant 0 : i32
      %dma_start3A_232 = tpu.memref_slice %arg2[%run_scoped3A_210, %mul3A_2, %dma_start3A] : memref<32x256x16xf32, #tpu.memory_space<hbm>> -> memref<1x8x16xf32, #tpu.memory_space<hbm>>
      %dma_start3A_233 = tpu.memref_squeeze %dma_start3A_232 : memref<1x8x16xf32, #tpu.memory_space<hbm>> -> memref<8x16xf32, #tpu.memory_space<hbm>>
      %dma_start3A_234 = arith.constant 0 : i32
      %dma_start3A_235 = tpu.memref_slice %arg2[%run_scoped3A_210, %mul3A_2, %dma_start3A_234] : memref<32x256x16xf32, #tpu.memory_space<hbm>> -> memref<1x8x16xf32, #tpu.memory_space<hbm>>
      %dma_start3A_236 = tpu.memref_squeeze %dma_start3A_235 : memref<1x8x16xf32, #tpu.memory_space<hbm>> -> memref<8x16xf32, #tpu.memory_space<hbm>>
      tpu.enqueue_dma source(%dma_start3A_236 : memref<8x16xf32, #tpu.memory_space<hbm>>) target(%arg4 : memref<8x16xf32, #tpu.memory_space<vmem>>) target_semaphore(%run_scoped3A_231 : memref<!tpu.dma_semaphore, #tpu.memory_space<semaphore_mem>>)
      %dma_wait3A = arith.constant 0 : i32
      %dma_wait3A_237 = tpu.memref_slice %arg2[%run_scoped3A_210, %mul3A_2, %dma_wait3A] : memref<32x256x16xf32, #tpu.memory_space<hbm>> -> memref<1x8x16xf32, #tpu.memory_space<hbm>>
      %dma_wait3A_238 = tpu.memref_squeeze %dma_wait3A_237 : memref<1x8x16xf32, #tpu.memory_space<hbm>> -> memref<8x16xf32, #tpu.memory_space<hbm>>
      %dma_wait3A_239 = arith.constant 0 : i32
      %dma_wait3A_240 = tpu.memref_slice %arg2[%run_scoped3A_210, %mul3A_2, %dma_wait3A_239] : memref<32x256x16xf32, #tpu.memory_space<hbm>> -> memref<1x8x16xf32, #tpu.memory_space<hbm>>
      %dma_wait3A_241 = tpu.memref_squeeze %dma_wait3A_240 : memref<1x8x16xf32, #tpu.memory_space<hbm>> -> memref<8x16xf32, #tpu.memory_space<hbm>>
      tpu.wait_dma2 semaphore(%run_scoped3A_231 : memref<!tpu.dma_semaphore, #tpu.memory_space<semaphore_mem>>) src(%dma_wait3A_241 : memref<8x16xf32, #tpu.memory_space<hbm>>) dst(%arg4 : memref<8x16xf32, #tpu.memory_space<vmem>>)
      tpu.yield
    }) : () -> ()
    %scan3A_211 = arith.constant 0 : i32
    %scan3A_212 = arith.constant 0 : i32
    %scan3A_213 = arith.constant 8 : i32
    %scan3A_214 = arith.addi %scan3A_212, %scan3A_213 : i32
    %scan3A_215 = arith.constant 1 : i32
    scf.for %scan3A_231 = %scan3A_212 to %scan3A_214 step %scan3A_215  : i32 {
      %get3A = arith.index_cast %scan3A_231 : i32 to index
      %get3A_232 = arith.constant 0 : index
      %get3A_233 = tpu.vector_load %arg5[%get3A, %get3A_232] {strides = array<i32>} : memref<8x16xf32, #tpu.memory_space<vmem>>, vector<16xf32>,
      %get3A_234 = arith.index_cast %scan3A_231 : i32 to index
      %get3A_235 = arith.constant 0 : index
      %get3A_236 = tpu.vector_load %arg4[%get3A_234, %get3A_235] {strides = array<i32>} : memref<8x16xf32, #tpu.memory_space<vmem>>, vector<16xf32>,
      %add3A_237 = arith.addf %get3A_233, %get3A_236 : vector<16xf32>
      %swap3A = arith.index_cast %scan3A_231 : i32 to index
      %swap3A_238 = arith.constant 0 : index
      %swap3A_239 = tpu.vector_load %arg5[%swap3A, %swap3A_238] {strides = array<i32>} : memref<8x16xf32, #tpu.memory_space<vmem>>, vector<16xf32>,
      tpu.vector_store %arg5[%swap3A, %swap3A_238], %add3A_237 {strides = array<i32>} : memref<8x16xf32, #tpu.memory_space<vmem>>, vector<16xf32>,
    }
    %scan3A_216 = arith.constant 8 : i32
    %run_scoped3A_217 = arith.constant 30 : i32
    "tpu.region"() ({
      %run_scoped3A_231 = tpu.sem_alloc : memref<!tpu.dma_semaphore, #tpu.memory_space<semaphore_mem>>
      %dma_start3A = arith.constant 0 : i32
      %dma_start3A_232 = tpu.memref_slice %arg2[%run_scoped3A_217, %mul3A_2, %dma_start3A] : memref<32x256x16xf32, #tpu.memory_space<hbm>> -> memref<1x8x16xf32, #tpu.memory_space<hbm>>
      %dma_start3A_233 = tpu.memref_squeeze %dma_start3A_232 : memref<1x8x16xf32, #tpu.memory_space<hbm>> -> memref<8x16xf32, #tpu.memory_space<hbm>>
      %dma_start3A_234 = arith.constant 0 : i32
      %dma_start3A_235 = tpu.memref_slice %arg2[%run_scoped3A_217, %mul3A_2, %dma_start3A_234] : memref<32x256x16xf32, #tpu.memory_space<hbm>> -> memref<1x8x16xf32, #tpu.memory_space<hbm>>
      %dma_start3A_236 = tpu.memref_squeeze %dma_start3A_235 : memref<1x8x16xf32, #tpu.memory_space<hbm>> -> memref<8x16xf32, #tpu.memory_space<hbm>>
      tpu.enqueue_dma source(%dma_start3A_236 : memref<8x16xf32, #tpu.memory_space<hbm>>) target(%arg4 : memref<8x16xf32, #tpu.memory_space<vmem>>) target_semaphore(%run_scoped3A_231 : memref<!tpu.dma_semaphore, #tpu.memory_space<semaphore_mem>>)
      %dma_wait3A = arith.constant 0 : i32
      %dma_wait3A_237 = tpu.memref_slice %arg2[%run_scoped3A_217, %mul3A_2, %dma_wait3A] : memref<32x256x16xf32, #tpu.memory_space<hbm>> -> memref<1x8x16xf32, #tpu.memory_space<hbm>>
      %dma_wait3A_238 = tpu.memref_squeeze %dma_wait3A_237 : memref<1x8x16xf32, #tpu.memory_space<hbm>> -> memref<8x16xf32, #tpu.memory_space<hbm>>
      %dma_wait3A_239 = arith.constant 0 : i32
      %dma_wait3A_240 = tpu.memref_slice %arg2[%run_scoped3A_217, %mul3A_2, %dma_wait3A_239] : memref<32x256x16xf32, #tpu.memory_space<hbm>> -> memref<1x8x16xf32, #tpu.memory_space<hbm>>
      %dma_wait3A_241 = tpu.memref_squeeze %dma_wait3A_240 : memref<1x8x16xf32, #tpu.memory_space<hbm>> -> memref<8x16xf32, #tpu.memory_space<hbm>>
      tpu.wait_dma2 semaphore(%run_scoped3A_231 : memref<!tpu.dma_semaphore, #tpu.memory_space<semaphore_mem>>) src(%dma_wait3A_241 : memref<8x16xf32, #tpu.memory_space<hbm>>) dst(%arg4 : memref<8x16xf32, #tpu.memory_space<vmem>>)
      tpu.yield
    }) : () -> ()
    %scan3A_218 = arith.constant 0 : i32
    %scan3A_219 = arith.constant 0 : i32
    %scan3A_220 = arith.constant 8 : i32
    %scan3A_221 = arith.addi %scan3A_219, %scan3A_220 : i32
    %scan3A_222 = arith.constant 1 : i32
    scf.for %scan3A_231 = %scan3A_219 to %scan3A_221 step %scan3A_222  : i32 {
      %get3A = arith.index_cast %scan3A_231 : i32 to index
      %get3A_232 = arith.constant 0 : index
      %get3A_233 = tpu.vector_load %arg5[%get3A, %get3A_232] {strides = array<i32>} : memref<8x16xf32, #tpu.memory_space<vmem>>, vector<16xf32>,
      %get3A_234 = arith.index_cast %scan3A_231 : i32 to index
      %get3A_235 = arith.constant 0 : index
      %get3A_236 = tpu.vector_load %arg4[%get3A_234, %get3A_235] {strides = array<i32>} : memref<8x16xf32, #tpu.memory_space<vmem>>, vector<16xf32>,
      %add3A_237 = arith.addf %get3A_233, %get3A_236 : vector<16xf32>
      %swap3A = arith.index_cast %scan3A_231 : i32 to index
      %swap3A_238 = arith.constant 0 : index
      %swap3A_239 = tpu.vector_load %arg5[%swap3A, %swap3A_238] {strides = array<i32>} : memref<8x16xf32, #tpu.memory_space<vmem>>, vector<16xf32>,
      tpu.vector_store %arg5[%swap3A, %swap3A_238], %add3A_237 {strides = array<i32>} : memref<8x16xf32, #tpu.memory_space<vmem>>, vector<16xf32>,
    }
    %scan3A_223 = arith.constant 8 : i32
    %run_scoped3A_224 = arith.constant 31 : i32
    "tpu.region"() ({
      %run_scoped3A_231 = tpu.sem_alloc : memref<!tpu.dma_semaphore, #tpu.memory_space<semaphore_mem>>
      %dma_start3A = arith.constant 0 : i32
      %dma_start3A_232 = tpu.memref_slice %arg2[%run_scoped3A_224, %mul3A_2, %dma_start3A] : memref<32x256x16xf32, #tpu.memory_space<hbm>> -> memref<1x8x16xf32, #tpu.memory_space<hbm>>
      %dma_start3A_233 = tpu.memref_squeeze %dma_start3A_232 : memref<1x8x16xf32, #tpu.memory_space<hbm>> -> memref<8x16xf32, #tpu.memory_space<hbm>>
      %dma_start3A_234 = arith.constant 0 : i32
      %dma_start3A_235 = tpu.memref_slice %arg2[%run_scoped3A_224, %mul3A_2, %dma_start3A_234] : memref<32x256x16xf32, #tpu.memory_space<hbm>> -> memref<1x8x16xf32, #tpu.memory_space<hbm>>
      %dma_start3A_236 = tpu.memref_squeeze %dma_start3A_235 : memref<1x8x16xf32, #tpu.memory_space<hbm>> -> memref<8x16xf32, #tpu.memory_space<hbm>>
      tpu.enqueue_dma source(%dma_start3A_236 : memref<8x16xf32, #tpu.memory_space<hbm>>) target(%arg4 : memref<8x16xf32, #tpu.memory_space<vmem>>) target_semaphore(%run_scoped3A_231 : memref<!tpu.dma_semaphore, #tpu.memory_space<semaphore_mem>>)
      %dma_wait3A = arith.constant 0 : i32
      %dma_wait3A_237 = tpu.memref_slice %arg2[%run_scoped3A_224, %mul3A_2, %dma_wait3A] : memref<32x256x16xf32, #tpu.memory_space<hbm>> -> memref<1x8x16xf32, #tpu.memory_space<hbm>>
      %dma_wait3A_238 = tpu.memref_squeeze %dma_wait3A_237 : memref<1x8x16xf32, #tpu.memory_space<hbm>> -> memref<8x16xf32, #tpu.memory_space<hbm>>
      %dma_wait3A_239 = arith.constant 0 : i32
      %dma_wait3A_240 = tpu.memref_slice %arg2[%run_scoped3A_224, %mul3A_2, %dma_wait3A_239] : memref<32x256x16xf32, #tpu.memory_space<hbm>> -> memref<1x8x16xf32, #tpu.memory_space<hbm>>
      %dma_wait3A_241 = tpu.memref_squeeze %dma_wait3A_240 : memref<1x8x16xf32, #tpu.memory_space<hbm>> -> memref<8x16xf32, #tpu.memory_space<hbm>>
      tpu.wait_dma2 semaphore(%run_scoped3A_231 : memref<!tpu.dma_semaphore, #tpu.memory_space<semaphore_mem>>) src(%dma_wait3A_241 : memref<8x16xf32, #tpu.memory_space<hbm>>) dst(%arg4 : memref<8x16xf32, #tpu.memory_space<vmem>>)
      tpu.yield
    }) : () -> ()
    %scan3A_225 = arith.constant 0 : i32
    %scan3A_226 = arith.constant 0 : i32
    %scan3A_227 = arith.constant 8 : i32
    %scan3A_228 = arith.addi %scan3A_226, %scan3A_227 : i32
    %scan3A_229 = arith.constant 1 : i32
    scf.for %scan3A_231 = %scan3A_226 to %scan3A_228 step %scan3A_229  : i32 {
      %get3A = arith.index_cast %scan3A_231 : i32 to index
      %get3A_232 = arith.constant 0 : index
      %get3A_233 = tpu.vector_load %arg5[%get3A, %get3A_232] {strides = array<i32>} : memref<8x16xf32, #tpu.memory_space<vmem>>, vector<16xf32>,
      %get3A_234 = arith.index_cast %scan3A_231 : i32 to index
      %get3A_235 = arith.constant 0 : index
      %get3A_236 = tpu.vector_load %arg4[%get3A_234, %get3A_235] {strides = array<i32>} : memref<8x16xf32, #tpu.memory_space<vmem>>, vector<16xf32>,
      %add3A_237 = arith.addf %get3A_233, %get3A_236 : vector<16xf32>
      %swap3A = arith.index_cast %scan3A_231 : i32 to index
      %swap3A_238 = arith.constant 0 : index
      %swap3A_239 = tpu.vector_load %arg5[%swap3A, %swap3A_238] {strides = array<i32>} : memref<8x16xf32, #tpu.memory_space<vmem>>, vector<16xf32>,
      tpu.vector_store %arg5[%swap3A, %swap3A_238], %add3A_237 {strides = array<i32>} : memref<8x16xf32, #tpu.memory_space<vmem>>, vector<16xf32>,
    }
    %scan3A_230 = arith.constant 8 : i32
    "tpu.region"() ({
      %run_scoped3A_231 = tpu.sem_alloc : memref<!tpu.dma_semaphore, #tpu.memory_space<semaphore_mem>>
      %dma_start3A = arith.constant 0 : i32
      %dma_start3A_232 = tpu.memref_slice %arg3[%mul3A_2, %dma_start3A] : memref<256x16xf32, #tpu.memory_space<hbm>> -> memref<8x16xf32, #tpu.memory_space<hbm>>
      %dma_start3A_233 = arith.constant 0 : i32
      %dma_start3A_234 = tpu.memref_slice %arg3[%mul3A_2, %dma_start3A_233] : memref<256x16xf32, #tpu.memory_space<hbm>> -> memref<8x16xf32, #tpu.memory_space<hbm>>
      tpu.enqueue_dma source(%arg5 : memref<8x16xf32, #tpu.memory_space<vmem>>) target(%dma_start3A_234 : memref<8x16xf32, #tpu.memory_space<hbm>>) target_semaphore(%run_scoped3A_231 : memref<!tpu.dma_semaphore, #tpu.memory_space<semaphore_mem>>)
      %dma_wait3A = arith.constant 0 : i32
      %dma_wait3A_235 = tpu.memref_slice %arg3[%mul3A_2, %dma_wait3A] : memref<256x16xf32, #tpu.memory_space<hbm>> -> memref<8x16xf32, #tpu.memory_space<hbm>>
      %dma_wait3A_236 = arith.constant 0 : i32
      %dma_wait3A_237 = tpu.memref_slice %arg3[%mul3A_2, %dma_wait3A_236] : memref<256x16xf32, #tpu.memory_space<hbm>> -> memref<8x16xf32, #tpu.memory_space<hbm>>
      tpu.wait_dma2 semaphore(%run_scoped3A_231 : memref<!tpu.dma_semaphore, #tpu.memory_space<semaphore_mem>>) src(%arg5 : memref<8x16xf32, #tpu.memory_space<vmem>>) dst(%dma_wait3A_237 : memref<8x16xf32, #tpu.memory_space<hbm>>)
      tpu.yield
    }) : () -> ()
    return
  }
}

module attributes {stable_mosaic.version = 14 : i64} {
  func.func @_knn_body(%arg0: i32, %arg1: memref<512x2xf32, #tpu.memory_space<vmem>>, %arg2: memref<2x4096xf32, #tpu.memory_space<vmem>>, %arg3: memref<512x16xi32, #tpu.memory_space<vmem>>, %arg4: memref<512x16xf32, #tpu.memory_space<vmem>>, %arg5: memref<16x512xi32, #tpu.memory_space<vmem>>, %arg6: memref<16x512xf32, #tpu.memory_space<vmem>>, %arg7: memref<512x1xf32, #tpu.memory_space<vmem>>) attributes {dimension_semantics = [#tpu.dimension_semantics<arbitrary>], iteration_bounds = array<i64: 8>, scalar_prefetch = 0 : i64, scratch_operands = 0 : i64, tpu.core_type = #tpu.core_type<tc>, window_params = [{transform_indices = @transform_0, window_bounds = array<i64: 512, 2>}, {pipeline_mode = #tpu.pipeline_mode<synchronous>, transform_indices = @transform_1, window_bounds = array<i64: 2, 4096>}, {transform_indices = @transform_2, window_bounds = array<i64: 512, 16>}, {transform_indices = @transform_3, window_bounds = array<i64: 512, 16>}, {transform_indices = @transform_4, window_bounds = array<i64: 16, 512>}, {transform_indices = @transform_5, window_bounds = array<i64: 16, 512>}, {transform_indices = @transform_6, window_bounds = array<i64: 512, 1>}]} {
    %get3A = arith.constant 0 : index
    %get3A_0 = arith.constant 0 : index
    %get3A_1 = vector.load %arg1[%get3A, %get3A_0] : memref<512x2xf32, #tpu.memory_space<vmem>>, vector<512x2xf32>
    %get3A_2 = arith.constant 0 : index
    %get3A_3 = arith.constant 0 : index
    %get3A_4 = vector.load %arg2[%get3A_2, %get3A_3] : memref<2x4096xf32, #tpu.memory_space<vmem>>, vector<2x4096xf32>
    %slice3A = vector.extract_strided_slice %get3A_1 {offsets = [0, 0], sizes = [512, 1], strides = [1, 1]} : vector<512x2xf32> to vector<512x1xf32>
    %slice3A_5 = vector.extract_strided_slice %get3A_1 {offsets = [0, 0], sizes = [512, 1], strides = [1, 1]} : vector<512x2xf32> to vector<512x1xf32>
    %mul3A = arith.mulf %slice3A, %slice3A_5 : vector<512x1xf32>
    %slice3A_6 = vector.extract_strided_slice %get3A_1 {offsets = [0, 1], sizes = [512, 1], strides = [1, 1]} : vector<512x2xf32> to vector<512x1xf32>
    %slice3A_7 = vector.extract_strided_slice %get3A_1 {offsets = [0, 1], sizes = [512, 1], strides = [1, 1]} : vector<512x2xf32> to vector<512x1xf32>
    %mul3A_8 = arith.mulf %slice3A_6, %slice3A_7 : vector<512x1xf32>
    %add3A = arith.addf %mul3A, %mul3A_8 : vector<512x1xf32>
    %slice3A_9 = vector.extract_strided_slice %get3A_4 {offsets = [0, 0], sizes = [1, 4096], strides = [1, 1]} : vector<2x4096xf32> to vector<1x4096xf32>
    %slice3A_10 = vector.extract_strided_slice %get3A_4 {offsets = [0, 0], sizes = [1, 4096], strides = [1, 1]} : vector<2x4096xf32> to vector<1x4096xf32>
    %mul3A_11 = arith.mulf %slice3A_9, %slice3A_10 : vector<1x4096xf32>
    %slice3A_12 = vector.extract_strided_slice %get3A_4 {offsets = [1, 0], sizes = [1, 4096], strides = [1, 1]} : vector<2x4096xf32> to vector<1x4096xf32>
    %slice3A_13 = vector.extract_strided_slice %get3A_4 {offsets = [1, 0], sizes = [1, 4096], strides = [1, 1]} : vector<2x4096xf32> to vector<1x4096xf32>
    %mul3A_14 = arith.mulf %slice3A_12, %slice3A_13 : vector<1x4096xf32>
    %add3A_15 = arith.addf %mul3A_11, %mul3A_14 : vector<1x4096xf32>
    %dot_general3A = arith.constant dense<0.000000e+00> : vector<512x4096xf32>
    %dot_general3A_16 = tpu.matmul %get3A_1, %get3A_4, %dot_general3A {dimension_numbers = #tpu.dot_dimension_numbers<[1], [0], [0], [1], [0, 0, 1, 1], [], []>, transpose_lhs_hint = false} : vector<512x2xf32>, vector<2x4096xf32>, vector<512x4096xf32> -> vector<512x4096xf32>
    %add3A_17 = vector.broadcast %add3A : vector<512x1xf32> to vector<512x4096xf32>
    %add3A_18 = vector.broadcast %add3A_15 : vector<1x4096xf32> to vector<512x4096xf32>
    %add3A_19 = arith.addf %add3A_17, %add3A_18 : vector<512x4096xf32>
    %mul3A_20 = arith.constant 2.000000e+00 : f32
    %mul3A_21 = vector.broadcast %mul3A_20 : f32 to vector<512x4096xf32>
    %mul3A_22 = arith.mulf %mul3A_21, %dot_general3A_16 : vector<512x4096xf32>
    %sub3A = arith.subf %add3A_19, %mul3A_22 : vector<512x4096xf32>
    %max3A = arith.constant 9.99999996E-13 : f32
    %max3A_23 = vector.broadcast %max3A : f32 to vector<512x4096xf32>
    %max3A_24 = arith.maximumf %sub3A, %max3A_23 : vector<512x4096xf32>
    %sqrt3A = math.sqrt %max3A_24 : vector<512x4096xf32>
    %iota3A = tpu.iota {dimensions = array<i32: 1>} : vector<512x4096xi32>
    %iota3A_25 = tpu.iota {dimensions = array<i32: 0>} : vector<512x1xi32>
    %mul3A_26 = arith.constant 512 : i32
    %mul3A_27 = arith.muli %arg0, %mul3A_26 : i32
    %add3A_28 = vector.broadcast %mul3A_27 : i32 to vector<512x1xi32>
    %add3A_29 = arith.addi %iota3A_25, %add3A_28 : vector<512x1xi32>
    %reduce_min3A = arith.constant dense<0x7F800000> : vector<512xf32>
    %reduce_min3A_30 = vector.multi_reduction <minimumf>, %sqrt3A, %reduce_min3A [1] : vector<512x4096xf32> to vector<512xf32>
    %broadcast_in_dim3A = vector.shape_cast %reduce_min3A_30 : vector<512xf32> to vector<512x1xf32>
    %eq3A = vector.broadcast %broadcast_in_dim3A : vector<512x1xf32> to vector<512x4096xf32>
    %eq3A_31 = arith.cmpf oeq, %sqrt3A, %eq3A : vector<512x4096xf32>
    %jit3A = arith.constant 4096 : i32
    %broadcast_in_dim3A_32 = vector.broadcast %jit3A : i32 to vector<512x4096xi32>
    %select_n3A = arith.select %eq3A_31, %iota3A, %broadcast_in_dim3A_32 : vector<512x4096xi1>, vector<512x4096xi32>
    %reduce_min3A_33 = arith.constant dense<2147483647> : vector<512xi32>
    %reduce_min3A_34 = vector.multi_reduction <minsi>, %select_n3A, %reduce_min3A_33 [1] : vector<512x4096xi32> to vector<512xi32>
    %broadcast_in_dim3A_35 = vector.shape_cast %reduce_min3A_34 : vector<512xi32> to vector<512x1xi32>
    %eq3A_36 = vector.broadcast %broadcast_in_dim3A_35 : vector<512x1xi32> to vector<512x4096xi32>
    %eq3A_37 = arith.cmpi eq, %iota3A, %eq3A_36 : vector<512x4096xi32>
    %jit3A_38 = arith.constant 1.000000e+30 : f32
    %broadcast_in_dim3A_39 = vector.broadcast %jit3A_38 : f32 to vector<512x4096xf32>
    %select_n3A_40 = arith.select %eq3A_37, %broadcast_in_dim3A_39, %sqrt3A : vector<512x4096xi1>, vector<512x4096xf32>
    %mul3A_41 = arith.mulf %broadcast_in_dim3A, %broadcast_in_dim3A : vector<512x1xf32>
    %neg3A = arith.constant 0.000000e+00 : f32
    %neg3A_42 = vector.broadcast %neg3A : f32 to vector<512x1xf32>
    %neg3A_43 = arith.subf %neg3A_42, %mul3A_41 : vector<512x1xf32>
    %div3A = arith.constant 2.000000e+00 : f32
    %div3A_44 = vector.broadcast %div3A : f32 to vector<512x1xf32>
    %div3A_45 = arith.divf %neg3A_43, %div3A_44 : vector<512x1xf32>
    %exp3A = math.exp %div3A_45 : vector<512x1xf32>
    %eq3A_46 = arith.cmpi eq, %broadcast_in_dim3A_35, %add3A_29 : vector<512x1xi32>
    %jit3A_47 = arith.constant 0.000000e+00 : f32
    %broadcast_in_dim3A_48 = vector.broadcast %jit3A_47 : f32 to vector<512x1xf32>
    %select_n3A_49 = arith.select %eq3A_46, %broadcast_in_dim3A_48, %exp3A : vector<512x1xi1>, vector<512x1xf32>
    %reduce_min3A_50 = arith.constant dense<0x7F800000> : vector<512xf32>
    %reduce_min3A_51 = vector.multi_reduction <minimumf>, %select_n3A_40, %reduce_min3A_50 [1] : vector<512x4096xf32> to vector<512xf32>
    %broadcast_in_dim3A_52 = vector.shape_cast %reduce_min3A_51 : vector<512xf32> to vector<512x1xf32>
    %eq3A_53 = vector.broadcast %broadcast_in_dim3A_52 : vector<512x1xf32> to vector<512x4096xf32>
    %eq3A_54 = arith.cmpf oeq, %select_n3A_40, %eq3A_53 : vector<512x4096xf32>
    %jit3A_55 = arith.constant 4096 : i32
    %broadcast_in_dim3A_56 = vector.broadcast %jit3A_55 : i32 to vector<512x4096xi32>
    %select_n3A_57 = arith.select %eq3A_54, %iota3A, %broadcast_in_dim3A_56 : vector<512x4096xi1>, vector<512x4096xi32>
    %reduce_min3A_58 = arith.constant dense<2147483647> : vector<512xi32>
    %reduce_min3A_59 = vector.multi_reduction <minsi>, %select_n3A_57, %reduce_min3A_58 [1] : vector<512x4096xi32> to vector<512xi32>
    %broadcast_in_dim3A_60 = vector.shape_cast %reduce_min3A_59 : vector<512xi32> to vector<512x1xi32>
    %eq3A_61 = vector.broadcast %broadcast_in_dim3A_60 : vector<512x1xi32> to vector<512x4096xi32>
    %eq3A_62 = arith.cmpi eq, %iota3A, %eq3A_61 : vector<512x4096xi32>
    %jit3A_63 = arith.constant 1.000000e+30 : f32
    %broadcast_in_dim3A_64 = vector.broadcast %jit3A_63 : f32 to vector<512x4096xf32>
    %select_n3A_65 = arith.select %eq3A_62, %broadcast_in_dim3A_64, %select_n3A_40 : vector<512x4096xi1>, vector<512x4096xf32>
    %mul3A_66 = arith.mulf %broadcast_in_dim3A_52, %broadcast_in_dim3A_52 : vector<512x1xf32>
    %neg3A_67 = arith.constant 0.000000e+00 : f32
    %neg3A_68 = vector.broadcast %neg3A_67 : f32 to vector<512x1xf32>
    %neg3A_69 = arith.subf %neg3A_68, %mul3A_66 : vector<512x1xf32>
    %div3A_70 = arith.constant 2.000000e+00 : f32
    %div3A_71 = vector.broadcast %div3A_70 : f32 to vector<512x1xf32>
    %div3A_72 = arith.divf %neg3A_69, %div3A_71 : vector<512x1xf32>
    %exp3A_73 = math.exp %div3A_72 : vector<512x1xf32>
    %eq3A_74 = arith.cmpi eq, %broadcast_in_dim3A_60, %add3A_29 : vector<512x1xi32>
    %jit3A_75 = arith.constant 0.000000e+00 : f32
    %broadcast_in_dim3A_76 = vector.broadcast %jit3A_75 : f32 to vector<512x1xf32>
    %select_n3A_77 = arith.select %eq3A_74, %broadcast_in_dim3A_76, %exp3A_73 : vector<512x1xi1>, vector<512x1xf32>
    %reduce_min3A_78 = arith.constant dense<0x7F800000> : vector<512xf32>
    %reduce_min3A_79 = vector.multi_reduction <minimumf>, %select_n3A_65, %reduce_min3A_78 [1] : vector<512x4096xf32> to vector<512xf32>
    %broadcast_in_dim3A_80 = vector.shape_cast %reduce_min3A_79 : vector<512xf32> to vector<512x1xf32>
    %eq3A_81 = vector.broadcast %broadcast_in_dim3A_80 : vector<512x1xf32> to vector<512x4096xf32>
    %eq3A_82 = arith.cmpf oeq, %select_n3A_65, %eq3A_81 : vector<512x4096xf32>
    %jit3A_83 = arith.constant 4096 : i32
    %broadcast_in_dim3A_84 = vector.broadcast %jit3A_83 : i32 to vector<512x4096xi32>
    %select_n3A_85 = arith.select %eq3A_82, %iota3A, %broadcast_in_dim3A_84 : vector<512x4096xi1>, vector<512x4096xi32>
    %reduce_min3A_86 = arith.constant dense<2147483647> : vector<512xi32>
    %reduce_min3A_87 = vector.multi_reduction <minsi>, %select_n3A_85, %reduce_min3A_86 [1] : vector<512x4096xi32> to vector<512xi32>
    %broadcast_in_dim3A_88 = vector.shape_cast %reduce_min3A_87 : vector<512xi32> to vector<512x1xi32>
    %eq3A_89 = vector.broadcast %broadcast_in_dim3A_88 : vector<512x1xi32> to vector<512x4096xi32>
    %eq3A_90 = arith.cmpi eq, %iota3A, %eq3A_89 : vector<512x4096xi32>
    %jit3A_91 = arith.constant 1.000000e+30 : f32
    %broadcast_in_dim3A_92 = vector.broadcast %jit3A_91 : f32 to vector<512x4096xf32>
    %select_n3A_93 = arith.select %eq3A_90, %broadcast_in_dim3A_92, %select_n3A_65 : vector<512x4096xi1>, vector<512x4096xf32>
    %mul3A_94 = arith.mulf %broadcast_in_dim3A_80, %broadcast_in_dim3A_80 : vector<512x1xf32>
    %neg3A_95 = arith.constant 0.000000e+00 : f32
    %neg3A_96 = vector.broadcast %neg3A_95 : f32 to vector<512x1xf32>
    %neg3A_97 = arith.subf %neg3A_96, %mul3A_94 : vector<512x1xf32>
    %div3A_98 = arith.constant 2.000000e+00 : f32
    %div3A_99 = vector.broadcast %div3A_98 : f32 to vector<512x1xf32>
    %div3A_100 = arith.divf %neg3A_97, %div3A_99 : vector<512x1xf32>
    %exp3A_101 = math.exp %div3A_100 : vector<512x1xf32>
    %eq3A_102 = arith.cmpi eq, %broadcast_in_dim3A_88, %add3A_29 : vector<512x1xi32>
    %jit3A_103 = arith.constant 0.000000e+00 : f32
    %broadcast_in_dim3A_104 = vector.broadcast %jit3A_103 : f32 to vector<512x1xf32>
    %select_n3A_105 = arith.select %eq3A_102, %broadcast_in_dim3A_104, %exp3A_101 : vector<512x1xi1>, vector<512x1xf32>
    %reduce_min3A_106 = arith.constant dense<0x7F800000> : vector<512xf32>
    %reduce_min3A_107 = vector.multi_reduction <minimumf>, %select_n3A_93, %reduce_min3A_106 [1] : vector<512x4096xf32> to vector<512xf32>
    %broadcast_in_dim3A_108 = vector.shape_cast %reduce_min3A_107 : vector<512xf32> to vector<512x1xf32>
    %eq3A_109 = vector.broadcast %broadcast_in_dim3A_108 : vector<512x1xf32> to vector<512x4096xf32>
    %eq3A_110 = arith.cmpf oeq, %select_n3A_93, %eq3A_109 : vector<512x4096xf32>
    %jit3A_111 = arith.constant 4096 : i32
    %broadcast_in_dim3A_112 = vector.broadcast %jit3A_111 : i32 to vector<512x4096xi32>
    %select_n3A_113 = arith.select %eq3A_110, %iota3A, %broadcast_in_dim3A_112 : vector<512x4096xi1>, vector<512x4096xi32>
    %reduce_min3A_114 = arith.constant dense<2147483647> : vector<512xi32>
    %reduce_min3A_115 = vector.multi_reduction <minsi>, %select_n3A_113, %reduce_min3A_114 [1] : vector<512x4096xi32> to vector<512xi32>
    %broadcast_in_dim3A_116 = vector.shape_cast %reduce_min3A_115 : vector<512xi32> to vector<512x1xi32>
    %eq3A_117 = vector.broadcast %broadcast_in_dim3A_116 : vector<512x1xi32> to vector<512x4096xi32>
    %eq3A_118 = arith.cmpi eq, %iota3A, %eq3A_117 : vector<512x4096xi32>
    %jit3A_119 = arith.constant 1.000000e+30 : f32
    %broadcast_in_dim3A_120 = vector.broadcast %jit3A_119 : f32 to vector<512x4096xf32>
    %select_n3A_121 = arith.select %eq3A_118, %broadcast_in_dim3A_120, %select_n3A_93 : vector<512x4096xi1>, vector<512x4096xf32>
    %mul3A_122 = arith.mulf %broadcast_in_dim3A_108, %broadcast_in_dim3A_108 : vector<512x1xf32>
    %neg3A_123 = arith.constant 0.000000e+00 : f32
    %neg3A_124 = vector.broadcast %neg3A_123 : f32 to vector<512x1xf32>
    %neg3A_125 = arith.subf %neg3A_124, %mul3A_122 : vector<512x1xf32>
    %div3A_126 = arith.constant 2.000000e+00 : f32
    %div3A_127 = vector.broadcast %div3A_126 : f32 to vector<512x1xf32>
    %div3A_128 = arith.divf %neg3A_125, %div3A_127 : vector<512x1xf32>
    %exp3A_129 = math.exp %div3A_128 : vector<512x1xf32>
    %eq3A_130 = arith.cmpi eq, %broadcast_in_dim3A_116, %add3A_29 : vector<512x1xi32>
    %jit3A_131 = arith.constant 0.000000e+00 : f32
    %broadcast_in_dim3A_132 = vector.broadcast %jit3A_131 : f32 to vector<512x1xf32>
    %select_n3A_133 = arith.select %eq3A_130, %broadcast_in_dim3A_132, %exp3A_129 : vector<512x1xi1>, vector<512x1xf32>
    %reduce_min3A_134 = arith.constant dense<0x7F800000> : vector<512xf32>
    %reduce_min3A_135 = vector.multi_reduction <minimumf>, %select_n3A_121, %reduce_min3A_134 [1] : vector<512x4096xf32> to vector<512xf32>
    %broadcast_in_dim3A_136 = vector.shape_cast %reduce_min3A_135 : vector<512xf32> to vector<512x1xf32>
    %eq3A_137 = vector.broadcast %broadcast_in_dim3A_136 : vector<512x1xf32> to vector<512x4096xf32>
    %eq3A_138 = arith.cmpf oeq, %select_n3A_121, %eq3A_137 : vector<512x4096xf32>
    %jit3A_139 = arith.constant 4096 : i32
    %broadcast_in_dim3A_140 = vector.broadcast %jit3A_139 : i32 to vector<512x4096xi32>
    %select_n3A_141 = arith.select %eq3A_138, %iota3A, %broadcast_in_dim3A_140 : vector<512x4096xi1>, vector<512x4096xi32>
    %reduce_min3A_142 = arith.constant dense<2147483647> : vector<512xi32>
    %reduce_min3A_143 = vector.multi_reduction <minsi>, %select_n3A_141, %reduce_min3A_142 [1] : vector<512x4096xi32> to vector<512xi32>
    %broadcast_in_dim3A_144 = vector.shape_cast %reduce_min3A_143 : vector<512xi32> to vector<512x1xi32>
    %eq3A_145 = vector.broadcast %broadcast_in_dim3A_144 : vector<512x1xi32> to vector<512x4096xi32>
    %eq3A_146 = arith.cmpi eq, %iota3A, %eq3A_145 : vector<512x4096xi32>
    %jit3A_147 = arith.constant 1.000000e+30 : f32
    %broadcast_in_dim3A_148 = vector.broadcast %jit3A_147 : f32 to vector<512x4096xf32>
    %select_n3A_149 = arith.select %eq3A_146, %broadcast_in_dim3A_148, %select_n3A_121 : vector<512x4096xi1>, vector<512x4096xf32>
    %mul3A_150 = arith.mulf %broadcast_in_dim3A_136, %broadcast_in_dim3A_136 : vector<512x1xf32>
    %neg3A_151 = arith.constant 0.000000e+00 : f32
    %neg3A_152 = vector.broadcast %neg3A_151 : f32 to vector<512x1xf32>
    %neg3A_153 = arith.subf %neg3A_152, %mul3A_150 : vector<512x1xf32>
    %div3A_154 = arith.constant 2.000000e+00 : f32
    %div3A_155 = vector.broadcast %div3A_154 : f32 to vector<512x1xf32>
    %div3A_156 = arith.divf %neg3A_153, %div3A_155 : vector<512x1xf32>
    %exp3A_157 = math.exp %div3A_156 : vector<512x1xf32>
    %eq3A_158 = arith.cmpi eq, %broadcast_in_dim3A_144, %add3A_29 : vector<512x1xi32>
    %jit3A_159 = arith.constant 0.000000e+00 : f32
    %broadcast_in_dim3A_160 = vector.broadcast %jit3A_159 : f32 to vector<512x1xf32>
    %select_n3A_161 = arith.select %eq3A_158, %broadcast_in_dim3A_160, %exp3A_157 : vector<512x1xi1>, vector<512x1xf32>
    %reduce_min3A_162 = arith.constant dense<0x7F800000> : vector<512xf32>
    %reduce_min3A_163 = vector.multi_reduction <minimumf>, %select_n3A_149, %reduce_min3A_162 [1] : vector<512x4096xf32> to vector<512xf32>
    %broadcast_in_dim3A_164 = vector.shape_cast %reduce_min3A_163 : vector<512xf32> to vector<512x1xf32>
    %eq3A_165 = vector.broadcast %broadcast_in_dim3A_164 : vector<512x1xf32> to vector<512x4096xf32>
    %eq3A_166 = arith.cmpf oeq, %select_n3A_149, %eq3A_165 : vector<512x4096xf32>
    %jit3A_167 = arith.constant 4096 : i32
    %broadcast_in_dim3A_168 = vector.broadcast %jit3A_167 : i32 to vector<512x4096xi32>
    %select_n3A_169 = arith.select %eq3A_166, %iota3A, %broadcast_in_dim3A_168 : vector<512x4096xi1>, vector<512x4096xi32>
    %reduce_min3A_170 = arith.constant dense<2147483647> : vector<512xi32>
    %reduce_min3A_171 = vector.multi_reduction <minsi>, %select_n3A_169, %reduce_min3A_170 [1] : vector<512x4096xi32> to vector<512xi32>
    %broadcast_in_dim3A_172 = vector.shape_cast %reduce_min3A_171 : vector<512xi32> to vector<512x1xi32>
    %eq3A_173 = vector.broadcast %broadcast_in_dim3A_172 : vector<512x1xi32> to vector<512x4096xi32>
    %eq3A_174 = arith.cmpi eq, %iota3A, %eq3A_173 : vector<512x4096xi32>
    %jit3A_175 = arith.constant 1.000000e+30 : f32
    %broadcast_in_dim3A_176 = vector.broadcast %jit3A_175 : f32 to vector<512x4096xf32>
    %select_n3A_177 = arith.select %eq3A_174, %broadcast_in_dim3A_176, %select_n3A_149 : vector<512x4096xi1>, vector<512x4096xf32>
    %mul3A_178 = arith.mulf %broadcast_in_dim3A_164, %broadcast_in_dim3A_164 : vector<512x1xf32>
    %neg3A_179 = arith.constant 0.000000e+00 : f32
    %neg3A_180 = vector.broadcast %neg3A_179 : f32 to vector<512x1xf32>
    %neg3A_181 = arith.subf %neg3A_180, %mul3A_178 : vector<512x1xf32>
    %div3A_182 = arith.constant 2.000000e+00 : f32
    %div3A_183 = vector.broadcast %div3A_182 : f32 to vector<512x1xf32>
    %div3A_184 = arith.divf %neg3A_181, %div3A_183 : vector<512x1xf32>
    %exp3A_185 = math.exp %div3A_184 : vector<512x1xf32>
    %eq3A_186 = arith.cmpi eq, %broadcast_in_dim3A_172, %add3A_29 : vector<512x1xi32>
    %jit3A_187 = arith.constant 0.000000e+00 : f32
    %broadcast_in_dim3A_188 = vector.broadcast %jit3A_187 : f32 to vector<512x1xf32>
    %select_n3A_189 = arith.select %eq3A_186, %broadcast_in_dim3A_188, %exp3A_185 : vector<512x1xi1>, vector<512x1xf32>
    %reduce_min3A_190 = arith.constant dense<0x7F800000> : vector<512xf32>
    %reduce_min3A_191 = vector.multi_reduction <minimumf>, %select_n3A_177, %reduce_min3A_190 [1] : vector<512x4096xf32> to vector<512xf32>
    %broadcast_in_dim3A_192 = vector.shape_cast %reduce_min3A_191 : vector<512xf32> to vector<512x1xf32>
    %eq3A_193 = vector.broadcast %broadcast_in_dim3A_192 : vector<512x1xf32> to vector<512x4096xf32>
    %eq3A_194 = arith.cmpf oeq, %select_n3A_177, %eq3A_193 : vector<512x4096xf32>
    %jit3A_195 = arith.constant 4096 : i32
    %broadcast_in_dim3A_196 = vector.broadcast %jit3A_195 : i32 to vector<512x4096xi32>
    %select_n3A_197 = arith.select %eq3A_194, %iota3A, %broadcast_in_dim3A_196 : vector<512x4096xi1>, vector<512x4096xi32>
    %reduce_min3A_198 = arith.constant dense<2147483647> : vector<512xi32>
    %reduce_min3A_199 = vector.multi_reduction <minsi>, %select_n3A_197, %reduce_min3A_198 [1] : vector<512x4096xi32> to vector<512xi32>
    %broadcast_in_dim3A_200 = vector.shape_cast %reduce_min3A_199 : vector<512xi32> to vector<512x1xi32>
    %eq3A_201 = vector.broadcast %broadcast_in_dim3A_200 : vector<512x1xi32> to vector<512x4096xi32>
    %eq3A_202 = arith.cmpi eq, %iota3A, %eq3A_201 : vector<512x4096xi32>
    %jit3A_203 = arith.constant 1.000000e+30 : f32
    %broadcast_in_dim3A_204 = vector.broadcast %jit3A_203 : f32 to vector<512x4096xf32>
    %select_n3A_205 = arith.select %eq3A_202, %broadcast_in_dim3A_204, %select_n3A_177 : vector<512x4096xi1>, vector<512x4096xf32>
    %mul3A_206 = arith.mulf %broadcast_in_dim3A_192, %broadcast_in_dim3A_192 : vector<512x1xf32>
    %neg3A_207 = arith.constant 0.000000e+00 : f32
    %neg3A_208 = vector.broadcast %neg3A_207 : f32 to vector<512x1xf32>
    %neg3A_209 = arith.subf %neg3A_208, %mul3A_206 : vector<512x1xf32>
    %div3A_210 = arith.constant 2.000000e+00 : f32
    %div3A_211 = vector.broadcast %div3A_210 : f32 to vector<512x1xf32>
    %div3A_212 = arith.divf %neg3A_209, %div3A_211 : vector<512x1xf32>
    %exp3A_213 = math.exp %div3A_212 : vector<512x1xf32>
    %eq3A_214 = arith.cmpi eq, %broadcast_in_dim3A_200, %add3A_29 : vector<512x1xi32>
    %jit3A_215 = arith.constant 0.000000e+00 : f32
    %broadcast_in_dim3A_216 = vector.broadcast %jit3A_215 : f32 to vector<512x1xf32>
    %select_n3A_217 = arith.select %eq3A_214, %broadcast_in_dim3A_216, %exp3A_213 : vector<512x1xi1>, vector<512x1xf32>
    %reduce_min3A_218 = arith.constant dense<0x7F800000> : vector<512xf32>
    %reduce_min3A_219 = vector.multi_reduction <minimumf>, %select_n3A_205, %reduce_min3A_218 [1] : vector<512x4096xf32> to vector<512xf32>
    %broadcast_in_dim3A_220 = vector.shape_cast %reduce_min3A_219 : vector<512xf32> to vector<512x1xf32>
    %eq3A_221 = vector.broadcast %broadcast_in_dim3A_220 : vector<512x1xf32> to vector<512x4096xf32>
    %eq3A_222 = arith.cmpf oeq, %select_n3A_205, %eq3A_221 : vector<512x4096xf32>
    %jit3A_223 = arith.constant 4096 : i32
    %broadcast_in_dim3A_224 = vector.broadcast %jit3A_223 : i32 to vector<512x4096xi32>
    %select_n3A_225 = arith.select %eq3A_222, %iota3A, %broadcast_in_dim3A_224 : vector<512x4096xi1>, vector<512x4096xi32>
    %reduce_min3A_226 = arith.constant dense<2147483647> : vector<512xi32>
    %reduce_min3A_227 = vector.multi_reduction <minsi>, %select_n3A_225, %reduce_min3A_226 [1] : vector<512x4096xi32> to vector<512xi32>
    %broadcast_in_dim3A_228 = vector.shape_cast %reduce_min3A_227 : vector<512xi32> to vector<512x1xi32>
    %eq3A_229 = vector.broadcast %broadcast_in_dim3A_228 : vector<512x1xi32> to vector<512x4096xi32>
    %eq3A_230 = arith.cmpi eq, %iota3A, %eq3A_229 : vector<512x4096xi32>
    %jit3A_231 = arith.constant 1.000000e+30 : f32
    %broadcast_in_dim3A_232 = vector.broadcast %jit3A_231 : f32 to vector<512x4096xf32>
    %select_n3A_233 = arith.select %eq3A_230, %broadcast_in_dim3A_232, %select_n3A_205 : vector<512x4096xi1>, vector<512x4096xf32>
    %mul3A_234 = arith.mulf %broadcast_in_dim3A_220, %broadcast_in_dim3A_220 : vector<512x1xf32>
    %neg3A_235 = arith.constant 0.000000e+00 : f32
    %neg3A_236 = vector.broadcast %neg3A_235 : f32 to vector<512x1xf32>
    %neg3A_237 = arith.subf %neg3A_236, %mul3A_234 : vector<512x1xf32>
    %div3A_238 = arith.constant 2.000000e+00 : f32
    %div3A_239 = vector.broadcast %div3A_238 : f32 to vector<512x1xf32>
    %div3A_240 = arith.divf %neg3A_237, %div3A_239 : vector<512x1xf32>
    %exp3A_241 = math.exp %div3A_240 : vector<512x1xf32>
    %eq3A_242 = arith.cmpi eq, %broadcast_in_dim3A_228, %add3A_29 : vector<512x1xi32>
    %jit3A_243 = arith.constant 0.000000e+00 : f32
    %broadcast_in_dim3A_244 = vector.broadcast %jit3A_243 : f32 to vector<512x1xf32>
    %select_n3A_245 = arith.select %eq3A_242, %broadcast_in_dim3A_244, %exp3A_241 : vector<512x1xi1>, vector<512x1xf32>
    %reduce_min3A_246 = arith.constant dense<0x7F800000> : vector<512xf32>
    %reduce_min3A_247 = vector.multi_reduction <minimumf>, %select_n3A_233, %reduce_min3A_246 [1] : vector<512x4096xf32> to vector<512xf32>
    %broadcast_in_dim3A_248 = vector.shape_cast %reduce_min3A_247 : vector<512xf32> to vector<512x1xf32>
    %eq3A_249 = vector.broadcast %broadcast_in_dim3A_248 : vector<512x1xf32> to vector<512x4096xf32>
    %eq3A_250 = arith.cmpf oeq, %select_n3A_233, %eq3A_249 : vector<512x4096xf32>
    %jit3A_251 = arith.constant 4096 : i32
    %broadcast_in_dim3A_252 = vector.broadcast %jit3A_251 : i32 to vector<512x4096xi32>
    %select_n3A_253 = arith.select %eq3A_250, %iota3A, %broadcast_in_dim3A_252 : vector<512x4096xi1>, vector<512x4096xi32>
    %reduce_min3A_254 = arith.constant dense<2147483647> : vector<512xi32>
    %reduce_min3A_255 = vector.multi_reduction <minsi>, %select_n3A_253, %reduce_min3A_254 [1] : vector<512x4096xi32> to vector<512xi32>
    %broadcast_in_dim3A_256 = vector.shape_cast %reduce_min3A_255 : vector<512xi32> to vector<512x1xi32>
    %mul3A_257 = arith.mulf %broadcast_in_dim3A_248, %broadcast_in_dim3A_248 : vector<512x1xf32>
    %neg3A_258 = arith.constant 0.000000e+00 : f32
    %neg3A_259 = vector.broadcast %neg3A_258 : f32 to vector<512x1xf32>
    %neg3A_260 = arith.subf %neg3A_259, %mul3A_257 : vector<512x1xf32>
    %div3A_261 = arith.constant 2.000000e+00 : f32
    %div3A_262 = vector.broadcast %div3A_261 : f32 to vector<512x1xf32>
    %div3A_263 = arith.divf %neg3A_260, %div3A_262 : vector<512x1xf32>
    %exp3A_264 = math.exp %div3A_263 : vector<512x1xf32>
    %eq3A_265 = arith.cmpi eq, %broadcast_in_dim3A_256, %add3A_29 : vector<512x1xi32>
    %jit3A_266 = arith.constant 0.000000e+00 : f32
    %broadcast_in_dim3A_267 = vector.broadcast %jit3A_266 : f32 to vector<512x1xf32>
    %select_n3A_268 = arith.select %eq3A_265, %broadcast_in_dim3A_267, %exp3A_264 : vector<512x1xi1>, vector<512x1xf32>
    %broadcast_in_dim3A_269 = arith.constant 0.000000e+00 : f32
    %broadcast_in_dim3A_270 = vector.broadcast %broadcast_in_dim3A_269 : f32 to vector<512x1xf32>
    %add3A_271 = arith.addf %select_n3A_49, %select_n3A_77 : vector<512x1xf32>
    %add3A_272 = arith.addf %add3A_271, %select_n3A_105 : vector<512x1xf32>
    %add3A_273 = arith.addf %add3A_272, %select_n3A_133 : vector<512x1xf32>
    %add3A_274 = arith.addf %add3A_273, %select_n3A_161 : vector<512x1xf32>
    %add3A_275 = arith.addf %add3A_274, %select_n3A_189 : vector<512x1xf32>
    %add3A_276 = arith.addf %add3A_275, %select_n3A_217 : vector<512x1xf32>
    %add3A_277 = arith.addf %add3A_276, %select_n3A_245 : vector<512x1xf32>
    %add3A_278 = arith.addf %add3A_277, %select_n3A_268 : vector<512x1xf32>
    %concatenate3A = tpu.concatenate %broadcast_in_dim3A_35, %broadcast_in_dim3A_60, %broadcast_in_dim3A_88, %broadcast_in_dim3A_116, %broadcast_in_dim3A_144, %broadcast_in_dim3A_172, %broadcast_in_dim3A_200, %broadcast_in_dim3A_228, %broadcast_in_dim3A_256, %add3A_29, %add3A_29, %add3A_29, %add3A_29, %add3A_29, %add3A_29, %add3A_29 in 1 : vector<512x1xi32>, vector<512x1xi32>, vector<512x1xi32>, vector<512x1xi32>, vector<512x1xi32>, vector<512x1xi32>, vector<512x1xi32>, vector<512x1xi32>, vector<512x1xi32>, vector<512x1xi32>, vector<512x1xi32>, vector<512x1xi32>, vector<512x1xi32>, vector<512x1xi32>, vector<512x1xi32>, vector<512x1xi32> -> vector<512x16xi32>
    %concatenate3A_279 = tpu.concatenate %select_n3A_49, %select_n3A_77, %select_n3A_105, %select_n3A_133, %select_n3A_161, %select_n3A_189, %select_n3A_217, %select_n3A_245, %select_n3A_268, %broadcast_in_dim3A_270, %broadcast_in_dim3A_270, %broadcast_in_dim3A_270, %broadcast_in_dim3A_270, %broadcast_in_dim3A_270, %broadcast_in_dim3A_270, %broadcast_in_dim3A_270 in 1 : vector<512x1xf32>, vector<512x1xf32>, vector<512x1xf32>, vector<512x1xf32>, vector<512x1xf32>, vector<512x1xf32>, vector<512x1xf32>, vector<512x1xf32>, vector<512x1xf32>, vector<512x1xf32>, vector<512x1xf32>, vector<512x1xf32>, vector<512x1xf32>, vector<512x1xf32>, vector<512x1xf32>, vector<512x1xf32> -> vector<512x16xf32>
    %swap3A = arith.constant 0 : index
    %swap3A_280 = arith.constant 0 : index
    %swap3A_281 = vector.load %arg3[%swap3A, %swap3A_280] : memref<512x16xi32, #tpu.memory_space<vmem>>, vector<512x16xi32>
    tpu.vector_store %arg3[%swap3A, %swap3A_280], %concatenate3A {strides = array<i32>} : memref<512x16xi32, #tpu.memory_space<vmem>>, vector<512x16xi32>,
    %swap3A_282 = arith.constant 0 : index
    %swap3A_283 = arith.constant 0 : index
    %swap3A_284 = vector.load %arg4[%swap3A_282, %swap3A_283] : memref<512x16xf32, #tpu.memory_space<vmem>>, vector<512x16xf32>
    tpu.vector_store %arg4[%swap3A_282, %swap3A_283], %concatenate3A_279 {strides = array<i32>} : memref<512x16xf32, #tpu.memory_space<vmem>>, vector<512x16xf32>,
    %transpose3A = tpu.transpose %concatenate3A, [1, 0] : vector<512x16xi32> -> vector<16x512xi32>
    %swap3A_285 = arith.constant 0 : index
    %swap3A_286 = arith.constant 0 : index
    %swap3A_287 = vector.load %arg5[%swap3A_285, %swap3A_286] : memref<16x512xi32, #tpu.memory_space<vmem>>, vector<16x512xi32>
    tpu.vector_store %arg5[%swap3A_285, %swap3A_286], %transpose3A {strides = array<i32>} : memref<16x512xi32, #tpu.memory_space<vmem>>, vector<16x512xi32>,
    %transpose3A_288 = tpu.transpose %concatenate3A_279, [1, 0] : vector<512x16xf32> -> vector<16x512xf32>
    %swap3A_289 = arith.constant 0 : index
    %swap3A_290 = arith.constant 0 : index
    %swap3A_291 = vector.load %arg6[%swap3A_289, %swap3A_290] : memref<16x512xf32, #tpu.memory_space<vmem>>, vector<16x512xf32>
    tpu.vector_store %arg6[%swap3A_289, %swap3A_290], %transpose3A_288 {strides = array<i32>} : memref<16x512xf32, #tpu.memory_space<vmem>>, vector<16x512xf32>,
    %swap3A_292 = arith.constant 0 : index
    %swap3A_293 = arith.constant 0 : index
    %swap3A_294 = vector.load %arg7[%swap3A_292, %swap3A_293] : memref<512x1xf32, #tpu.memory_space<vmem>>, vector<512x1xf32>
    tpu.vector_store %arg7[%swap3A_292, %swap3A_293], %add3A_278 {strides = array<i32>} : memref<512x1xf32, #tpu.memory_space<vmem>>, vector<512x1xf32>,
    return
  }
  func.func @transform_0(%arg0: i32) -> (i32, i32) {
    %c0_i32 = arith.constant 0 : i32
    %c0_i32_0 = arith.constant 0 : i32
    return %arg0, %c0_i32 : i32, i32
  }
  func.func @transform_1(%arg0: i32) -> (i32, i32) {
    %c0_i32 = arith.constant 0 : i32
    %c0_i32_0 = arith.constant 0 : i32
    %c0_i32_1 = arith.constant 0 : i32
    return %c0_i32, %c0_i32_0 : i32, i32
  }
  func.func @transform_2(%arg0: i32) -> (i32, i32) {
    %c0_i32 = arith.constant 0 : i32
    %c0_i32_0 = arith.constant 0 : i32
    return %arg0, %c0_i32 : i32, i32
  }
  func.func @transform_3(%arg0: i32) -> (i32, i32) {
    %c0_i32 = arith.constant 0 : i32
    %c0_i32_0 = arith.constant 0 : i32
    return %arg0, %c0_i32 : i32, i32
  }
  func.func @transform_4(%arg0: i32) -> (i32, i32) {
    %c0_i32 = arith.constant 0 : i32
    %c0_i32_0 = arith.constant 0 : i32
    return %c0_i32, %arg0 : i32, i32
  }
  func.func @transform_5(%arg0: i32) -> (i32, i32) {
    %c0_i32 = arith.constant 0 : i32
    %c0_i32_0 = arith.constant 0 : i32
    return %c0_i32, %arg0 : i32, i32
  }
  func.func @transform_6(%arg0: i32) -> (i32, i32) {
    %c0_i32 = arith.constant 0 : i32
    %c0_i32_0 = arith.constant 0 : i32
    return %arg0, %c0_i32 : i32, i32
  }
}

module attributes {stable_mosaic.version = 14 : i64} {
  func.func @_enc_body(%arg0: i32, %arg1: memref<512x512xf32, #tpu.memory_space<vmem>>, %arg2: memref<512x512xf32, #tpu.memory_space<vmem>>, %arg3: memref<1x512xf32, #tpu.memory_space<vmem>>, %arg4: memref<512x2xf32, #tpu.memory_space<vmem>>, %arg5: memref<2x512xf32, #tpu.memory_space<vmem>>, %arg6: memref<1x512xf32, #tpu.memory_space<vmem>>, %arg7: memref<512x512xf32, #tpu.memory_space<vmem>>) attributes {dimension_semantics = [#tpu.dimension_semantics<arbitrary>], iteration_bounds = array<i64: 8>, scalar_prefetch = 0 : i64, scratch_operands = 0 : i64, tpu.core_type = #tpu.core_type<tc>, window_params = [{transform_indices = @transform_0, window_bounds = array<i64: 512, 512>}, {pipeline_mode = #tpu.pipeline_mode<synchronous>, transform_indices = @transform_1, window_bounds = array<i64: 512, 512>}, {pipeline_mode = #tpu.pipeline_mode<synchronous>, transform_indices = @transform_2, window_bounds = array<i64: 1, 512>}, {transform_indices = @transform_3, window_bounds = array<i64: 512, 2>}, {pipeline_mode = #tpu.pipeline_mode<synchronous>, transform_indices = @transform_4, window_bounds = array<i64: 2, 512>}, {pipeline_mode = #tpu.pipeline_mode<synchronous>, transform_indices = @transform_5, window_bounds = array<i64: 1, 512>}, {transform_indices = @transform_6, window_bounds = array<i64: 512, 512>}]} {
    %get3A = arith.constant 0 : index
    %get3A_0 = arith.constant 0 : index
    %get3A_1 = vector.load %arg1[%get3A, %get3A_0] : memref<512x512xf32, #tpu.memory_space<vmem>>, vector<512x512xf32>
    %get3A_2 = arith.constant 0 : index
    %get3A_3 = arith.constant 0 : index
    %get3A_4 = vector.load %arg2[%get3A_2, %get3A_3] : memref<512x512xf32, #tpu.memory_space<vmem>>, vector<512x512xf32>
    %dot_general3A = arith.constant dense<0.000000e+00> : vector<512x512xf32>
    %dot_general3A_5 = tpu.matmul %get3A_1, %get3A_4, %dot_general3A {dimension_numbers = #tpu.dot_dimension_numbers<[1], [0], [0], [1], [0, 0, 1, 1], [], []>, transpose_lhs_hint = false} : vector<512x512xf32>, vector<512x512xf32>, vector<512x512xf32> -> vector<512x512xf32>
    %get3A_6 = arith.constant 0 : index
    %get3A_7 = arith.constant 0 : index
    %get3A_8 = vector.load %arg3[%get3A_6, %get3A_7] : memref<1x512xf32, #tpu.memory_space<vmem>>, vector<1x512xf32>
    %add3A = vector.broadcast %get3A_8 : vector<1x512xf32> to vector<512x512xf32>
    %add3A_9 = arith.addf %dot_general3A_5, %add3A : vector<512x512xf32>
    %max3A = arith.constant 0.000000e+00 : f32
    %max3A_10 = vector.broadcast %max3A : f32 to vector<512x512xf32>
    %max3A_11 = arith.maximumf %add3A_9, %max3A_10 : vector<512x512xf32>
    %get3A_12 = arith.constant 0 : index
    %get3A_13 = arith.constant 0 : index
    %get3A_14 = vector.load %arg4[%get3A_12, %get3A_13] : memref<512x2xf32, #tpu.memory_space<vmem>>, vector<512x2xf32>
    %get3A_15 = arith.constant 0 : index
    %get3A_16 = arith.constant 0 : index
    %get3A_17 = vector.load %arg5[%get3A_15, %get3A_16] : memref<2x512xf32, #tpu.memory_space<vmem>>, vector<2x512xf32>
    %slice3A = vector.extract_strided_slice %get3A_14 {offsets = [0, 0], sizes = [512, 1], strides = [1, 1]} : vector<512x2xf32> to vector<512x1xf32>
    %slice3A_18 = vector.extract_strided_slice %get3A_17 {offsets = [0, 0], sizes = [1, 512], strides = [1, 1]} : vector<2x512xf32> to vector<1x512xf32>
    %mul3A = vector.broadcast %slice3A : vector<512x1xf32> to vector<512x512xf32>
    %mul3A_19 = vector.broadcast %slice3A_18 : vector<1x512xf32> to vector<512x512xf32>
    %mul3A_20 = arith.mulf %mul3A, %mul3A_19 : vector<512x512xf32>
    %slice3A_21 = vector.extract_strided_slice %get3A_14 {offsets = [0, 1], sizes = [512, 1], strides = [1, 1]} : vector<512x2xf32> to vector<512x1xf32>
    %slice3A_22 = vector.extract_strided_slice %get3A_17 {offsets = [1, 0], sizes = [1, 512], strides = [1, 1]} : vector<2x512xf32> to vector<1x512xf32>
    %mul3A_23 = vector.broadcast %slice3A_21 : vector<512x1xf32> to vector<512x512xf32>
    %mul3A_24 = vector.broadcast %slice3A_22 : vector<1x512xf32> to vector<512x512xf32>
    %mul3A_25 = arith.mulf %mul3A_23, %mul3A_24 : vector<512x512xf32>
    %add3A_26 = arith.addf %mul3A_20, %mul3A_25 : vector<512x512xf32>
    %get3A_27 = arith.constant 0 : index
    %get3A_28 = arith.constant 0 : index
    %get3A_29 = vector.load %arg6[%get3A_27, %get3A_28] : memref<1x512xf32, #tpu.memory_space<vmem>>, vector<1x512xf32>
    %add3A_30 = vector.broadcast %get3A_29 : vector<1x512xf32> to vector<512x512xf32>
    %add3A_31 = arith.addf %add3A_26, %add3A_30 : vector<512x512xf32>
    %max3A_32 = arith.constant 0.000000e+00 : f32
    %max3A_33 = vector.broadcast %max3A_32 : f32 to vector<512x512xf32>
    %max3A_34 = arith.maximumf %add3A_31, %max3A_33 : vector<512x512xf32>
    %add3A_35 = arith.addf %max3A_11, %max3A_34 : vector<512x512xf32>
    %swap3A = arith.constant 0 : index
    %swap3A_36 = arith.constant 0 : index
    %swap3A_37 = vector.load %arg7[%swap3A, %swap3A_36] : memref<512x512xf32, #tpu.memory_space<vmem>>, vector<512x512xf32>
    tpu.vector_store %arg7[%swap3A, %swap3A_36], %add3A_35 {strides = array<i32>} : memref<512x512xf32, #tpu.memory_space<vmem>>, vector<512x512xf32>,
    return
  }
  func.func @transform_0(%arg0: i32) -> (i32, i32) {
    %c0_i32 = arith.constant 0 : i32
    %c0_i32_0 = arith.constant 0 : i32
    return %arg0, %c0_i32 : i32, i32
  }
  func.func @transform_1(%arg0: i32) -> (i32, i32) {
    %c0_i32 = arith.constant 0 : i32
    %c0_i32_0 = arith.constant 0 : i32
    %c0_i32_1 = arith.constant 0 : i32
    return %c0_i32, %c0_i32_0 : i32, i32
  }
  func.func @transform_2(%arg0: i32) -> (i32, i32) {
    %c0_i32 = arith.constant 0 : i32
    %c0_i32_0 = arith.constant 0 : i32
    %c0_i32_1 = arith.constant 0 : i32
    return %c0_i32, %c0_i32_0 : i32, i32
  }
  func.func @transform_3(%arg0: i32) -> (i32, i32) {
    %c0_i32 = arith.constant 0 : i32
    %c0_i32_0 = arith.constant 0 : i32
    return %arg0, %c0_i32 : i32, i32
  }
  func.func @transform_4(%arg0: i32) -> (i32, i32) {
    %c0_i32 = arith.constant 0 : i32
    %c0_i32_0 = arith.constant 0 : i32
    %c0_i32_1 = arith.constant 0 : i32
    return %c0_i32, %c0_i32_0 : i32, i32
  }
  func.func @transform_5(%arg0: i32) -> (i32, i32) {
    %c0_i32 = arith.constant 0 : i32
    %c0_i32_0 = arith.constant 0 : i32
    %c0_i32_1 = arith.constant 0 : i32
    return %c0_i32, %c0_i32_0 : i32, i32
  }
  func.func @transform_6(%arg0: i32) -> (i32, i32) {
    %c0_i32 = arith.constant 0 : i32
    %c0_i32_0 = arith.constant 0 : i32
    return %arg0, %c0_i32 : i32, i32
  }
}

module attributes {stable_mosaic.version = 14 : i64} {
  func.func @_agg_body(%arg0: i32, %arg1: memref<512x16xi32, #tpu.memory_space<vmem>>, %arg2: memref<512x16xf32, #tpu.memory_space<vmem>>, %arg3: memref<16x4096xi32, #tpu.memory_space<vmem>>, %arg4: memref<16x4096xf32, #tpu.memory_space<vmem>>, %arg5: memref<1x4096xf32, #tpu.memory_space<vmem>>, %arg6: memref<512x1xf32, #tpu.memory_space<vmem>>, %arg7: memref<4096x512xf32, #tpu.memory_space<vmem>>, %arg8: memref<512x512xf32, #tpu.memory_space<vmem>>, %arg9: memref<512x512xf32, #tpu.memory_space<vmem>>, %arg10: memref<1x512xf32, #tpu.memory_space<vmem>>, %arg11: memref<512x512xf32, #tpu.memory_space<vmem>>, %arg12: memref<1x512xf32, #tpu.memory_space<vmem>>, %arg13: memref<512x128xf32, #tpu.memory_space<vmem>>, %arg14: memref<1x128xf32, #tpu.memory_space<vmem>>, %arg15: memref<512x128xf32, #tpu.memory_space<vmem>>) attributes {dimension_semantics = [#tpu.dimension_semantics<arbitrary>], iteration_bounds = array<i64: 8>, scalar_prefetch = 0 : i64, scratch_operands = 0 : i64, tpu.core_type = #tpu.core_type<tc>, window_params = [{transform_indices = @transform_0, window_bounds = array<i64: 512, 16>}, {transform_indices = @transform_1, window_bounds = array<i64: 512, 16>}, {pipeline_mode = #tpu.pipeline_mode<synchronous>, transform_indices = @transform_2, window_bounds = array<i64: 16, 4096>}, {pipeline_mode = #tpu.pipeline_mode<synchronous>, transform_indices = @transform_3, window_bounds = array<i64: 16, 4096>}, {pipeline_mode = #tpu.pipeline_mode<synchronous>, transform_indices = @transform_4, window_bounds = array<i64: 1, 4096>}, {transform_indices = @transform_5, window_bounds = array<i64: 512, 1>}, {pipeline_mode = #tpu.pipeline_mode<synchronous>, transform_indices = @transform_6, window_bounds = array<i64: 4096, 512>}, {transform_indices = @transform_7, window_bounds = array<i64: 512, 512>}, {pipeline_mode = #tpu.pipeline_mode<synchronous>, transform_indices = @transform_8, window_bounds = array<i64: 512, 512>}, {pipeline_mode = #tpu.pipeline_mode<synchronous>, transform_indices = @transform_9, window_bounds = array<i64: 1, 512>}, {pipeline_mode = #tpu.pipeline_mode<synchronous>, transform_indices = @transform_10, window_bounds = array<i64: 512, 512>}, {pipeline_mode = #tpu.pipeline_mode<synchronous>, transform_indices = @transform_11, window_bounds = array<i64: 1, 512>}, {pipeline_mode = #tpu.pipeline_mode<synchronous>, transform_indices = @transform_12, window_bounds = array<i64: 512, 128>}, {pipeline_mode = #tpu.pipeline_mode<synchronous>, transform_indices = @transform_13, window_bounds = array<i64: 1, 128>}, {transform_indices = @transform_14, window_bounds = array<i64: 512, 128>}]} {
    %iota3A = tpu.iota {dimensions = array<i32: 1>} : vector<512x4096xi32>
    %iota3A_0 = tpu.iota {dimensions = array<i32: 0>} : vector<512x1xi32>
    %mul3A = arith.constant 512 : i32
    %mul3A_1 = arith.muli %arg0, %mul3A : i32
    %add3A = vector.broadcast %mul3A_1 : i32 to vector<512x1xi32>
    %add3A_2 = arith.addi %iota3A_0, %add3A : vector<512x1xi32>
    %get3A = arith.constant 0 : index
    %get3A_3 = arith.constant 0 : index
    %get3A_4 = vector.load %arg1[%get3A, %get3A_3] : memref<512x16xi32, #tpu.memory_space<vmem>>, vector<512x16xi32>
    %get3A_5 = arith.constant 0 : index
    %get3A_6 = arith.constant 0 : index
    %get3A_7 = vector.load %arg2[%get3A_5, %get3A_6] : memref<512x16xf32, #tpu.memory_space<vmem>>, vector<512x16xf32>
    %get3A_8 = arith.constant 0 : index
    %get3A_9 = arith.constant 0 : index
    %get3A_10 = vector.load %arg3[%get3A_8, %get3A_9] : memref<16x4096xi32, #tpu.memory_space<vmem>>, vector<16x4096xi32>
    %get3A_11 = arith.constant 0 : index
    %get3A_12 = arith.constant 0 : index
    %get3A_13 = vector.load %arg4[%get3A_11, %get3A_12] : memref<16x4096xf32, #tpu.memory_space<vmem>>, vector<16x4096xf32>
    %broadcast_in_dim3A = arith.constant 0.000000e+00 : f32
    %broadcast_in_dim3A_14 = vector.broadcast %broadcast_in_dim3A : f32 to vector<512x4096xf32>
    %slice3A = vector.extract_strided_slice %get3A_4 {offsets = [0, 0], sizes = [512, 1], strides = [1, 1]} : vector<512x16xi32> to vector<512x1xi32>
    %eq3A = vector.broadcast %slice3A : vector<512x1xi32> to vector<512x4096xi32>
    %eq3A_15 = arith.cmpi eq, %eq3A, %iota3A : vector<512x4096xi32>
    %slice3A_16 = vector.extract_strided_slice %get3A_7 {offsets = [0, 0], sizes = [512, 1], strides = [1, 1]} : vector<512x16xf32> to vector<512x1xf32>
    %jit3A = arith.constant 0.000000e+00 : f32
    %broadcast_in_dim3A_17 = vector.shape_cast %slice3A_16 : vector<512x1xf32> to vector<512x1xf32>
    %broadcast_in_dim3A_18 = vector.broadcast %broadcast_in_dim3A_17 : vector<512x1xf32> to vector<512x4096xf32>
    %broadcast_in_dim3A_19 = vector.broadcast %jit3A : f32 to vector<512x4096xf32>
    %select_n3A = arith.select %eq3A_15, %broadcast_in_dim3A_18, %broadcast_in_dim3A_19 : vector<512x4096xi1>, vector<512x4096xf32>
    %add3A_20 = arith.addf %broadcast_in_dim3A_14, %select_n3A : vector<512x4096xf32>
    %slice3A_21 = vector.extract_strided_slice %get3A_10 {offsets = [0, 0], sizes = [1, 4096], strides = [1, 1]} : vector<16x4096xi32> to vector<1x4096xi32>
    %eq3A_22 = vector.broadcast %slice3A_21 : vector<1x4096xi32> to vector<512x4096xi32>
    %eq3A_23 = vector.broadcast %add3A_2 : vector<512x1xi32> to vector<512x4096xi32>
    %eq3A_24 = arith.cmpi eq, %eq3A_22, %eq3A_23 : vector<512x4096xi32>
    %slice3A_25 = vector.extract_strided_slice %get3A_13 {offsets = [0, 0], sizes = [1, 4096], strides = [1, 1]} : vector<16x4096xf32> to vector<1x4096xf32>
    %jit3A_26 = arith.constant 0.000000e+00 : f32
    %broadcast_in_dim3A_27 = vector.shape_cast %slice3A_25 : vector<1x4096xf32> to vector<1x4096xf32>
    %broadcast_in_dim3A_28 = vector.broadcast %broadcast_in_dim3A_27 : vector<1x4096xf32> to vector<512x4096xf32>
    %broadcast_in_dim3A_29 = vector.broadcast %jit3A_26 : f32 to vector<512x4096xf32>
    %select_n3A_30 = arith.select %eq3A_24, %broadcast_in_dim3A_28, %broadcast_in_dim3A_29 : vector<512x4096xi1>, vector<512x4096xf32>
    %add3A_31 = arith.addf %add3A_20, %select_n3A_30 : vector<512x4096xf32>
    %slice3A_32 = vector.extract_strided_slice %get3A_4 {offsets = [0, 1], sizes = [512, 1], strides = [1, 1]} : vector<512x16xi32> to vector<512x1xi32>
    %eq3A_33 = vector.broadcast %slice3A_32 : vector<512x1xi32> to vector<512x4096xi32>
    %eq3A_34 = arith.cmpi eq, %eq3A_33, %iota3A : vector<512x4096xi32>
    %slice3A_35 = vector.extract_strided_slice %get3A_7 {offsets = [0, 1], sizes = [512, 1], strides = [1, 1]} : vector<512x16xf32> to vector<512x1xf32>
    %jit3A_36 = arith.constant 0.000000e+00 : f32
    %broadcast_in_dim3A_37 = vector.shape_cast %slice3A_35 : vector<512x1xf32> to vector<512x1xf32>
    %broadcast_in_dim3A_38 = vector.broadcast %broadcast_in_dim3A_37 : vector<512x1xf32> to vector<512x4096xf32>
    %broadcast_in_dim3A_39 = vector.broadcast %jit3A_36 : f32 to vector<512x4096xf32>
    %select_n3A_40 = arith.select %eq3A_34, %broadcast_in_dim3A_38, %broadcast_in_dim3A_39 : vector<512x4096xi1>, vector<512x4096xf32>
    %add3A_41 = arith.addf %add3A_31, %select_n3A_40 : vector<512x4096xf32>
    %slice3A_42 = vector.extract_strided_slice %get3A_10 {offsets = [1, 0], sizes = [1, 4096], strides = [1, 1]} : vector<16x4096xi32> to vector<1x4096xi32>
    %eq3A_43 = vector.broadcast %slice3A_42 : vector<1x4096xi32> to vector<512x4096xi32>
    %eq3A_44 = vector.broadcast %add3A_2 : vector<512x1xi32> to vector<512x4096xi32>
    %eq3A_45 = arith.cmpi eq, %eq3A_43, %eq3A_44 : vector<512x4096xi32>
    %slice3A_46 = vector.extract_strided_slice %get3A_13 {offsets = [1, 0], sizes = [1, 4096], strides = [1, 1]} : vector<16x4096xf32> to vector<1x4096xf32>
    %jit3A_47 = arith.constant 0.000000e+00 : f32
    %broadcast_in_dim3A_48 = vector.shape_cast %slice3A_46 : vector<1x4096xf32> to vector<1x4096xf32>
    %broadcast_in_dim3A_49 = vector.broadcast %broadcast_in_dim3A_48 : vector<1x4096xf32> to vector<512x4096xf32>
    %broadcast_in_dim3A_50 = vector.broadcast %jit3A_47 : f32 to vector<512x4096xf32>
    %select_n3A_51 = arith.select %eq3A_45, %broadcast_in_dim3A_49, %broadcast_in_dim3A_50 : vector<512x4096xi1>, vector<512x4096xf32>
    %add3A_52 = arith.addf %add3A_41, %select_n3A_51 : vector<512x4096xf32>
    %slice3A_53 = vector.extract_strided_slice %get3A_4 {offsets = [0, 2], sizes = [512, 1], strides = [1, 1]} : vector<512x16xi32> to vector<512x1xi32>
    %eq3A_54 = vector.broadcast %slice3A_53 : vector<512x1xi32> to vector<512x4096xi32>
    %eq3A_55 = arith.cmpi eq, %eq3A_54, %iota3A : vector<512x4096xi32>
    %slice3A_56 = vector.extract_strided_slice %get3A_7 {offsets = [0, 2], sizes = [512, 1], strides = [1, 1]} : vector<512x16xf32> to vector<512x1xf32>
    %jit3A_57 = arith.constant 0.000000e+00 : f32
    %broadcast_in_dim3A_58 = vector.shape_cast %slice3A_56 : vector<512x1xf32> to vector<512x1xf32>
    %broadcast_in_dim3A_59 = vector.broadcast %broadcast_in_dim3A_58 : vector<512x1xf32> to vector<512x4096xf32>
    %broadcast_in_dim3A_60 = vector.broadcast %jit3A_57 : f32 to vector<512x4096xf32>
    %select_n3A_61 = arith.select %eq3A_55, %broadcast_in_dim3A_59, %broadcast_in_dim3A_60 : vector<512x4096xi1>, vector<512x4096xf32>
    %add3A_62 = arith.addf %add3A_52, %select_n3A_61 : vector<512x4096xf32>
    %slice3A_63 = vector.extract_strided_slice %get3A_10 {offsets = [2, 0], sizes = [1, 4096], strides = [1, 1]} : vector<16x4096xi32> to vector<1x4096xi32>
    %eq3A_64 = vector.broadcast %slice3A_63 : vector<1x4096xi32> to vector<512x4096xi32>
    %eq3A_65 = vector.broadcast %add3A_2 : vector<512x1xi32> to vector<512x4096xi32>
    %eq3A_66 = arith.cmpi eq, %eq3A_64, %eq3A_65 : vector<512x4096xi32>
    %slice3A_67 = vector.extract_strided_slice %get3A_13 {offsets = [2, 0], sizes = [1, 4096], strides = [1, 1]} : vector<16x4096xf32> to vector<1x4096xf32>
    %jit3A_68 = arith.constant 0.000000e+00 : f32
    %broadcast_in_dim3A_69 = vector.shape_cast %slice3A_67 : vector<1x4096xf32> to vector<1x4096xf32>
    %broadcast_in_dim3A_70 = vector.broadcast %broadcast_in_dim3A_69 : vector<1x4096xf32> to vector<512x4096xf32>
    %broadcast_in_dim3A_71 = vector.broadcast %jit3A_68 : f32 to vector<512x4096xf32>
    %select_n3A_72 = arith.select %eq3A_66, %broadcast_in_dim3A_70, %broadcast_in_dim3A_71 : vector<512x4096xi1>, vector<512x4096xf32>
    %add3A_73 = arith.addf %add3A_62, %select_n3A_72 : vector<512x4096xf32>
    %slice3A_74 = vector.extract_strided_slice %get3A_4 {offsets = [0, 3], sizes = [512, 1], strides = [1, 1]} : vector<512x16xi32> to vector<512x1xi32>
    %eq3A_75 = vector.broadcast %slice3A_74 : vector<512x1xi32> to vector<512x4096xi32>
    %eq3A_76 = arith.cmpi eq, %eq3A_75, %iota3A : vector<512x4096xi32>
    %slice3A_77 = vector.extract_strided_slice %get3A_7 {offsets = [0, 3], sizes = [512, 1], strides = [1, 1]} : vector<512x16xf32> to vector<512x1xf32>
    %jit3A_78 = arith.constant 0.000000e+00 : f32
    %broadcast_in_dim3A_79 = vector.shape_cast %slice3A_77 : vector<512x1xf32> to vector<512x1xf32>
    %broadcast_in_dim3A_80 = vector.broadcast %broadcast_in_dim3A_79 : vector<512x1xf32> to vector<512x4096xf32>
    %broadcast_in_dim3A_81 = vector.broadcast %jit3A_78 : f32 to vector<512x4096xf32>
    %select_n3A_82 = arith.select %eq3A_76, %broadcast_in_dim3A_80, %broadcast_in_dim3A_81 : vector<512x4096xi1>, vector<512x4096xf32>
    %add3A_83 = arith.addf %add3A_73, %select_n3A_82 : vector<512x4096xf32>
    %slice3A_84 = vector.extract_strided_slice %get3A_10 {offsets = [3, 0], sizes = [1, 4096], strides = [1, 1]} : vector<16x4096xi32> to vector<1x4096xi32>
    %eq3A_85 = vector.broadcast %slice3A_84 : vector<1x4096xi32> to vector<512x4096xi32>
    %eq3A_86 = vector.broadcast %add3A_2 : vector<512x1xi32> to vector<512x4096xi32>
    %eq3A_87 = arith.cmpi eq, %eq3A_85, %eq3A_86 : vector<512x4096xi32>
    %slice3A_88 = vector.extract_strided_slice %get3A_13 {offsets = [3, 0], sizes = [1, 4096], strides = [1, 1]} : vector<16x4096xf32> to vector<1x4096xf32>
    %jit3A_89 = arith.constant 0.000000e+00 : f32
    %broadcast_in_dim3A_90 = vector.shape_cast %slice3A_88 : vector<1x4096xf32> to vector<1x4096xf32>
    %broadcast_in_dim3A_91 = vector.broadcast %broadcast_in_dim3A_90 : vector<1x4096xf32> to vector<512x4096xf32>
    %broadcast_in_dim3A_92 = vector.broadcast %jit3A_89 : f32 to vector<512x4096xf32>
    %select_n3A_93 = arith.select %eq3A_87, %broadcast_in_dim3A_91, %broadcast_in_dim3A_92 : vector<512x4096xi1>, vector<512x4096xf32>
    %add3A_94 = arith.addf %add3A_83, %select_n3A_93 : vector<512x4096xf32>
    %slice3A_95 = vector.extract_strided_slice %get3A_4 {offsets = [0, 4], sizes = [512, 1], strides = [1, 1]} : vector<512x16xi32> to vector<512x1xi32>
    %eq3A_96 = vector.broadcast %slice3A_95 : vector<512x1xi32> to vector<512x4096xi32>
    %eq3A_97 = arith.cmpi eq, %eq3A_96, %iota3A : vector<512x4096xi32>
    %slice3A_98 = vector.extract_strided_slice %get3A_7 {offsets = [0, 4], sizes = [512, 1], strides = [1, 1]} : vector<512x16xf32> to vector<512x1xf32>
    %jit3A_99 = arith.constant 0.000000e+00 : f32
    %broadcast_in_dim3A_100 = vector.shape_cast %slice3A_98 : vector<512x1xf32> to vector<512x1xf32>
    %broadcast_in_dim3A_101 = vector.broadcast %broadcast_in_dim3A_100 : vector<512x1xf32> to vector<512x4096xf32>
    %broadcast_in_dim3A_102 = vector.broadcast %jit3A_99 : f32 to vector<512x4096xf32>
    %select_n3A_103 = arith.select %eq3A_97, %broadcast_in_dim3A_101, %broadcast_in_dim3A_102 : vector<512x4096xi1>, vector<512x4096xf32>
    %add3A_104 = arith.addf %add3A_94, %select_n3A_103 : vector<512x4096xf32>
    %slice3A_105 = vector.extract_strided_slice %get3A_10 {offsets = [4, 0], sizes = [1, 4096], strides = [1, 1]} : vector<16x4096xi32> to vector<1x4096xi32>
    %eq3A_106 = vector.broadcast %slice3A_105 : vector<1x4096xi32> to vector<512x4096xi32>
    %eq3A_107 = vector.broadcast %add3A_2 : vector<512x1xi32> to vector<512x4096xi32>
    %eq3A_108 = arith.cmpi eq, %eq3A_106, %eq3A_107 : vector<512x4096xi32>
    %slice3A_109 = vector.extract_strided_slice %get3A_13 {offsets = [4, 0], sizes = [1, 4096], strides = [1, 1]} : vector<16x4096xf32> to vector<1x4096xf32>
    %jit3A_110 = arith.constant 0.000000e+00 : f32
    %broadcast_in_dim3A_111 = vector.shape_cast %slice3A_109 : vector<1x4096xf32> to vector<1x4096xf32>
    %broadcast_in_dim3A_112 = vector.broadcast %broadcast_in_dim3A_111 : vector<1x4096xf32> to vector<512x4096xf32>
    %broadcast_in_dim3A_113 = vector.broadcast %jit3A_110 : f32 to vector<512x4096xf32>
    %select_n3A_114 = arith.select %eq3A_108, %broadcast_in_dim3A_112, %broadcast_in_dim3A_113 : vector<512x4096xi1>, vector<512x4096xf32>
    %add3A_115 = arith.addf %add3A_104, %select_n3A_114 : vector<512x4096xf32>
    %slice3A_116 = vector.extract_strided_slice %get3A_4 {offsets = [0, 5], sizes = [512, 1], strides = [1, 1]} : vector<512x16xi32> to vector<512x1xi32>
    %eq3A_117 = vector.broadcast %slice3A_116 : vector<512x1xi32> to vector<512x4096xi32>
    %eq3A_118 = arith.cmpi eq, %eq3A_117, %iota3A : vector<512x4096xi32>
    %slice3A_119 = vector.extract_strided_slice %get3A_7 {offsets = [0, 5], sizes = [512, 1], strides = [1, 1]} : vector<512x16xf32> to vector<512x1xf32>
    %jit3A_120 = arith.constant 0.000000e+00 : f32
    %broadcast_in_dim3A_121 = vector.shape_cast %slice3A_119 : vector<512x1xf32> to vector<512x1xf32>
    %broadcast_in_dim3A_122 = vector.broadcast %broadcast_in_dim3A_121 : vector<512x1xf32> to vector<512x4096xf32>
    %broadcast_in_dim3A_123 = vector.broadcast %jit3A_120 : f32 to vector<512x4096xf32>
    %select_n3A_124 = arith.select %eq3A_118, %broadcast_in_dim3A_122, %broadcast_in_dim3A_123 : vector<512x4096xi1>, vector<512x4096xf32>
    %add3A_125 = arith.addf %add3A_115, %select_n3A_124 : vector<512x4096xf32>
    %slice3A_126 = vector.extract_strided_slice %get3A_10 {offsets = [5, 0], sizes = [1, 4096], strides = [1, 1]} : vector<16x4096xi32> to vector<1x4096xi32>
    %eq3A_127 = vector.broadcast %slice3A_126 : vector<1x4096xi32> to vector<512x4096xi32>
    %eq3A_128 = vector.broadcast %add3A_2 : vector<512x1xi32> to vector<512x4096xi32>
    %eq3A_129 = arith.cmpi eq, %eq3A_127, %eq3A_128 : vector<512x4096xi32>
    %slice3A_130 = vector.extract_strided_slice %get3A_13 {offsets = [5, 0], sizes = [1, 4096], strides = [1, 1]} : vector<16x4096xf32> to vector<1x4096xf32>
    %jit3A_131 = arith.constant 0.000000e+00 : f32
    %broadcast_in_dim3A_132 = vector.shape_cast %slice3A_130 : vector<1x4096xf32> to vector<1x4096xf32>
    %broadcast_in_dim3A_133 = vector.broadcast %broadcast_in_dim3A_132 : vector<1x4096xf32> to vector<512x4096xf32>
    %broadcast_in_dim3A_134 = vector.broadcast %jit3A_131 : f32 to vector<512x4096xf32>
    %select_n3A_135 = arith.select %eq3A_129, %broadcast_in_dim3A_133, %broadcast_in_dim3A_134 : vector<512x4096xi1>, vector<512x4096xf32>
    %add3A_136 = arith.addf %add3A_125, %select_n3A_135 : vector<512x4096xf32>
    %slice3A_137 = vector.extract_strided_slice %get3A_4 {offsets = [0, 6], sizes = [512, 1], strides = [1, 1]} : vector<512x16xi32> to vector<512x1xi32>
    %eq3A_138 = vector.broadcast %slice3A_137 : vector<512x1xi32> to vector<512x4096xi32>
    %eq3A_139 = arith.cmpi eq, %eq3A_138, %iota3A : vector<512x4096xi32>
    %slice3A_140 = vector.extract_strided_slice %get3A_7 {offsets = [0, 6], sizes = [512, 1], strides = [1, 1]} : vector<512x16xf32> to vector<512x1xf32>
    %jit3A_141 = arith.constant 0.000000e+00 : f32
    %broadcast_in_dim3A_142 = vector.shape_cast %slice3A_140 : vector<512x1xf32> to vector<512x1xf32>
    %broadcast_in_dim3A_143 = vector.broadcast %broadcast_in_dim3A_142 : vector<512x1xf32> to vector<512x4096xf32>
    %broadcast_in_dim3A_144 = vector.broadcast %jit3A_141 : f32 to vector<512x4096xf32>
    %select_n3A_145 = arith.select %eq3A_139, %broadcast_in_dim3A_143, %broadcast_in_dim3A_144 : vector<512x4096xi1>, vector<512x4096xf32>
    %add3A_146 = arith.addf %add3A_136, %select_n3A_145 : vector<512x4096xf32>
    %slice3A_147 = vector.extract_strided_slice %get3A_10 {offsets = [6, 0], sizes = [1, 4096], strides = [1, 1]} : vector<16x4096xi32> to vector<1x4096xi32>
    %eq3A_148 = vector.broadcast %slice3A_147 : vector<1x4096xi32> to vector<512x4096xi32>
    %eq3A_149 = vector.broadcast %add3A_2 : vector<512x1xi32> to vector<512x4096xi32>
    %eq3A_150 = arith.cmpi eq, %eq3A_148, %eq3A_149 : vector<512x4096xi32>
    %slice3A_151 = vector.extract_strided_slice %get3A_13 {offsets = [6, 0], sizes = [1, 4096], strides = [1, 1]} : vector<16x4096xf32> to vector<1x4096xf32>
    %jit3A_152 = arith.constant 0.000000e+00 : f32
    %broadcast_in_dim3A_153 = vector.shape_cast %slice3A_151 : vector<1x4096xf32> to vector<1x4096xf32>
    %broadcast_in_dim3A_154 = vector.broadcast %broadcast_in_dim3A_153 : vector<1x4096xf32> to vector<512x4096xf32>
    %broadcast_in_dim3A_155 = vector.broadcast %jit3A_152 : f32 to vector<512x4096xf32>
    %select_n3A_156 = arith.select %eq3A_150, %broadcast_in_dim3A_154, %broadcast_in_dim3A_155 : vector<512x4096xi1>, vector<512x4096xf32>
    %add3A_157 = arith.addf %add3A_146, %select_n3A_156 : vector<512x4096xf32>
    %slice3A_158 = vector.extract_strided_slice %get3A_4 {offsets = [0, 7], sizes = [512, 1], strides = [1, 1]} : vector<512x16xi32> to vector<512x1xi32>
    %eq3A_159 = vector.broadcast %slice3A_158 : vector<512x1xi32> to vector<512x4096xi32>
    %eq3A_160 = arith.cmpi eq, %eq3A_159, %iota3A : vector<512x4096xi32>
    %slice3A_161 = vector.extract_strided_slice %get3A_7 {offsets = [0, 7], sizes = [512, 1], strides = [1, 1]} : vector<512x16xf32> to vector<512x1xf32>
    %jit3A_162 = arith.constant 0.000000e+00 : f32
    %broadcast_in_dim3A_163 = vector.shape_cast %slice3A_161 : vector<512x1xf32> to vector<512x1xf32>
    %broadcast_in_dim3A_164 = vector.broadcast %broadcast_in_dim3A_163 : vector<512x1xf32> to vector<512x4096xf32>
    %broadcast_in_dim3A_165 = vector.broadcast %jit3A_162 : f32 to vector<512x4096xf32>
    %select_n3A_166 = arith.select %eq3A_160, %broadcast_in_dim3A_164, %broadcast_in_dim3A_165 : vector<512x4096xi1>, vector<512x4096xf32>
    %add3A_167 = arith.addf %add3A_157, %select_n3A_166 : vector<512x4096xf32>
    %slice3A_168 = vector.extract_strided_slice %get3A_10 {offsets = [7, 0], sizes = [1, 4096], strides = [1, 1]} : vector<16x4096xi32> to vector<1x4096xi32>
    %eq3A_169 = vector.broadcast %slice3A_168 : vector<1x4096xi32> to vector<512x4096xi32>
    %eq3A_170 = vector.broadcast %add3A_2 : vector<512x1xi32> to vector<512x4096xi32>
    %eq3A_171 = arith.cmpi eq, %eq3A_169, %eq3A_170 : vector<512x4096xi32>
    %slice3A_172 = vector.extract_strided_slice %get3A_13 {offsets = [7, 0], sizes = [1, 4096], strides = [1, 1]} : vector<16x4096xf32> to vector<1x4096xf32>
    %jit3A_173 = arith.constant 0.000000e+00 : f32
    %broadcast_in_dim3A_174 = vector.shape_cast %slice3A_172 : vector<1x4096xf32> to vector<1x4096xf32>
    %broadcast_in_dim3A_175 = vector.broadcast %broadcast_in_dim3A_174 : vector<1x4096xf32> to vector<512x4096xf32>
    %broadcast_in_dim3A_176 = vector.broadcast %jit3A_173 : f32 to vector<512x4096xf32>
    %select_n3A_177 = arith.select %eq3A_171, %broadcast_in_dim3A_175, %broadcast_in_dim3A_176 : vector<512x4096xi1>, vector<512x4096xf32>
    %add3A_178 = arith.addf %add3A_167, %select_n3A_177 : vector<512x4096xf32>
    %slice3A_179 = vector.extract_strided_slice %get3A_4 {offsets = [0, 8], sizes = [512, 1], strides = [1, 1]} : vector<512x16xi32> to vector<512x1xi32>
    %eq3A_180 = vector.broadcast %slice3A_179 : vector<512x1xi32> to vector<512x4096xi32>
    %eq3A_181 = arith.cmpi eq, %eq3A_180, %iota3A : vector<512x4096xi32>
    %slice3A_182 = vector.extract_strided_slice %get3A_7 {offsets = [0, 8], sizes = [512, 1], strides = [1, 1]} : vector<512x16xf32> to vector<512x1xf32>
    %jit3A_183 = arith.constant 0.000000e+00 : f32
    %broadcast_in_dim3A_184 = vector.shape_cast %slice3A_182 : vector<512x1xf32> to vector<512x1xf32>
    %broadcast_in_dim3A_185 = vector.broadcast %broadcast_in_dim3A_184 : vector<512x1xf32> to vector<512x4096xf32>
    %broadcast_in_dim3A_186 = vector.broadcast %jit3A_183 : f32 to vector<512x4096xf32>
    %select_n3A_187 = arith.select %eq3A_181, %broadcast_in_dim3A_185, %broadcast_in_dim3A_186 : vector<512x4096xi1>, vector<512x4096xf32>
    %add3A_188 = arith.addf %add3A_178, %select_n3A_187 : vector<512x4096xf32>
    %slice3A_189 = vector.extract_strided_slice %get3A_10 {offsets = [8, 0], sizes = [1, 4096], strides = [1, 1]} : vector<16x4096xi32> to vector<1x4096xi32>
    %eq3A_190 = vector.broadcast %slice3A_189 : vector<1x4096xi32> to vector<512x4096xi32>
    %eq3A_191 = vector.broadcast %add3A_2 : vector<512x1xi32> to vector<512x4096xi32>
    %eq3A_192 = arith.cmpi eq, %eq3A_190, %eq3A_191 : vector<512x4096xi32>
    %slice3A_193 = vector.extract_strided_slice %get3A_13 {offsets = [8, 0], sizes = [1, 4096], strides = [1, 1]} : vector<16x4096xf32> to vector<1x4096xf32>
    %jit3A_194 = arith.constant 0.000000e+00 : f32
    %broadcast_in_dim3A_195 = vector.shape_cast %slice3A_193 : vector<1x4096xf32> to vector<1x4096xf32>
    %broadcast_in_dim3A_196 = vector.broadcast %broadcast_in_dim3A_195 : vector<1x4096xf32> to vector<512x4096xf32>
    %broadcast_in_dim3A_197 = vector.broadcast %jit3A_194 : f32 to vector<512x4096xf32>
    %select_n3A_198 = arith.select %eq3A_192, %broadcast_in_dim3A_196, %broadcast_in_dim3A_197 : vector<512x4096xi1>, vector<512x4096xf32>
    %add3A_199 = arith.addf %add3A_188, %select_n3A_198 : vector<512x4096xf32>
    %get3A_200 = arith.constant 0 : index
    %get3A_201 = arith.constant 0 : index
    %get3A_202 = vector.load %arg6[%get3A_200, %get3A_201] : memref<512x1xf32, #tpu.memory_space<vmem>>, vector<512x1xf32>
    %mul3A_203 = arith.constant 5.000000e-01 : f32
    %mul3A_204 = vector.broadcast %mul3A_203 : f32 to vector<512x1xf32>
    %mul3A_205 = arith.mulf %mul3A_204, %get3A_202 : vector<512x1xf32>
    %mul3A_206 = vector.broadcast %mul3A_205 : vector<512x1xf32> to vector<512x4096xf32>
    %mul3A_207 = arith.mulf %add3A_199, %mul3A_206 : vector<512x4096xf32>
    %get3A_208 = arith.constant 0 : index
    %get3A_209 = arith.constant 0 : index
    %get3A_210 = vector.load %arg5[%get3A_208, %get3A_209] : memref<1x4096xf32, #tpu.memory_space<vmem>>, vector<1x4096xf32>
    %mul3A_211 = vector.broadcast %get3A_210 : vector<1x4096xf32> to vector<512x4096xf32>
    %mul3A_212 = arith.mulf %mul3A_207, %mul3A_211 : vector<512x4096xf32>
    %get3A_213 = arith.constant 0 : index
    %get3A_214 = arith.constant 0 : index
    %get3A_215 = vector.load %arg7[%get3A_213, %get3A_214] : memref<4096x512xf32, #tpu.memory_space<vmem>>, vector<4096x512xf32>
    %dot_general3A = arith.constant dense<0.000000e+00> : vector<512x512xf32>
    %dot_general3A_216 = tpu.matmul %mul3A_212, %get3A_215, %dot_general3A {dimension_numbers = #tpu.dot_dimension_numbers<[1], [0], [0], [1], [0, 0, 1, 1], [], []>, transpose_lhs_hint = false} : vector<512x4096xf32>, vector<4096x512xf32>, vector<512x512xf32> -> vector<512x512xf32>
    %get3A_217 = arith.constant 0 : index
    %get3A_218 = arith.constant 0 : index
    %get3A_219 = vector.load %arg9[%get3A_217, %get3A_218] : memref<512x512xf32, #tpu.memory_space<vmem>>, vector<512x512xf32>
    %dot_general3A_220 = arith.constant dense<0.000000e+00> : vector<512x512xf32>
    %dot_general3A_221 = tpu.matmul %dot_general3A_216, %get3A_219, %dot_general3A_220 {dimension_numbers = #tpu.dot_dimension_numbers<[1], [0], [0], [1], [0, 0, 1, 1], [], []>, transpose_lhs_hint = false} : vector<512x512xf32>, vector<512x512xf32>, vector<512x512xf32> -> vector<512x512xf32>
    %get3A_222 = arith.constant 0 : index
    %get3A_223 = arith.constant 0 : index
    %get3A_224 = vector.load %arg10[%get3A_222, %get3A_223] : memref<1x512xf32, #tpu.memory_space<vmem>>, vector<1x512xf32>
    %add3A_225 = vector.broadcast %get3A_224 : vector<1x512xf32> to vector<512x512xf32>
    %add3A_226 = arith.addf %dot_general3A_221, %add3A_225 : vector<512x512xf32>
    %max3A = arith.constant 0.000000e+00 : f32
    %max3A_227 = vector.broadcast %max3A : f32 to vector<512x512xf32>
    %max3A_228 = arith.maximumf %add3A_226, %max3A_227 : vector<512x512xf32>
    %get3A_229 = arith.constant 0 : index
    %get3A_230 = arith.constant 0 : index
    %get3A_231 = vector.load %arg8[%get3A_229, %get3A_230] : memref<512x512xf32, #tpu.memory_space<vmem>>, vector<512x512xf32>
    %get3A_232 = arith.constant 0 : index
    %get3A_233 = arith.constant 0 : index
    %get3A_234 = vector.load %arg11[%get3A_232, %get3A_233] : memref<512x512xf32, #tpu.memory_space<vmem>>, vector<512x512xf32>
    %dot_general3A_235 = arith.constant dense<0.000000e+00> : vector<512x512xf32>
    %dot_general3A_236 = tpu.matmul %get3A_231, %get3A_234, %dot_general3A_235 {dimension_numbers = #tpu.dot_dimension_numbers<[1], [0], [0], [1], [0, 0, 1, 1], [], []>, transpose_lhs_hint = false} : vector<512x512xf32>, vector<512x512xf32>, vector<512x512xf32> -> vector<512x512xf32>
    %get3A_237 = arith.constant 0 : index
    %get3A_238 = arith.constant 0 : index
    %get3A_239 = vector.load %arg12[%get3A_237, %get3A_238] : memref<1x512xf32, #tpu.memory_space<vmem>>, vector<1x512xf32>
    %add3A_240 = vector.broadcast %get3A_239 : vector<1x512xf32> to vector<512x512xf32>
    %add3A_241 = arith.addf %dot_general3A_236, %add3A_240 : vector<512x512xf32>
    %max3A_242 = arith.constant 0.000000e+00 : f32
    %max3A_243 = vector.broadcast %max3A_242 : f32 to vector<512x512xf32>
    %max3A_244 = arith.maximumf %add3A_241, %max3A_243 : vector<512x512xf32>
    %add3A_245 = arith.addf %max3A_228, %max3A_244 : vector<512x512xf32>
    %max3A_246 = arith.constant 0.000000e+00 : f32
    %max3A_247 = vector.broadcast %max3A_246 : f32 to vector<512x512xf32>
    %max3A_248 = arith.maximumf %add3A_245, %max3A_247 : vector<512x512xf32>
    %get3A_249 = arith.constant 0 : index
    %get3A_250 = arith.constant 0 : index
    %get3A_251 = vector.load %arg13[%get3A_249, %get3A_250] : memref<512x128xf32, #tpu.memory_space<vmem>>, vector<512x128xf32>
    %dot_general3A_252 = arith.constant dense<0.000000e+00> : vector<512x128xf32>
    %dot_general3A_253 = tpu.matmul %max3A_248, %get3A_251, %dot_general3A_252 {dimension_numbers = #tpu.dot_dimension_numbers<[1], [0], [0], [1], [0, 0, 1, 1], [], []>, transpose_lhs_hint = false} : vector<512x512xf32>, vector<512x128xf32>, vector<512x128xf32> -> vector<512x128xf32>
    %get3A_254 = arith.constant 0 : index
    %get3A_255 = arith.constant 0 : index
    %get3A_256 = vector.load %arg14[%get3A_254, %get3A_255] : memref<1x128xf32, #tpu.memory_space<vmem>>, vector<1x128xf32>
    %add3A_257 = vector.broadcast %get3A_256 : vector<1x128xf32> to vector<512x128xf32>
    %add3A_258 = arith.addf %dot_general3A_253, %add3A_257 : vector<512x128xf32>
    %swap3A = arith.constant 0 : index
    %swap3A_259 = arith.constant 0 : index
    %swap3A_260 = vector.load %arg15[%swap3A, %swap3A_259] : memref<512x128xf32, #tpu.memory_space<vmem>>, vector<512x128xf32>
    tpu.vector_store %arg15[%swap3A, %swap3A_259], %add3A_258 {strides = array<i32>} : memref<512x128xf32, #tpu.memory_space<vmem>>, vector<512x128xf32>,
    return
  }
  func.func @transform_0(%arg0: i32) -> (i32, i32) {
    %c0_i32 = arith.constant 0 : i32
    %c0_i32_0 = arith.constant 0 : i32
    return %arg0, %c0_i32 : i32, i32
  }
  func.func @transform_1(%arg0: i32) -> (i32, i32) {
    %c0_i32 = arith.constant 0 : i32
    %c0_i32_0 = arith.constant 0 : i32
    return %arg0, %c0_i32 : i32, i32
  }
  func.func @transform_2(%arg0: i32) -> (i32, i32) {
    %c0_i32 = arith.constant 0 : i32
    %c0_i32_0 = arith.constant 0 : i32
    %c0_i32_1 = arith.constant 0 : i32
    return %c0_i32, %c0_i32_0 : i32, i32
  }
  func.func @transform_3(%arg0: i32) -> (i32, i32) {
    %c0_i32 = arith.constant 0 : i32
    %c0_i32_0 = arith.constant 0 : i32
    %c0_i32_1 = arith.constant 0 : i32
    return %c0_i32, %c0_i32_0 : i32, i32
  }
  func.func @transform_4(%arg0: i32) -> (i32, i32) {
    %c0_i32 = arith.constant 0 : i32
    %c0_i32_0 = arith.constant 0 : i32
    %c0_i32_1 = arith.constant 0 : i32
    return %c0_i32, %c0_i32_0 : i32, i32
  }
  func.func @transform_5(%arg0: i32) -> (i32, i32) {
    %c0_i32 = arith.constant 0 : i32
    %c0_i32_0 = arith.constant 0 : i32
    return %arg0, %c0_i32 : i32, i32
  }
  func.func @transform_6(%arg0: i32) -> (i32, i32) {
    %c0_i32 = arith.constant 0 : i32
    %c0_i32_0 = arith.constant 0 : i32
    %c0_i32_1 = arith.constant 0 : i32
    return %c0_i32, %c0_i32_0 : i32, i32
  }
  func.func @transform_7(%arg0: i32) -> (i32, i32) {
    %c0_i32 = arith.constant 0 : i32
    %c0_i32_0 = arith.constant 0 : i32
    return %arg0, %c0_i32 : i32, i32
  }
  func.func @transform_8(%arg0: i32) -> (i32, i32) {
    %c0_i32 = arith.constant 0 : i32
    %c0_i32_0 = arith.constant 0 : i32
    %c0_i32_1 = arith.constant 0 : i32
    return %c0_i32, %c0_i32_0 : i32, i32
  }
  func.func @transform_9(%arg0: i32) -> (i32, i32) {
    %c0_i32 = arith.constant 0 : i32
    %c0_i32_0 = arith.constant 0 : i32
    %c0_i32_1 = arith.constant 0 : i32
    return %c0_i32, %c0_i32_0 : i32, i32
  }
  func.func @transform_10(%arg0: i32) -> (i32, i32) {
    %c0_i32 = arith.constant 0 : i32
    %c0_i32_0 = arith.constant 0 : i32
    %c0_i32_1 = arith.constant 0 : i32
    return %c0_i32, %c0_i32_0 : i32, i32
  }
  func.func @transform_11(%arg0: i32) -> (i32, i32) {
    %c0_i32 = arith.constant 0 : i32
    %c0_i32_0 = arith.constant 0 : i32
    %c0_i32_1 = arith.constant 0 : i32
    return %c0_i32, %c0_i32_0 : i32, i32
  }
  func.func @transform_12(%arg0: i32) -> (i32, i32) {
    %c0_i32 = arith.constant 0 : i32
    %c0_i32_0 = arith.constant 0 : i32
    %c0_i32_1 = arith.constant 0 : i32
    return %c0_i32, %c0_i32_0 : i32, i32
  }
  func.func @transform_13(%arg0: i32) -> (i32, i32) {
    %c0_i32 = arith.constant 0 : i32
    %c0_i32_0 = arith.constant 0 : i32
    %c0_i32_1 = arith.constant 0 : i32
    return %c0_i32, %c0_i32_0 : i32, i32
  }
  func.func @transform_14(%arg0: i32) -> (i32, i32) {
    %c0_i32 = arith.constant 0 : i32
    %c0_i32_0 = arith.constant 0 : i32
    return %arg0, %c0_i32 : i32, i32
  }
}

</mosaic_0001>

<sc_bundles>
// kernel: kernel.10.cloned.1.call-start
scs
__scs_entry_jumppad:
0x0: {  	(pc) =	sbr.rel $0x88, $3  }
0x1: {  	(tag) =	ssettag $0x0;
	lr =	simm.s32 $0x1  }
0x2: {  	[smem:$0x3F95] =	sst lr;
	_ =	strace $0xD0000000  }
0x3: {  	_ = 	snop  }
0x4: {  	_ = 	snop  }
0x5: {  	_ = 	snop  }
0x6: {  	_ = 	snop  }
0x7: {  	_ = 	snop  }
__scs_overlays_trampoline_lowered:
0x8: {  	[smem:$0x3FA4] =	sst s0  }
0x9: {  	[smem:$0x3FA5] =	sst s1  }
0xa: {  	[smem:$0x3FA6] =	sst s2  }
0xb: {  	[smem:$0x3FA7] =	sst s3  }
0xc: {  	[smem:$0x3FA8] =	sst s4  }
0xd: {  	[smem:$0x3FA9] =	sst s5  }
0xe: {  	[smem:$0x3FAA] =	sst s6  }
0xf: {  	[smem:$0x3FAB] =	sst s7  }
0x10: {  	[smem:$0x3FAC] =	sst s8  }
0x11: {  	[smem:$0x3FAD] =	sst s9;
	s0 =	simm.s32 @!p0 $0x0  }
0x12: {  	s1 =	sld [smem:$0x3F93];
	s0 =	simm.s32 @p0 $0x1  }
0x13: {  	[smem:$0x3FAE] =	sst s0;
	s0 =	simm.s32 @!p1 $0x0  }
0x14: {  	s2 =	sld [smem:$0x3F92];
	s0 =	simm.s32 @p1 $0x1  }
0x15: {  	[smem:$0x3FAF] =	sst s0;
	s0 =	simm.s32 @!p2 $0x0  }
0x16: {  	s3 =	sld [smem:$0x3FDB];
	s0 =	simm.s32 @p2 $0x1  }
0x17: {  	s4 =	simm.s32 $0x1BF5;
	[smem:$0x3FB1] =	sst s0  }
0x18: {  	s0 =	sld [smem:$0x3F94];
	_ =	swait.ge [sflag:s4], $0x0  }
0x19: {  	s7 =	sld [smem:$0x3F95]  }
0x1a: {  	s8 =	sadd.s32 $0xFFFFE003, lr  }
0x1b: {  	s9 =	sadd.s32 $0xFFFFFEF7, lr;
	s5 =	simm.s32 $0xFFFFFFFF;
	p2 =	slt.u32 s8, $0xFFFFF086  }
0x1c: {  	p1 =	slt.u32 s9, $0xF7A;
	s5 =	simm.s32 @!p2 $0x0  }
0x1d: {  	s5 =	simm.s32 @p1 $0x1;
	p0 =	seq.s32 s7, s2  }
0x1e: {  	s7 =	smul.u32 @!p0 $0xF7A, s2;
	p2 =	seq.s32 @!p0 s5, $0x0  }
0x1f: {  	s9 =	smul.u32 $0xF7A, s1;
	s8 =	simm.s32 @!p0 $0x1BF5;
	p2 =	por !p2, p0  }
0x20: {  	[sflag:s8] =	ssyncset.s32 @!p0 $0xFFFFF086;
	s6 =	sadd.s32 @!p0 s3, s7;
	s7 =	simm.s32 @!p0 $0x108  }
0x21: {  	s3 =	sadd.s32 s3, s9;
	s6 =	sadd.s32 @!p0 $0x88, s6;
	s7 =	simm.s32 @p2 $0x1082  }
0x22: {  	[simem:s7], [sflag:s8] =	dma.local @!p0 [hbm:s6], $0xF7A  }
0x23: {  	s9 =	sor.u32 $0xD0000000, s2;
	s6 =	simm.s32 $0x108;
	_ =	swait.ge @!p0 [sflag:s8], $0x0  }
0x24: {  	s3 =	sadd.s32 $0x88, s3;
	s6 =	simm.s32 @!p1 $0x1082;
	[sflag:s4] =	ssyncset.s32 $0xFFFFF086  }
0x25: {  	[simem:s6], [sflag:s4] =	dma.local [hbm:s3], $0xF7A  }
0x26: {  	[smem:$0x3F95] =	sst s1;
	(tag) =	ssettag s2;
	_ =	strace s9  }
0x27: {  	s1 =	sld [smem:$0x3FA5]  }
0x28: {  	s2 =	sld [smem:$0x3FA6]  }
0x29: {  	s4 =	sld [smem:$0x3FA8]  }
0x2a: {  	p0 =	seq.s32 s5, $0x0;
	s5 =	sld [smem:$0x3FA9]  }
0x2b: {  	s6 =	sld [smem:$0x3FAA]  }
0x2c: {  	s7 =	sld [smem:$0x3FAB]  }
0x2d: {  	s3 =	simm.s32 $0x108;
	s8 =	sld [smem:$0x3FAC]  }
0x2e: {  	s3 =	simm.s32 @!p0 $0x1082;
	s9 =	sld [smem:$0x3FAD]  }
0x2f: {  	lr =	sadd.s32 s0, s3;
	s0 =	sld [smem:$0x3FA4]  }
0x30: {  	s3 =	sld [smem:$0x3FA7]  }
0x31: {  	[smem:$0x3FB0] =	sst s10  }
0x32: {  	s10 =	sld [smem:$0x3FAE];
	_ =	sdelay $0x3  }
0x33: {  	p0 =	seq.s32 s10, $0x1;
	s10 =	sld [smem:$0x3FB0];
	_ =	sdelay $0x3  }
0x34: {  	[smem:$0x3FB0] =	sst s10  }
0x35: {  	s10 =	sld [smem:$0x3FAF];
	_ =	sdelay $0x3  }
0x36: {  	p1 =	seq.s32 s10, $0x1;
	s10 =	sld [smem:$0x3FB0];
	_ =	sdelay $0x3  }
0x37: {  	[smem:$0x3FB0] =	sst s10  }
0x38: {  	s10 =	sld [smem:$0x3FB1]  }
0x39: {  	_ = 	snop;
	(pc) =	sbr.ind lr, $3  }
0x3a: {  	_ = 	snop  }
0x3b: {  	_ = 	snop  }
0x3c: {  	p2 =	seq.s32 s10, $0x1;
	s10 =	sld [smem:$0x3FB0]  }
0x3d: {  	_ =	shalt  }
0x3e: {  	_ =	shalt  }
0x3f: {  	_ =	shalt  }
0x40: {  	_ =	shalt  }
0x41: {  	_ =	shalt  }
0x42: {  	_ =	shalt  }
0x43: {  	_ =	shalt  }
0x44: {  	_ =	shalt  }
0x45: {  	_ =	shalt  }
0x46: {  	_ =	shalt  }
0x47: {  	_ =	shalt  }
0x48: {  	_ =	shalt  }
0x49: {  	_ =	shalt  }
0x4a: {  	_ =	shalt  }
0x4b: {  	_ =	shalt  }
0x4c: {  	_ =	shalt  }
0x4d: {  	_ =	shalt  }
0x4e: {  	_ =	shalt  }
0x4f: {  	_ =	shalt  }
0x50: {  	_ =	shalt  }
0x51: {  	_ =	shalt  }
0x52: {  	_ =	shalt  }
0x53: {  	_ =	shalt  }
0x54: {  	_ =	shalt  }
0x55: {  	_ =	shalt  }
0x56: {  	_ =	shalt  }
0x57: {  	_ =	shalt  }
0x58: {  	_ =	shalt  }
0x59: {  	_ =	shalt  }
0x5a: {  	_ =	shalt  }
0x5b: {  	_ =	shalt  }
0x5c: {  	_ =	shalt  }
0x5d: {  	_ =	shalt  }
0x5e: {  	_ =	shalt  }
0x5f: {  	_ =	shalt  }
0x60: {  	_ =	shalt  }
0x61: {  	_ =	shalt  }
0x62: {  	_ =	shalt  }
0x63: {  	_ =	shalt  }
0x64: {  	_ =	shalt  }
0x65: {  	_ =	shalt  }
0x66: {  	_ =	shalt  }
0x67: {  	_ =	shalt  }
0x68: {  	_ =	shalt  }
0x69: {  	_ =	shalt  }
0x6a: {  	_ =	shalt  }
0x6b: {  	_ =	shalt  }
0x6c: {  	_ =	shalt  }
0x6d: {  	_ =	shalt  }
0x6e: {  	_ =	shalt  }
0x6f: {  	_ =	shalt  }
0x70: {  	_ =	shalt  }
0x71: {  	_ =	shalt  }
0x72: {  	_ =	shalt  }
0x73: {  	_ =	shalt  }
0x74: {  	_ =	shalt  }
0x75: {  	_ =	shalt  }
0x76: {  	_ =	shalt  }
0x77: {  	_ =	shalt  }
0x78: {  	_ =	shalt  }
0x79: {  	_ =	shalt  }
0x7a: {  	_ =	shalt  }
0x7b: {  	_ =	shalt  }
0x7c: {  	_ =	shalt  }
0x7d: {  	_ =	shalt  }
0x7e: {  	_ =	shalt  }
0x7f: {  	_ =	shalt  }
0x80: {  	_ =	shalt  }
0x81: {  	_ =	shalt  }
0x82: {  	_ =	shalt  }
0x83: {  	_ =	shalt  }
0x84: {  	_ =	shalt  }
0x85: {  	_ =	shalt  }
0x86: {  	_ =	shalt  }
0x87: {  	_ =	shalt  }
.Lfunc_end0:
.L_simem_size_0:
called_computation.1_lowered:
.L_overlay_start_0:
0x88: {  	s2 =	sld [smem:$0x3FD9]  }
0x89: {  	s3 =	sld [smem:$0x3FFE];
	_ =	sdelay $0x1  }
0x8a: {  	s1 =	srdreg.scid  }
0x8b: {  	s0 =	sand.u32 $0x1, s1  }
0x8c: {  	s16 =	sshll.u32 s0, $0xA;
	s2 =	sadd.s32 s3, s2  }
0x8d: {  	s2 =	sadd.s32 s2, s16  }
0x8e: {  	[smem:$0x3FBC] =	sst s2  }
0x8f: {  	_ = 	snop  }
0x90: {  	(tm) =	ssettm $0x1  }
0x91: {  	s17 =	sld [smem:$0x3FFB];
	_ =	sdelay $0x3  }
0x92: {  	_ =	strace s17  }
0x93: {  	s2 =	sld [smem:$0x3FFC];
	_ =	sdelay $0x3  }
0x94: {  	_ =	strace s2  }
0x95: {  	s2 =	sld [smem:$0x3FFD];
	_ =	sdelay $0x3  }
0x96: {  	_ =	strace s2  }
0x97: {  	_ =	strace $0x8FFFFFFF  }
0x98: {  	s18 =	sld [smem:$0x3FDB];
	_ =	sdelay $0x1  }
0x99: {  	s19 =	simm.s32 $_scs_section_size  }
0x9a: {  	s4 =	simm.s32 $_size__tile_overlayer_lowered;
	s5 =	simm.s32 $_tile_overlayer_lowered  }
0x9b: {  	s22 =	simm.s32 $0x1BFF;
	s21 =	sshll.u32 s5, $0x1;
	s2 =	sadd.s32 s19, s18  }
0x9c: {  	s6 =	simm.s32 $0x0;
	s20 =	sshll.u32 s4, $0x1;
	s4 =	sadd.s32 s21, s2  }
0x9d: {  	[timem:s6], [sflag:s22] =	dma.local [hbm:s4], s20  }
0x9e: {  	_ =	swait.ge [sflag:s22], s20  }
0x9f: {  	s3 =	ssub.s32 $0x0, s20;
	[sflag:s22] =	ssyncset.done $0x0  }
0xa0: {  	[sflag:s22] =	ssyncadd.s32 s3;
	_ =	sdelay $0x1  }
0xa1: {  	s23 =	simm.s32 $0x1B8B  }
0xa2: {  	_ =	swait.ge [sflag:s23], $0x1  }
0xa3: {  	[sflag:s23] =	ssyncset.done $0x0  }
0xa4: {  	s25 =	simm.s32 $0x1B8E;
	s24 =	sld [smem:$0x3FFE];
	[sflag:s23] =	ssyncadd.s32 $0xFFFFFFFF  }
0xa5: {  	s26 =	simm.s32 $execute0_lowered;
	[smem:$0x3FD2] =	sst s25  }
0xa6: {  	s4 =	sshll.u32 s26, $0x1;
	_ =	strace $0x80000049;
	[dreg:$0x1] =	wrdreg $0xFFFFFFFF  }
0xa7: {  	s28 =	simm.s32 $_size_execute0_lowered;
	s2 =	sadd.s32 s2, s4;
	[dreg:$0x0] =	wrdreg $0x0  }
0xa8: {  	s4 =	sshll.u32 s28, $0x1;
	[dreg:$0x2] =	wrdreg s2  }
0xa9: {  	[dreg:$0x3] =	wrdreg s4  }
0xaa: {  	[dreg:$0x4] =	wrdreg $0xC0  }
0xab: {  	_ =	task [dreg:s6], $0x5FFFF  }
0xac: {  	[dreg:$0x1] =	wrdreg $0xFFFFFFFF  }
0xad: {  	[dreg:$0x0] =	wrdreg $0x60  }
0xae: {  	[dreg:$0x2] =	wrdreg s24  }
0xaf: {  	[dreg:$0x3] =	wrdreg $0x9  }
0xb0: {  	_ =	task.clear_ibuf [dreg:s6], $0x4FFFF;
	_ =	strace $0x90000049  }
0xb1: {  	s29 =	simm.s32 $0x9;
	_ =	strace $0x8000004B  }
0xb2: {  	_ =	swait.ge [sflag:s29], $0x1  }
0xb3: {  	[sflag:s29] =	ssyncadd.s32 $0xFFFFFFFF  }
0xb4: {  	_ =	strace $0x9000004B  }
0xb5: {  	_ =	sfence  }
0xb6: {  	s30 =	sld [smem:$0x0];
	_ =	sdelay $0x2  }
0xb7: {  	s31 =	sshll.u32 s1, $0xD;
	s1 =	sshrl.u32 s1, $0x2  }
0xb8: {  	s3 =	sand.u32 $0x4000, s31;
	s1 =	sadd.s32 s1, s30  }
0xb9: {  	s0 =	sor.u32 s3, s0;
	s1 =	sshll.u32 s1, $0x11  }
0xba: {  	s0 =	sor.u32 s1, s0  }
0xbb: {  	s0 =	sadd.s32 $0x8F2B, s0  }
0xbc: {  	[sflag:s0] =	ssyncadd.remote.s32 $0x1  }
0xbd: {  	_ =	sfence.sel $0xFFFF  }
0xbe: {  	[dreg:$0x0] =	wrdreg $0xFFFFFFFF;
	(pc) =	sbr.abs _section_cstart, $3  }
0xbf: {  	[dreg:$0x1] =	wrdreg $0xFFFFFFFF  }
0xc0: {  	_ =	task.clear_ibuf [dreg:s6], $0x2FFFF;
	_ =	strace $0x9FFFFFFF  }
0xc1: {  	(tm) =	ssettm $0x7FFFFFFF  }
tec
execute0_lowered:
.L_overlay_start_1:
0x0: {  	(tag) =	ssettag $0x1  }
0x1: {  	s1 =	srdreg.scid  }
0x2: {  	s0 =	stileid.u32;
	s3 =	rddreg [dreg:$0x0]  }
0x3: {  	s2 =	simm.s32 $0x0;
	s31 =	simm.s32 $0x1;
	s1 =	sand.u32 $0x1, s1  }
0x4: {  	s5 =	sshll.u32 s0, $0x7;
	s4 =	sshll.u32 s1, $0xB;
	s1 =	ssub.s32 $0x2, s1  }
0x5: {  	[smem:$0x7FF] =	sst s2;
	s4 =	sor.u32 s5, s4;
	s24 =	sshrl.u32 s1, $0x1  }
0x6: {  	_ =	strace $0x8000004A;
	s29 =	sadd.s32 s4, s3;
	s1 =	ssub.s32 s1, s24  }
0x7: {  	s3 =	sadd.s32 $0x13000, s29;
	s20 =	sadd.s32 $0x14000, s29;
	s21 =	sadd.s32 $0x15000, s29  }
0x8: {  	s22 =	sadd.s32 $0x16000, s29;
	s23 =	sadd.s32 $0x17000, s29;
	s25 =	sadd.s32 $0x18000, s29  }
0x9: {  	s26 =	sadd.s32 $0x19000, s29;
	s4 =	sadd.s32 $0x1B000, s29;
	s5 =	sadd.s32 $0x1C000, s29  }
0xa: {  	s6 =	sadd.s32 $0x1D000, s29;
	s7 =	sadd.s32 $0x1E000, s29;
	s8 =	sadd.s32 $0x1F000, s29  }
0xb: {  	s9 =	sadd.s32 $0x20000, s29;
	s10 =	sadd.s32 $0x21000, s29;
	s11 =	sadd.s32 $0x22000, s29  }
0xc: {  	s12 =	sadd.s32 $0x23000, s29;
	s13 =	sadd.s32 $0x24000, s29;
	[dreg:$0x2] =	wrdreg s3  }
0xd: {  	s14 =	sadd.s32 $0x25000, s29;
	s15 =	sadd.s32 $0x26000, s29;
	[dreg:$0x3] =	wrdreg s20  }
0xe: {  	s16 =	sadd.s32 $0x27000, s29;
	s17 =	sadd.s32 $0x28000, s29;
	[dreg:$0x4] =	wrdreg s21  }
0xf: {  	s18 =	sadd.s32 $0x29000, s29;
	s19 =	sadd.s32 $0x2A000, s29;
	[dreg:$0x5] =	wrdreg s22  }
0x10: {  	s24 =	sadd.s32 $0x2F000, s29;
	s28 =	sadd.s32 $0x32000, s29;
	[dreg:$0x6] =	wrdreg s23  }
0x11: {  	s30 =	smax.u32 s1, $0x1;
	s1 =	simm.s32 $0x400;
	[dreg:$0x7] =	wrdreg s25  }
0x12: {  	[dreg:$0x8] =	wrdreg s26;
	s3 =	sadd.s32 $0x1A000, s29;
	s20 =	sadd.s32 $0x2B000, s29  }
0x13: {  	s21 =	sadd.s32 $0x2C000, s29;
	s22 =	sadd.s32 $0x2D000, s29;
	s23 =	sadd.s32 $0x2E000, s29  }
0x14: {  	v0 =	vimm.f32 $0.0e+00;
	s25 =	sadd.s32 $0x30000, s29;
	s26 =	sadd.s32 $0x31000, s29;
	s29 =	sadd.s32 $0x33000, s29  }
.LBB2_1:
0x15: {  	[tilespmem:$0x400] =	vst v0  }
0x16: {  	[tilespmem:$0x480] =	vst v0  }
0x17: {  	[tilespmem:$0x500] =	vst v0  }
0x18: {  	[tilespmem:$0x580] =	vst v0  }
0x19: {  	[tilespmem:$0x600] =	vst v0  }
0x1a: {  	[tilespmem:$0x680] =	vst v0  }
0x1b: {  	[tilespmem:$0x700] =	vst v0  }
0x1c: {  	s0 =	rddreg [dreg:$0x2];
	[tilespmem:$0x780] =	vst v0  }
0x1d: {  	[tilespmem:s2], [sflag:$0x1] =	stream.linear.gather [hbm4b:s0+s2], $0x400, $0x38;
	[tilespmem:$0x800] =	vst v63  }
0x1e: {  	_ =	swait.ge [sflag:s31], $0x400  }
0x1f: {  	[sflag:s31] =	ssyncset.done $0x0  }
0x20: {  	[sflag:s31] =	ssyncadd.s32 $0xFFFFFC00  }
0x21: {  	v1 =	vld [tilespmem:$0x400]  }
0x22: {  	v2 =	vld [tilespmem:$0x0]  }
0x23: {  	v3 =	vld [tilespmem:$0x480]  }
0x24: {  	v4 =	vld [tilespmem:$0x80]  }
0x25: {  	v5 =	vld [tilespmem:$0x500]  }
0x26: {  	v6 =	vld [tilespmem:$0x100]  }
0x27: {  	v7 =	vld [tilespmem:$0x580]  }
0x28: {  	v8 =	vld [tilespmem:$0x180]  }
0x29: {  	v9 =	vld [tilespmem:$0x600]  }
0x2a: {  	v10 =	vld [tilespmem:$0x200]  }
0x2b: {  	v11 =	vld [tilespmem:$0x680]  }
0x2c: {  	v12 =	vld [tilespmem:$0x280]  }
0x2d: {  	v13 =	vld [tilespmem:$0x700]  }
0x2e: {  	v30 =	vld [tilespmem:$0x780];
	v1 =	vadd.f32 v2, v1  }
0x2f: {  	v2 =	vld [tilespmem:$0x300];
	v3 =	vadd.f32 v4, v3  }
0x30: {  	v31 =	vld [tilespmem:$0x380];
	[tilespmem:$0x400] =	vst v1;
	v1 =	vadd.f32 v6, v5  }
0x31: {  	[tilespmem:$0x480] =	vst v3;
	v3 =	vadd.f32 v8, v7  }
0x32: {  	[tilespmem:$0x500] =	vst v1;
	v1 =	vadd.f32 v10, v9  }
0x33: {  	[tilespmem:$0x580] =	vst v3;
	v3 =	vadd.f32 v12, v11  }
0x34: {  	[tilespmem:$0x600] =	vst v1;
	v1 =	vadd.f32 v2, v13  }
0x35: {  	[tilespmem:$0x680] =	vst v3;
	v2 =	vadd.f32 v31, v30  }
0x36: {  	[tilespmem:$0x700] =	vst v1  }
0x37: {  	s0 =	rddreg [dreg:$0x3];
	[tilespmem:$0x780] =	vst v2  }
0x38: {  	[tilespmem:s2], [sflag:$0x1] =	stream.linear.gather [hbm4b:s0+s2], $0x400, $0x38;
	[tilespmem:$0x800] =	vst v63  }
0x39: {  	_ =	swait.ge [sflag:s31], $0x400  }
0x3a: {  	[sflag:s31] =	ssyncset.done $0x0  }
0x3b: {  	[sflag:s31] =	ssyncadd.s32 $0xFFFFFC00  }
0x3c: {  	v1 =	vld [tilespmem:$0x400]  }
0x3d: {  	v2 =	vld [tilespmem:$0x0]  }
0x3e: {  	v3 =	vld [tilespmem:$0x480]  }
0x3f: {  	v32 =	vld [tilespmem:$0x80]  }
0x40: {  	v33 =	vld [tilespmem:$0x500]  }
0x41: {  	v34 =	vld [tilespmem:$0x100]  }
0x42: {  	v35 =	vld [tilespmem:$0x580]  }
0x43: {  	v36 =	vld [tilespmem:$0x180]  }
0x44: {  	v37 =	vld [tilespmem:$0x600]  }
0x45: {  	v38 =	vld [tilespmem:$0x200]  }
0x46: {  	v39 =	vld [tilespmem:$0x680]  }
0x47: {  	v40 =	vld [tilespmem:$0x280]  }
0x48: {  	v41 =	vld [tilespmem:$0x700]  }
0x49: {  	v42 =	vld [tilespmem:$0x780];
	v1 =	vadd.f32 v2, v1  }
0x4a: {  	v2 =	vld [tilespmem:$0x300];
	v3 =	vadd.f32 v32, v3  }
0x4b: {  	v43 =	vld [tilespmem:$0x380];
	[tilespmem:$0x400] =	vst v1;
	v1 =	vadd.f32 v34, v33  }
0x4c: {  	[tilespmem:$0x480] =	vst v3;
	v3 =	vadd.f32 v36, v35  }
0x4d: {  	[tilespmem:$0x500] =	vst v1;
	v1 =	vadd.f32 v38, v37  }
0x4e: {  	[tilespmem:$0x580] =	vst v3;
	v3 =	vadd.f32 v40, v39  }
0x4f: {  	[tilespmem:$0x600] =	vst v1;
	v1 =	vadd.f32 v2, v41  }
0x50: {  	[tilespmem:$0x680] =	vst v3;
	v2 =	vadd.f32 v43, v42  }
0x51: {  	[tilespmem:$0x700] =	vst v1  }
0x52: {  	s0 =	rddreg [dreg:$0x4];
	[tilespmem:$0x780] =	vst v2  }
0x53: {  	[tilespmem:s2], [sflag:$0x1] =	stream.linear.gather [hbm4b:s0+s2], $0x400, $0x38;
	[tilespmem:$0x800] =	vst v63  }
0x54: {  	_ =	swait.ge [sflag:s31], $0x400  }
0x55: {  	[sflag:s31] =	ssyncset.done $0x0  }
0x56: {  	[sflag:s31] =	ssyncadd.s32 $0xFFFFFC00  }
0x57: {  	v1 =	vld [tilespmem:$0x400]  }
0x58: {  	v2 =	vld [tilespmem:$0x0]  }
0x59: {  	v3 =	vld [tilespmem:$0x480]  }
0x5a: {  	v44 =	vld [tilespmem:$0x80]  }
0x5b: {  	v45 =	vld [tilespmem:$0x500]  }
0x5c: {  	v46 =	vld [tilespmem:$0x100]  }
0x5d: {  	v47 =	vld [tilespmem:$0x580]  }
0x5e: {  	v48 =	vld [tilespmem:$0x180]  }
0x5f: {  	v49 =	vld [tilespmem:$0x600]  }
0x60: {  	v50 =	vld [tilespmem:$0x200]  }
0x61: {  	v51 =	vld [tilespmem:$0x680]  }
0x62: {  	v52 =	vld [tilespmem:$0x280]  }
0x63: {  	v53 =	vld [tilespmem:$0x700]  }
0x64: {  	v54 =	vld [tilespmem:$0x780];
	v1 =	vadd.f32 v2, v1  }
0x65: {  	v2 =	vld [tilespmem:$0x300];
	v3 =	vadd.f32 v44, v3  }
0x66: {  	v55 =	vld [tilespmem:$0x380];
	[tilespmem:$0x400] =	vst v1;
	v1 =	vadd.f32 v46, v45  }
0x67: {  	[tilespmem:$0x480] =	vst v3;
	v3 =	vadd.f32 v48, v47  }
0x68: {  	[tilespmem:$0x500] =	vst v1;
	v1 =	vadd.f32 v50, v49  }
0x69: {  	[tilespmem:$0x580] =	vst v3;
	v3 =	vadd.f32 v52, v51  }
0x6a: {  	[tilespmem:$0x600] =	vst v1;
	v1 =	vadd.f32 v2, v53  }
0x6b: {  	[tilespmem:$0x680] =	vst v3;
	v2 =	vadd.f32 v55, v54  }
0x6c: {  	[tilespmem:$0x700] =	vst v1  }
0x6d: {  	s0 =	rddreg [dreg:$0x5];
	[tilespmem:$0x780] =	vst v2  }
0x6e: {  	[tilespmem:s2], [sflag:$0x1] =	stream.linear.gather [hbm4b:s0+s2], $0x400, $0x38;
	[tilespmem:$0x800] =	vst v63  }
0x6f: {  	_ =	swait.ge [sflag:s31], $0x400  }
0x70: {  	[sflag:s31] =	ssyncset.done $0x0  }
0x71: {  	[sflag:s31] =	ssyncadd.s32 $0xFFFFFC00  }
0x72: {  	v1 =	vld [tilespmem:$0x400]  }
0x73: {  	v2 =	vld [tilespmem:$0x0]  }
0x74: {  	v3 =	vld [tilespmem:$0x480]  }
0x75: {  	v56 =	vld [tilespmem:$0x80]  }
0x76: {  	v57 =	vld [tilespmem:$0x500]  }
0x77: {  	v58 =	vld [tilespmem:$0x100]  }
0x78: {  	v59 =	vld [tilespmem:$0x580]  }
0x79: {  	v60 =	vld [tilespmem:$0x180]  }
0x7a: {  	v61 =	vld [tilespmem:$0x600]  }
0x7b: {  	v62 =	vld [tilespmem:$0x200]  }
0x7c: {  	v63 =	vld [tilespmem:$0x680]  }
0x7d: {  	v16 =	vld [tilespmem:$0x280]  }
0x7e: {  	v17 =	vld [tilespmem:$0x700]  }
0x7f: {  	v18 =	vld [tilespmem:$0x780];
	v1 =	vadd.f32 v2, v1  }
0x80: {  	v2 =	vld [tilespmem:$0x300];
	v3 =	vadd.f32 v56, v3  }
0x81: {  	v19 =	vld [tilespmem:$0x380];
	[tilespmem:$0x400] =	vst v1;
	v1 =	vadd.f32 v58, v57  }
0x82: {  	[tilespmem:$0x480] =	vst v3;
	v3 =	vadd.f32 v60, v59  }
0x83: {  	[tilespmem:$0x500] =	vst v1;
	v1 =	vadd.f32 v62, v61  }
0x84: {  	[tilespmem:$0x580] =	vst v3;
	v3 =	vadd.f32 v16, v63  }
0x85: {  	[tilespmem:$0x600] =	vst v1;
	v1 =	vadd.f32 v2, v17  }
0x86: {  	[tilespmem:$0x680] =	vst v3;
	v2 =	vadd.f32 v19, v18  }
0x87: {  	[tilespmem:$0x700] =	vst v1  }
0x88: {  	s0 =	rddreg [dreg:$0x6];
	[tilespmem:$0x780] =	vst v2  }
0x89: {  	[tilespmem:s2], [sflag:$0x1] =	stream.linear.gather [hbm4b:s0+s2], $0x400, $0x38;
	[tilespmem:$0x800] =	vst v63  }
0x8a: {  	_ =	swait.ge [sflag:s31], $0x400  }
0x8b: {  	[sflag:s31] =	ssyncset.done $0x0  }
0x8c: {  	[sflag:s31] =	ssyncadd.s32 $0xFFFFFC00  }
0x8d: {  	v1 =	vld [tilespmem:$0x400]  }
0x8e: {  	v2 =	vld [tilespmem:$0x0]  }
0x8f: {  	v3 =	vld [tilespmem:$0x480]  }
0x90: {  	v20 =	vld [tilespmem:$0x80]  }
0x91: {  	v21 =	vld [tilespmem:$0x500]  }
0x92: {  	v22 =	vld [tilespmem:$0x100]  }
0x93: {  	v23 =	vld [tilespmem:$0x580]  }
0x94: {  	v24 =	vld [tilespmem:$0x180]  }
0x95: {  	v25 =	vld [tilespmem:$0x600]  }
0x96: {  	v26 =	vld [tilespmem:$0x200]  }
0x97: {  	v27 =	vld [tilespmem:$0x680]  }
0x98: {  	v28 =	vld [tilespmem:$0x280]  }
0x99: {  	v29 =	vld [tilespmem:$0x700]  }
0x9a: {  	v30 =	vld [tilespmem:$0x780];
	v1 =	vadd.f32 v2, v1  }
0x9b: {  	v2 =	vld [tilespmem:$0x300];
	v3 =	vadd.f32 v20, v3  }
0x9c: {  	v31 =	vld [tilespmem:$0x380];
	[tilespmem:$0x400] =	vst v1;
	v1 =	vadd.f32 v22, v21  }
0x9d: {  	[tilespmem:$0x480] =	vst v3;
	v3 =	vadd.f32 v24, v23  }
0x9e: {  	[tilespmem:$0x500] =	vst v1;
	v1 =	vadd.f32 v26, v25  }
0x9f: {  	[tilespmem:$0x580] =	vst v3;
	v3 =	vadd.f32 v28, v27  }
0xa0: {  	[tilespmem:$0x600] =	vst v1;
	v1 =	vadd.f32 v2, v29  }
0xa1: {  	[tilespmem:$0x680] =	vst v3;
	v2 =	vadd.f32 v31, v30  }
0xa2: {  	[tilespmem:$0x700] =	vst v1  }
0xa3: {  	s0 =	rddreg [dreg:$0x7];
	[tilespmem:$0x780] =	vst v2  }
0xa4: {  	[tilespmem:s2], [sflag:$0x1] =	stream.linear.gather [hbm4b:s0+s2], $0x400, $0x38;
	[tilespmem:$0x800] =	vst v63  }
0xa5: {  	_ =	swait.ge [sflag:s31], $0x400  }
0xa6: {  	[sflag:s31] =	ssyncset.done $0x0  }
0xa7: {  	[sflag:s31] =	ssyncadd.s32 $0xFFFFFC00  }
0xa8: {  	v1 =	vld [tilespmem:$0x400]  }
0xa9: {  	v2 =	vld [tilespmem:$0x0]  }
0xaa: {  	v3 =	vld [tilespmem:$0x480]  }
0xab: {  	v32 =	vld [tilespmem:$0x80]  }
0xac: {  	v33 =	vld [tilespmem:$0x500]  }
0xad: {  	v34 =	vld [tilespmem:$0x100]  }
0xae: {  	v35 =	vld [tilespmem:$0x580]  }
0xaf: {  	v36 =	vld [tilespmem:$0x180]  }
0xb0: {  	v37 =	vld [tilespmem:$0x600]  }
0xb1: {  	v38 =	vld [tilespmem:$0x200]  }
0xb2: {  	v39 =	vld [tilespmem:$0x680]  }
0xb3: {  	v40 =	vld [tilespmem:$0x280]  }
0xb4: {  	v41 =	vld [tilespmem:$0x700]  }
0xb5: {  	v42 =	vld [tilespmem:$0x780];
	v1 =	vadd.f32 v2, v1  }
0xb6: {  	v2 =	vld [tilespmem:$0x300];
	v3 =	vadd.f32 v32, v3  }
0xb7: {  	v43 =	vld [tilespmem:$0x380];
	[tilespmem:$0x400] =	vst v1;
	v1 =	vadd.f32 v34, v33  }
0xb8: {  	[tilespmem:$0x480] =	vst v3;
	v3 =	vadd.f32 v36, v35  }
0xb9: {  	[tilespmem:$0x500] =	vst v1;
	v1 =	vadd.f32 v38, v37  }
0xba: {  	[tilespmem:$0x580] =	vst v3;
	v3 =	vadd.f32 v40, v39  }
0xbb: {  	[tilespmem:$0x600] =	vst v1;
	v1 =	vadd.f32 v2, v41  }
0xbc: {  	[tilespmem:$0x680] =	vst v3;
	v2 =	vadd.f32 v43, v42  }
0xbd: {  	[tilespmem:$0x700] =	vst v1  }
0xbe: {  	s0 =	rddreg [dreg:$0x8];
	[tilespmem:$0x780] =	vst v2  }
0xbf: {  	[tilespmem:s2], [sflag:$0x1] =	stream.linear.gather [hbm4b:s0+s2], $0x400, $0x38;
	[tilespmem:$0x800] =	vst v63  }
0xc0: {  	_ =	swait.ge [sflag:s31], $0x400  }
0xc1: {  	[sflag:s31] =	ssyncset.done $0x0  }
0xc2: {  	[sflag:s31] =	ssyncadd.s32 $0xFFFFFC00  }
0xc3: {  	v1 =	vld [tilespmem:$0x400]  }
0xc4: {  	v2 =	vld [tilespmem:$0x0]  }
0xc5: {  	v3 =	vld [tilespmem:$0x480]  }
0xc6: {  	v44 =	vld [tilespmem:$0x80]  }
0xc7: {  	v45 =	vld [tilespmem:$0x500]  }
0xc8: {  	v46 =	vld [tilespmem:$0x100]  }
0xc9: {  	v47 =	vld [tilespmem:$0x580]  }
0xca: {  	v48 =	vld [tilespmem:$0x180]  }
0xcb: {  	v49 =	vld [tilespmem:$0x600]  }
0xcc: {  	v50 =	vld [tilespmem:$0x200]  }
0xcd: {  	v51 =	vld [tilespmem:$0x680]  }
0xce: {  	v52 =	vld [tilespmem:$0x280]  }
0xcf: {  	v53 =	vld [tilespmem:$0x700]  }
0xd0: {  	v54 =	vld [tilespmem:$0x780];
	v1 =	vadd.f32 v2, v1  }
0xd1: {  	v2 =	vld [tilespmem:$0x300];
	v3 =	vadd.f32 v44, v3  }
0xd2: {  	v55 =	vld [tilespmem:$0x380];
	[tilespmem:$0x400] =	vst v1;
	v1 =	vadd.f32 v46, v45  }
0xd3: {  	[tilespmem:$0x480] =	vst v3;
	v3 =	vadd.f32 v48, v47  }
0xd4: {  	[tilespmem:$0x500] =	vst v1;
	v1 =	vadd.f32 v50, v49  }
0xd5: {  	[tilespmem:$0x580] =	vst v3;
	v3 =	vadd.f32 v52, v51  }
0xd6: {  	[tilespmem:$0x600] =	vst v1;
	v1 =	vadd.f32 v2, v53  }
0xd7: {  	[tilespmem:$0x680] =	vst v3;
	v2 =	vadd.f32 v55, v54  }
0xd8: {  	[tilespmem:$0x700] =	vst v1  }
0xd9: {  	[tilespmem:$0x780] =	vst v2  }
0xda: {  	[tilespmem:s2], [sflag:$0x1] =	stream.linear.gather [hbm4b:s3+s2], $0x400, $0x38;
	[tilespmem:$0x800] =	vst v63  }
0xdb: {  	_ =	swait.ge [sflag:s31], $0x400  }
0xdc: {  	[sflag:s31] =	ssyncset.done $0x0  }
0xdd: {  	[sflag:s31] =	ssyncadd.s32 $0xFFFFFC00  }
0xde: {  	v1 =	vld [tilespmem:$0x400]  }
0xdf: {  	v2 =	vld [tilespmem:$0x0]  }
0xe0: {  	v3 =	vld [tilespmem:$0x480]  }
0xe1: {  	v56 =	vld [tilespmem:$0x80]  }
0xe2: {  	v57 =	vld [tilespmem:$0x500]  }
0xe3: {  	v58 =	vld [tilespmem:$0x100]  }
0xe4: {  	v59 =	vld [tilespmem:$0x580]  }
0xe5: {  	v60 =	vld [tilespmem:$0x180]  }
0xe6: {  	v61 =	vld [tilespmem:$0x600]  }
0xe7: {  	v62 =	vld [tilespmem:$0x200]  }
0xe8: {  	v63 =	vld [tilespmem:$0x680]  }
0xe9: {  	v16 =	vld [tilespmem:$0x280]  }
0xea: {  	v17 =	vld [tilespmem:$0x700]  }
0xeb: {  	v18 =	vld [tilespmem:$0x780];
	v1 =	vadd.f32 v2, v1  }
0xec: {  	v2 =	vld [tilespmem:$0x300];
	v3 =	vadd.f32 v56, v3  }
0xed: {  	v19 =	vld [tilespmem:$0x380];
	[tilespmem:$0x400] =	vst v1;
	v1 =	vadd.f32 v58, v57  }
0xee: {  	[tilespmem:$0x480] =	vst v3;
	v3 =	vadd.f32 v60, v59  }
0xef: {  	[tilespmem:$0x500] =	vst v1;
	v1 =	vadd.f32 v62, v61  }
0xf0: {  	[tilespmem:$0x580] =	vst v3;
	v3 =	vadd.f32 v16, v63  }
0xf1: {  	[tilespmem:$0x600] =	vst v1;
	v1 =	vadd.f32 v2, v17  }
0xf2: {  	[tilespmem:$0x680] =	vst v3;
	v2 =	vadd.f32 v19, v18  }
0xf3: {  	[tilespmem:$0x700] =	vst v1  }
0xf4: {  	[tilespmem:$0x780] =	vst v2  }
0xf5: {  	[tilespmem:s2], [sflag:$0x1] =	stream.linear.gather [hbm4b:s4+s2], $0x400, $0x38;
	[tilespmem:$0x800] =	vst v63  }
0xf6: {  	_ =	swait.ge [sflag:s31], $0x400  }
0xf7: {  	[sflag:s31] =	ssyncset.done $0x0  }
0xf8: {  	[sflag:s31] =	ssyncadd.s32 $0xFFFFFC00  }
0xf9: {  	v1 =	vld [tilespmem:$0x400]  }
0xfa: {  	v2 =	vld [tilespmem:$0x0]  }
0xfb: {  	v3 =	vld [tilespmem:$0x480]  }
0xfc: {  	v20 =	vld [tilespmem:$0x80]  }
0xfd: {  	v21 =	vld [tilespmem:$0x500]  }
0xfe: {  	v22 =	vld [tilespmem:$0x100]  }
0xff: {  	v23 =	vld [tilespmem:$0x580]  }
0x100: {  	v24 =	vld [tilespmem:$0x180]  }
0x101: {  	v25 =	vld [tilespmem:$0x600]  }
0x102: {  	v26 =	vld [tilespmem:$0x200]  }
0x103: {  	v27 =	vld [tilespmem:$0x680]  }
0x104: {  	v28 =	vld [tilespmem:$0x280]  }
0x105: {  	v29 =	vld [tilespmem:$0x700]  }
0x106: {  	v30 =	vld [tilespmem:$0x780];
	v1 =	vadd.f32 v2, v1  }
0x107: {  	v2 =	vld [tilespmem:$0x300];
	v3 =	vadd.f32 v20, v3  }
0x108: {  	v31 =	vld [tilespmem:$0x380];
	[tilespmem:$0x400] =	vst v1;
	v1 =	vadd.f32 v22, v21  }
0x109: {  	[tilespmem:$0x480] =	vst v3;
	v3 =	vadd.f32 v24, v23  }
0x10a: {  	[tilespmem:$0x500] =	vst v1;
	v1 =	vadd.f32 v26, v25  }
0x10b: {  	[tilespmem:$0x580] =	vst v3;
	v3 =	vadd.f32 v28, v27  }
0x10c: {  	[tilespmem:$0x600] =	vst v1;
	v1 =	vadd.f32 v2, v29  }
0x10d: {  	[tilespmem:$0x680] =	vst v3;
	v2 =	vadd.f32 v31, v30  }
0x10e: {  	[tilespmem:$0x700] =	vst v1  }
0x10f: {  	[tilespmem:$0x780] =	vst v2  }
0x110: {  	[tilespmem:s2], [sflag:$0x1] =	stream.linear.gather [hbm4b:s5+s2], $0x400, $0x38;
	[tilespmem:$0x800] =	vst v63  }
0x111: {  	_ =	swait.ge [sflag:s31], $0x400  }
0x112: {  	[sflag:s31] =	ssyncset.done $0x0  }
0x113: {  	[sflag:s31] =	ssyncadd.s32 $0xFFFFFC00  }
0x114: {  	v1 =	vld [tilespmem:$0x400]  }
0x115: {  	v2 =	vld [tilespmem:$0x0]  }
0x116: {  	v3 =	vld [tilespmem:$0x480]  }
0x117: {  	v32 =	vld [tilespmem:$0x80]  }
0x118: {  	v33 =	vld [tilespmem:$0x500]  }
0x119: {  	v34 =	vld [tilespmem:$0x100]  }
0x11a: {  	v35 =	vld [tilespmem:$0x580]  }
0x11b: {  	v36 =	vld [tilespmem:$0x180]  }
0x11c: {  	v37 =	vld [tilespmem:$0x600]  }
0x11d: {  	v38 =	vld [tilespmem:$0x200]  }
0x11e: {  	v39 =	vld [tilespmem:$0x680]  }
0x11f: {  	v40 =	vld [tilespmem:$0x280]  }
0x120: {  	v41 =	vld [tilespmem:$0x700]  }
0x121: {  	v42 =	vld [tilespmem:$0x780];
	v1 =	vadd.f32 v2, v1  }
0x122: {  	v2 =	vld [tilespmem:$0x300];
	v3 =	vadd.f32 v32, v3  }
0x123: {  	v43 =	vld [tilespmem:$0x380];
	[tilespmem:$0x400] =	vst v1;
	v1 =	vadd.f32 v34, v33  }
0x124: {  	[tilespmem:$0x480] =	vst v3;
	v3 =	vadd.f32 v36, v35  }
0x125: {  	[tilespmem:$0x500] =	vst v1;
	v1 =	vadd.f32 v38, v37  }
0x126: {  	[tilespmem:$0x580] =	vst v3;
	v3 =	vadd.f32 v40, v39  }
0x127: {  	[tilespmem:$0x600] =	vst v1;
	v1 =	vadd.f32 v2, v41  }
0x128: {  	[tilespmem:$0x680] =	vst v3;
	v2 =	vadd.f32 v43, v42  }
0x129: {  	[tilespmem:$0x700] =	vst v1  }
0x12a: {  	[tilespmem:$0x780] =	vst v2  }
0x12b: {  	[tilespmem:s2], [sflag:$0x1] =	stream.linear.gather [hbm4b:s6+s2], $0x400, $0x38;
	[tilespmem:$0x800] =	vst v63  }
0x12c: {  	_ =	swait.ge [sflag:s31], $0x400  }
0x12d: {  	[sflag:s31] =	ssyncset.done $0x0  }
0x12e: {  	[sflag:s31] =	ssyncadd.s32 $0xFFFFFC00  }
0x12f: {  	v1 =	vld [tilespmem:$0x400]  }
0x130: {  	v2 =	vld [tilespmem:$0x0]  }
0x131: {  	v3 =	vld [tilespmem:$0x480]  }
0x132: {  	v44 =	vld [tilespmem:$0x80]  }
0x133: {  	v45 =	vld [tilespmem:$0x500]  }
0x134: {  	v46 =	vld [tilespmem:$0x100]  }
0x135: {  	v47 =	vld [tilespmem:$0x580]  }
0x136: {  	v48 =	vld [tilespmem:$0x180]  }
0x137: {  	v49 =	vld [tilespmem:$0x600]  }
0x138: {  	v50 =	vld [tilespmem:$0x200]  }
0x139: {  	v51 =	vld [tilespmem:$0x680]  }
0x13a: {  	v52 =	vld [tilespmem:$0x280]  }
0x13b: {  	v53 =	vld [tilespmem:$0x700]  }
0x13c: {  	v54 =	vld [tilespmem:$0x780];
	v1 =	vadd.f32 v2, v1  }
0x13d: {  	v2 =	vld [tilespmem:$0x300];
	v3 =	vadd.f32 v44, v3  }
0x13e: {  	v55 =	vld [tilespmem:$0x380];
	[tilespmem:$0x400] =	vst v1;
	v1 =	vadd.f32 v46, v45  }
0x13f: {  	[tilespmem:$0x480] =	vst v3;
	v3 =	vadd.f32 v48, v47  }
0x140: {  	[tilespmem:$0x500] =	vst v1;
	v1 =	vadd.f32 v50, v49  }
0x141: {  	[tilespmem:$0x580] =	vst v3;
	v3 =	vadd.f32 v52, v51  }
0x142: {  	[tilespmem:$0x600] =	vst v1;
	v1 =	vadd.f32 v2, v53  }
0x143: {  	[tilespmem:$0x680] =	vst v3;
	v2 =	vadd.f32 v55, v54  }
0x144: {  	[tilespmem:$0x700] =	vst v1  }
0x145: {  	[tilespmem:$0x780] =	vst v2  }
0x146: {  	[tilespmem:s2], [sflag:$0x1] =	stream.linear.gather [hbm4b:s7+s2], $0x400, $0x38;
	[tilespmem:$0x800] =	vst v63  }
0x147: {  	_ =	swait.ge [sflag:s31], $0x400  }
0x148: {  	[sflag:s31] =	ssyncset.done $0x0  }
0x149: {  	[sflag:s31] =	ssyncadd.s32 $0xFFFFFC00  }
0x14a: {  	v1 =	vld [tilespmem:$0x400]  }
0x14b: {  	v2 =	vld [tilespmem:$0x0]  }
0x14c: {  	v3 =	vld [tilespmem:$0x480]  }
0x14d: {  	v56 =	vld [tilespmem:$0x80]  }
0x14e: {  	v57 =	vld [tilespmem:$0x500]  }
0x14f: {  	v58 =	vld [tilespmem:$0x100]  }
0x150: {  	v59 =	vld [tilespmem:$0x580]  }
0x151: {  	v60 =	vld [tilespmem:$0x180]  }
0x152: {  	v61 =	vld [tilespmem:$0x600]  }
0x153: {  	v62 =	vld [tilespmem:$0x200]  }
0x154: {  	v63 =	vld [tilespmem:$0x680]  }
0x155: {  	v16 =	vld [tilespmem:$0x280]  }
0x156: {  	v17 =	vld [tilespmem:$0x700]  }
0x157: {  	v18 =	vld [tilespmem:$0x780];
	v1 =	vadd.f32 v2, v1  }
0x158: {  	v2 =	vld [tilespmem:$0x300];
	v3 =	vadd.f32 v56, v3  }
0x159: {  	v19 =	vld [tilespmem:$0x380];
	[tilespmem:$0x400] =	vst v1;
	v1 =	vadd.f32 v58, v57  }
0x15a: {  	[tilespmem:$0x480] =	vst v3;
	v3 =	vadd.f32 v60, v59  }
0x15b: {  	[tilespmem:$0x500] =	vst v1;
	v1 =	vadd.f32 v62, v61  }
0x15c: {  	[tilespmem:$0x580] =	vst v3;
	v3 =	vadd.f32 v16, v63  }
0x15d: {  	[tilespmem:$0x600] =	vst v1;
	v1 =	vadd.f32 v2, v17  }
0x15e: {  	[tilespmem:$0x680] =	vst v3;
	v2 =	vadd.f32 v19, v18  }
0x15f: {  	[tilespmem:$0x700] =	vst v1  }
0x160: {  	[tilespmem:$0x780] =	vst v2  }
0x161: {  	[tilespmem:s2], [sflag:$0x1] =	stream.linear.gather [hbm4b:s8+s2], $0x400, $0x38;
	[tilespmem:$0x800] =	vst v63  }
0x162: {  	_ =	swait.ge [sflag:s31], $0x400  }
0x163: {  	[sflag:s31] =	ssyncset.done $0x0  }
0x164: {  	[sflag:s31] =	ssyncadd.s32 $0xFFFFFC00  }
0x165: {  	v1 =	vld [tilespmem:$0x400]  }
0x166: {  	v2 =	vld [tilespmem:$0x0]  }
0x167: {  	v3 =	vld [tilespmem:$0x480]  }
0x168: {  	v20 =	vld [tilespmem:$0x80]  }
0x169: {  	v21 =	vld [tilespmem:$0x500]  }
0x16a: {  	v22 =	vld [tilespmem:$0x100]  }
0x16b: {  	v23 =	vld [tilespmem:$0x580]  }
0x16c: {  	v24 =	vld [tilespmem:$0x180]  }
0x16d: {  	v25 =	vld [tilespmem:$0x600]  }
0x16e: {  	v26 =	vld [tilespmem:$0x200]  }
0x16f: {  	v27 =	vld [tilespmem:$0x680]  }
0x170: {  	v28 =	vld [tilespmem:$0x280]  }
0x171: {  	v29 =	vld [tilespmem:$0x700]  }
0x172: {  	v30 =	vld [tilespmem:$0x780];
	v1 =	vadd.f32 v2, v1  }
0x173: {  	v2 =	vld [tilespmem:$0x300];
	v3 =	vadd.f32 v20, v3  }
0x174: {  	v31 =	vld [tilespmem:$0x380];
	[tilespmem:$0x400] =	vst v1;
	v1 =	vadd.f32 v22, v21  }
0x175: {  	[tilespmem:$0x480] =	vst v3;
	v3 =	vadd.f32 v24, v23  }
0x176: {  	[tilespmem:$0x500] =	vst v1;
	v1 =	vadd.f32 v26, v25  }
0x177: {  	[tilespmem:$0x580] =	vst v3;
	v3 =	vadd.f32 v28, v27  }
0x178: {  	[tilespmem:$0x600] =	vst v1;
	v1 =	vadd.f32 v2, v29  }
0x179: {  	[tilespmem:$0x680] =	vst v3;
	v2 =	vadd.f32 v31, v30  }
0x17a: {  	[tilespmem:$0x700] =	vst v1  }
0x17b: {  	[tilespmem:$0x780] =	vst v2  }
0x17c: {  	[tilespmem:s2], [sflag:$0x1] =	stream.linear.gather [hbm4b:s9+s2], $0x400, $0x38;
	[tilespmem:$0x800] =	vst v63  }
0x17d: {  	_ =	swait.ge [sflag:s31], $0x400  }
0x17e: {  	[sflag:s31] =	ssyncset.done $0x0  }
0x17f: {  	[sflag:s31] =	ssyncadd.s32 $0xFFFFFC00  }
0x180: {  	v1 =	vld [tilespmem:$0x400]  }
0x181: {  	v2 =	vld [tilespmem:$0x0]  }
0x182: {  	v3 =	vld [tilespmem:$0x480]  }
0x183: {  	v32 =	vld [tilespmem:$0x80]  }
0x184: {  	v33 =	vld [tilespmem:$0x500]  }
0x185: {  	v34 =	vld [tilespmem:$0x100]  }
0x186: {  	v35 =	vld [tilespmem:$0x580]  }
0x187: {  	v36 =	vld [tilespmem:$0x180];
	_ =	sdelay $0x1  }
0x188: {  	v1 =	vadd.f32 v2, v1  }
0x189: {  	v2 =	vadd.f32 v32, v3  }
0x18a: {  	[tilespmem:$0x400] =	vst v1;
	v1 =	vadd.f32 v34, v33  }
0x18b: {  	[tilespmem:$0x480] =	vst v2;
	v2 =	vadd.f32 v36, v35  }
0x18c: {  	[tilespmem:$0x500] =	vst v1  }
0x18d: {  	[tilespmem:$0x580] =	vst v2;
	v1 =	vld [tilespmem:$0x600]  }
0x18e: {  	v2 =	vld [tilespmem:$0x200]  }
0x18f: {  	v3 =	vld [tilespmem:$0x680]  }
0x190: {  	v37 =	vld [tilespmem:$0x280]  }
0x191: {  	v38 =	vld [tilespmem:$0x700]  }
0x192: {  	v39 =	vld [tilespmem:$0x300]  }
0x193: {  	v40 =	vld [tilespmem:$0x780]  }
0x194: {  	v41 =	vld [tilespmem:$0x380];
	_ =	sdelay $0x1  }
0x195: {  	v1 =	vadd.f32 v2, v1  }
0x196: {  	v2 =	vadd.f32 v37, v3  }
0x197: {  	[tilespmem:$0x600] =	vst v1;
	v1 =	vadd.f32 v39, v38  }
0x198: {  	[tilespmem:$0x680] =	vst v2;
	v2 =	vadd.f32 v41, v40  }
0x199: {  	[tilespmem:$0x700] =	vst v1  }
0x19a: {  	[tilespmem:$0x780] =	vst v2  }
0x19b: {  	[tilespmem:s2], [sflag:$0x1] =	stream.linear.gather [hbm4b:s10+s2], $0x400, $0x38;
	[tilespmem:$0x800] =	vst v63  }
0x19c: {  	_ =	swait.ge [sflag:s31], $0x400  }
0x19d: {  	[sflag:s31] =	ssyncset.done $0x0  }
0x19e: {  	[sflag:s31] =	ssyncadd.s32 $0xFFFFFC00  }
0x19f: {  	v1 =	vld [tilespmem:$0x400]  }
0x1a0: {  	v2 =	vld [tilespmem:$0x0]  }
0x1a1: {  	v3 =	vld [tilespmem:$0x480]  }
0x1a2: {  	v42 =	vld [tilespmem:$0x80]  }
0x1a3: {  	v43 =	vld [tilespmem:$0x500]  }
0x1a4: {  	v44 =	vld [tilespmem:$0x100]  }
0x1a5: {  	v45 =	vld [tilespmem:$0x580]  }
0x1a6: {  	v46 =	vld [tilespmem:$0x180]  }
0x1a7: {  	v47 =	vld [tilespmem:$0x600]  }
0x1a8: {  	v48 =	vld [tilespmem:$0x200]  }
0x1a9: {  	v49 =	vld [tilespmem:$0x680]  }
0x1aa: {  	v50 =	vld [tilespmem:$0x280]  }
0x1ab: {  	v51 =	vld [tilespmem:$0x700]  }
0x1ac: {  	v52 =	vld [tilespmem:$0x780];
	v1 =	vadd.f32 v2, v1  }
0x1ad: {  	v2 =	vld [tilespmem:$0x300];
	v3 =	vadd.f32 v42, v3  }
0x1ae: {  	v53 =	vld [tilespmem:$0x380];
	[tilespmem:$0x400] =	vst v1;
	v1 =	vadd.f32 v44, v43  }
0x1af: {  	[tilespmem:$0x480] =	vst v3;
	v3 =	vadd.f32 v46, v45  }
0x1b0: {  	[tilespmem:$0x500] =	vst v1;
	v1 =	vadd.f32 v48, v47  }
0x1b1: {  	[tilespmem:$0x580] =	vst v3;
	v3 =	vadd.f32 v50, v49  }
0x1b2: {  	[tilespmem:$0x600] =	vst v1;
	v1 =	vadd.f32 v2, v51  }
0x1b3: {  	[tilespmem:$0x680] =	vst v3;
	v2 =	vadd.f32 v53, v52  }
0x1b4: {  	[tilespmem:$0x700] =	vst v1  }
0x1b5: {  	[tilespmem:$0x780] =	vst v2  }
0x1b6: {  	[tilespmem:s2], [sflag:$0x1] =	stream.linear.gather [hbm4b:s11+s2], $0x400, $0x38;
	[tilespmem:$0x800] =	vst v63  }
0x1b7: {  	_ =	swait.ge [sflag:s31], $0x400  }
0x1b8: {  	[sflag:s31] =	ssyncset.done $0x0  }
0x1b9: {  	[sflag:s31] =	ssyncadd.s32 $0xFFFFFC00  }
0x1ba: {  	v1 =	vld [tilespmem:$0x400]  }
0x1bb: {  	v2 =	vld [tilespmem:$0x0]  }
0x1bc: {  	v3 =	vld [tilespmem:$0x480]  }
0x1bd: {  	v54 =	vld [tilespmem:$0x80]  }
0x1be: {  	v55 =	vld [tilespmem:$0x500]  }
0x1bf: {  	v56 =	vld [tilespmem:$0x100]  }
0x1c0: {  	v57 =	vld [tilespmem:$0x580]  }
0x1c1: {  	v58 =	vld [tilespmem:$0x180]  }
0x1c2: {  	v59 =	vld [tilespmem:$0x600]  }
0x1c3: {  	v60 =	vld [tilespmem:$0x200]  }
0x1c4: {  	v61 =	vld [tilespmem:$0x680]  }
0x1c5: {  	v62 =	vld [tilespmem:$0x280]  }
0x1c6: {  	v63 =	vld [tilespmem:$0x700]  }
0x1c7: {  	v16 =	vld [tilespmem:$0x780];
	v1 =	vadd.f32 v2, v1  }
0x1c8: {  	v2 =	vld [tilespmem:$0x300];
	v3 =	vadd.f32 v54, v3  }
0x1c9: {  	v17 =	vld [tilespmem:$0x380];
	[tilespmem:$0x400] =	vst v1;
	v1 =	vadd.f32 v56, v55  }
0x1ca: {  	[tilespmem:$0x480] =	vst v3;
	v3 =	vadd.f32 v58, v57  }
0x1cb: {  	[tilespmem:$0x500] =	vst v1;
	v1 =	vadd.f32 v60, v59  }
0x1cc: {  	[tilespmem:$0x580] =	vst v3;
	v3 =	vadd.f32 v62, v61  }
0x1cd: {  	[tilespmem:$0x600] =	vst v1;
	v1 =	vadd.f32 v2, v63  }
0x1ce: {  	[tilespmem:$0x680] =	vst v3;
	v2 =	vadd.f32 v17, v16  }
0x1cf: {  	[tilespmem:$0x700] =	vst v1  }
0x1d0: {  	[tilespmem:$0x780] =	vst v2  }
0x1d1: {  	[tilespmem:s2], [sflag:$0x1] =	stream.linear.gather [hbm4b:s12+s2], $0x400, $0x38;
	[tilespmem:$0x800] =	vst v63  }
0x1d2: {  	_ =	swait.ge [sflag:s31], $0x400  }
0x1d3: {  	[sflag:s31] =	ssyncset.done $0x0  }
0x1d4: {  	[sflag:s31] =	ssyncadd.s32 $0xFFFFFC00  }
0x1d5: {  	v1 =	vld [tilespmem:$0x400]  }
0x1d6: {  	v2 =	vld [tilespmem:$0x0]  }
0x1d7: {  	v3 =	vld [tilespmem:$0x480]  }
0x1d8: {  	v18 =	vld [tilespmem:$0x80]  }
0x1d9: {  	v19 =	vld [tilespmem:$0x500]  }
0x1da: {  	v20 =	vld [tilespmem:$0x100]  }
0x1db: {  	v21 =	vld [tilespmem:$0x580]  }
0x1dc: {  	v22 =	vld [tilespmem:$0x180]  }
0x1dd: {  	v23 =	vld [tilespmem:$0x600]  }
0x1de: {  	v24 =	vld [tilespmem:$0x200]  }
0x1df: {  	v25 =	vld [tilespmem:$0x680]  }
0x1e0: {  	v26 =	vld [tilespmem:$0x280]  }
0x1e1: {  	v27 =	vld [tilespmem:$0x700]  }
0x1e2: {  	v28 =	vld [tilespmem:$0x780];
	v1 =	vadd.f32 v2, v1  }
0x1e3: {  	v2 =	vld [tilespmem:$0x300];
	v3 =	vadd.f32 v18, v3  }
0x1e4: {  	v29 =	vld [tilespmem:$0x380];
	[tilespmem:$0x400] =	vst v1;
	v1 =	vadd.f32 v20, v19  }
0x1e5: {  	[tilespmem:$0x480] =	vst v3;
	v3 =	vadd.f32 v22, v21  }
0x1e6: {  	[tilespmem:$0x500] =	vst v1;
	v1 =	vadd.f32 v24, v23  }
0x1e7: {  	[tilespmem:$0x580] =	vst v3;
	v3 =	vadd.f32 v26, v25  }
0x1e8: {  	[tilespmem:$0x600] =	vst v1;
	v1 =	vadd.f32 v2, v27  }
0x1e9: {  	[tilespmem:$0x680] =	vst v3;
	v2 =	vadd.f32 v29, v28  }
0x1ea: {  	[tilespmem:$0x700] =	vst v1  }
0x1eb: {  	[tilespmem:$0x780] =	vst v2  }
0x1ec: {  	[tilespmem:s2], [sflag:$0x1] =	stream.linear.gather [hbm4b:s13+s2], $0x400, $0x38;
	[tilespmem:$0x800] =	vst v63  }
0x1ed: {  	_ =	swait.ge [sflag:s31], $0x400  }
0x1ee: {  	[sflag:s31] =	ssyncset.done $0x0  }
0x1ef: {  	[sflag:s31] =	ssyncadd.s32 $0xFFFFFC00  }
0x1f0: {  	v1 =	vld [tilespmem:$0x400]  }
0x1f1: {  	v2 =	vld [tilespmem:$0x0]  }
0x1f2: {  	v3 =	vld [tilespmem:$0x480]  }
0x1f3: {  	v30 =	vld [tilespmem:$0x80]  }
0x1f4: {  	v31 =	vld [tilespmem:$0x500]  }
0x1f5: {  	v32 =	vld [tilespmem:$0x100]  }
0x1f6: {  	v33 =	vld [tilespmem:$0x580]  }
0x1f7: {  	v34 =	vld [tilespmem:$0x180]  }
0x1f8: {  	v35 =	vld [tilespmem:$0x600]  }
0x1f9: {  	v36 =	vld [tilespmem:$0x200]  }
0x1fa: {  	v37 =	vld [tilespmem:$0x680]  }
0x1fb: {  	v38 =	vld [tilespmem:$0x280]  }
0x1fc: {  	v39 =	vld [tilespmem:$0x700]  }
0x1fd: {  	v40 =	vld [tilespmem:$0x780];
	v1 =	vadd.f32 v2, v1  }
0x1fe: {  	v2 =	vld [tilespmem:$0x300];
	v3 =	vadd.f32 v30, v3  }
0x1ff: {  	v41 =	vld [tilespmem:$0x380];
	[tilespmem:$0x400] =	vst v1;
	v1 =	vadd.f32 v32, v31  }
0x200: {  	[tilespmem:$0x480] =	vst v3;
	v3 =	vadd.f32 v34, v33  }
0x201: {  	[tilespmem:$0x500] =	vst v1;
	v1 =	vadd.f32 v36, v35  }
0x202: {  	[tilespmem:$0x580] =	vst v3;
	v3 =	vadd.f32 v38, v37  }
0x203: {  	[tilespmem:$0x600] =	vst v1;
	v1 =	vadd.f32 v2, v39  }
0x204: {  	[tilespmem:$0x680] =	vst v3;
	v2 =	vadd.f32 v41, v40  }
0x205: {  	[tilespmem:$0x700] =	vst v1  }
0x206: {  	[tilespmem:$0x780] =	vst v2  }
0x207: {  	[tilespmem:s2], [sflag:$0x1] =	stream.linear.gather [hbm4b:s14+s2], $0x400, $0x38;
	[tilespmem:$0x800] =	vst v63  }
0x208: {  	_ =	swait.ge [sflag:s31], $0x400  }
0x209: {  	[sflag:s31] =	ssyncset.done $0x0  }
0x20a: {  	[sflag:s31] =	ssyncadd.s32 $0xFFFFFC00  }
0x20b: {  	v1 =	vld [tilespmem:$0x400]  }
0x20c: {  	v2 =	vld [tilespmem:$0x0]  }
0x20d: {  	v3 =	vld [tilespmem:$0x480]  }
0x20e: {  	v42 =	vld [tilespmem:$0x80]  }
0x20f: {  	v43 =	vld [tilespmem:$0x500]  }
0x210: {  	v44 =	vld [tilespmem:$0x100]  }
0x211: {  	v45 =	vld [tilespmem:$0x580]  }
0x212: {  	v46 =	vld [tilespmem:$0x180]  }
0x213: {  	v47 =	vld [tilespmem:$0x600]  }
0x214: {  	v48 =	vld [tilespmem:$0x200]  }
0x215: {  	v49 =	vld [tilespmem:$0x680]  }
0x216: {  	v50 =	vld [tilespmem:$0x280]  }
0x217: {  	v51 =	vld [tilespmem:$0x700]  }
0x218: {  	v52 =	vld [tilespmem:$0x780];
	v1 =	vadd.f32 v2, v1  }
0x219: {  	v2 =	vld [tilespmem:$0x300];
	v3 =	vadd.f32 v42, v3  }
0x21a: {  	v53 =	vld [tilespmem:$0x380];
	[tilespmem:$0x400] =	vst v1;
	v1 =	vadd.f32 v44, v43  }
0x21b: {  	[tilespmem:$0x480] =	vst v3;
	v3 =	vadd.f32 v46, v45  }
0x21c: {  	[tilespmem:$0x500] =	vst v1;
	v1 =	vadd.f32 v48, v47  }
0x21d: {  	[tilespmem:$0x580] =	vst v3;
	v3 =	vadd.f32 v50, v49  }
0x21e: {  	[tilespmem:$0x600] =	vst v1;
	v1 =	vadd.f32 v2, v51  }
0x21f: {  	[tilespmem:$0x680] =	vst v3;
	v2 =	vadd.f32 v53, v52  }
0x220: {  	[tilespmem:$0x700] =	vst v1  }
0x221: {  	[tilespmem:$0x780] =	vst v2  }
0x222: {  	[tilespmem:s2], [sflag:$0x1] =	stream.linear.gather [hbm4b:s15+s2], $0x400, $0x38;
	[tilespmem:$0x800] =	vst v63  }
0x223: {  	_ =	swait.ge [sflag:s31], $0x400  }
0x224: {  	[sflag:s31] =	ssyncset.done $0x0  }
0x225: {  	[sflag:s31] =	ssyncadd.s32 $0xFFFFFC00  }
0x226: {  	v1 =	vld [tilespmem:$0x400]  }
0x227: {  	v2 =	vld [tilespmem:$0x0]  }
0x228: {  	v3 =	vld [tilespmem:$0x480]  }
0x229: {  	v54 =	vld [tilespmem:$0x80]  }
0x22a: {  	v55 =	vld [tilespmem:$0x500]  }
0x22b: {  	v56 =	vld [tilespmem:$0x100]  }
0x22c: {  	v57 =	vld [tilespmem:$0x580]  }
0x22d: {  	v58 =	vld [tilespmem:$0x180]  }
0x22e: {  	v59 =	vld [tilespmem:$0x600]  }
0x22f: {  	v60 =	vld [tilespmem:$0x200]  }
0x230: {  	v61 =	vld [tilespmem:$0x680]  }
0x231: {  	v62 =	vld [tilespmem:$0x280]  }
0x232: {  	v63 =	vld [tilespmem:$0x700]  }
0x233: {  	v16 =	vld [tilespmem:$0x780];
	v1 =	vadd.f32 v2, v1  }
0x234: {  	v2 =	vld [tilespmem:$0x300];
	v3 =	vadd.f32 v54, v3  }
0x235: {  	v17 =	vld [tilespmem:$0x380];
	[tilespmem:$0x400] =	vst v1;
	v1 =	vadd.f32 v56, v55  }
0x236: {  	[tilespmem:$0x480] =	vst v3;
	v3 =	vadd.f32 v58, v57  }
0x237: {  	[tilespmem:$0x500] =	vst v1;
	v1 =	vadd.f32 v60, v59  }
0x238: {  	[tilespmem:$0x580] =	vst v3;
	v3 =	vadd.f32 v62, v61  }
0x239: {  	[tilespmem:$0x600] =	vst v1;
	v1 =	vadd.f32 v2, v63  }
0x23a: {  	[tilespmem:$0x680] =	vst v3;
	v2 =	vadd.f32 v17, v16  }
0x23b: {  	[tilespmem:$0x700] =	vst v1  }
0x23c: {  	[tilespmem:$0x780] =	vst v2  }
0x23d: {  	[tilespmem:s2], [sflag:$0x1] =	stream.linear.gather [hbm4b:s16+s2], $0x400, $0x38;
	[tilespmem:$0x800] =	vst v63  }
0x23e: {  	_ =	swait.ge [sflag:s31], $0x400  }
0x23f: {  	[sflag:s31] =	ssyncset.done $0x0  }
0x240: {  	[sflag:s31] =	ssyncadd.s32 $0xFFFFFC00  }
0x241: {  	v1 =	vld [tilespmem:$0x400]  }
0x242: {  	v2 =	vld [tilespmem:$0x0]  }
0x243: {  	v3 =	vld [tilespmem:$0x480]  }
0x244: {  	v18 =	vld [tilespmem:$0x80]  }
0x245: {  	v19 =	vld [tilespmem:$0x500]  }
0x246: {  	v20 =	vld [tilespmem:$0x100]  }
0x247: {  	v21 =	vld [tilespmem:$0x580]  }
0x248: {  	v22 =	vld [tilespmem:$0x180]  }
0x249: {  	v23 =	vld [tilespmem:$0x600]  }
0x24a: {  	v24 =	vld [tilespmem:$0x200]  }
0x24b: {  	v25 =	vld [tilespmem:$0x680]  }
0x24c: {  	v26 =	vld [tilespmem:$0x280]  }
0x24d: {  	v27 =	vld [tilespmem:$0x700]  }
0x24e: {  	v28 =	vld [tilespmem:$0x780];
	v1 =	vadd.f32 v2, v1  }
0x24f: {  	v2 =	vld [tilespmem:$0x300];
	v3 =	vadd.f32 v18, v3  }
0x250: {  	v29 =	vld [tilespmem:$0x380];
	[tilespmem:$0x400] =	vst v1;
	v1 =	vadd.f32 v20, v19  }
0x251: {  	[tilespmem:$0x480] =	vst v3;
	v3 =	vadd.f32 v22, v21  }
0x252: {  	[tilespmem:$0x500] =	vst v1;
	v1 =	vadd.f32 v24, v23  }
0x253: {  	[tilespmem:$0x580] =	vst v3;
	v3 =	vadd.f32 v26, v25  }
0x254: {  	[tilespmem:$0x600] =	vst v1;
	v1 =	vadd.f32 v2, v27  }
0x255: {  	[tilespmem:$0x680] =	vst v3;
	v2 =	vadd.f32 v29, v28  }
0x256: {  	[tilespmem:$0x700] =	vst v1  }
0x257: {  	[tilespmem:$0x780] =	vst v2  }
0x258: {  	[tilespmem:s2], [sflag:$0x1] =	stream.linear.gather [hbm4b:s17+s2], $0x400, $0x38;
	[tilespmem:$0x800] =	vst v63  }
0x259: {  	_ =	swait.ge [sflag:s31], $0x400  }
0x25a: {  	[sflag:s31] =	ssyncset.done $0x0  }
0x25b: {  	[sflag:s31] =	ssyncadd.s32 $0xFFFFFC00  }
0x25c: {  	v1 =	vld [tilespmem:$0x400]  }
0x25d: {  	v2 =	vld [tilespmem:$0x0]  }
0x25e: {  	v3 =	vld [tilespmem:$0x480]  }
0x25f: {  	v30 =	vld [tilespmem:$0x80]  }
0x260: {  	v31 =	vld [tilespmem:$0x500]  }
0x261: {  	v32 =	vld [tilespmem:$0x100]  }
0x262: {  	v33 =	vld [tilespmem:$0x580]  }
0x263: {  	v34 =	vld [tilespmem:$0x180]  }
0x264: {  	v35 =	vld [tilespmem:$0x600]  }
0x265: {  	v36 =	vld [tilespmem:$0x200]  }
0x266: {  	v37 =	vld [tilespmem:$0x680]  }
0x267: {  	v38 =	vld [tilespmem:$0x280]  }
0x268: {  	v39 =	vld [tilespmem:$0x700]  }
0x269: {  	v40 =	vld [tilespmem:$0x780];
	v1 =	vadd.f32 v2, v1  }
0x26a: {  	v2 =	vld [tilespmem:$0x300];
	v3 =	vadd.f32 v30, v3  }
0x26b: {  	v41 =	vld [tilespmem:$0x380];
	[tilespmem:$0x400] =	vst v1;
	v1 =	vadd.f32 v32, v31  }
0x26c: {  	[tilespmem:$0x480] =	vst v3;
	v3 =	vadd.f32 v34, v33  }
0x26d: {  	[tilespmem:$0x500] =	vst v1;
	v1 =	vadd.f32 v36, v35  }
0x26e: {  	[tilespmem:$0x580] =	vst v3;
	v3 =	vadd.f32 v38, v37  }
0x26f: {  	[tilespmem:$0x600] =	vst v1;
	v1 =	vadd.f32 v2, v39  }
0x270: {  	[tilespmem:$0x680] =	vst v3;
	v2 =	vadd.f32 v41, v40  }
0x271: {  	[tilespmem:$0x700] =	vst v1  }
0x272: {  	[tilespmem:$0x780] =	vst v2  }
0x273: {  	[tilespmem:s2], [sflag:$0x1] =	stream.linear.gather [hbm4b:s18+s2], $0x400, $0x38;
	[tilespmem:$0x800] =	vst v63  }
0x274: {  	_ =	swait.ge [sflag:s31], $0x400  }
0x275: {  	[sflag:s31] =	ssyncset.done $0x0  }
0x276: {  	[sflag:s31] =	ssyncadd.s32 $0xFFFFFC00  }
0x277: {  	v1 =	vld [tilespmem:$0x400]  }
0x278: {  	v2 =	vld [tilespmem:$0x0]  }
0x279: {  	v3 =	vld [tilespmem:$0x480]  }
0x27a: {  	v42 =	vld [tilespmem:$0x80]  }
0x27b: {  	v43 =	vld [tilespmem:$0x500]  }
0x27c: {  	v44 =	vld [tilespmem:$0x100]  }
0x27d: {  	v45 =	vld [tilespmem:$0x580]  }
0x27e: {  	v46 =	vld [tilespmem:$0x180]  }
0x27f: {  	v47 =	vld [tilespmem:$0x600]  }
0x280: {  	v48 =	vld [tilespmem:$0x200]  }
0x281: {  	v49 =	vld [tilespmem:$0x680]  }
0x282: {  	v50 =	vld [tilespmem:$0x280]  }
0x283: {  	v51 =	vld [tilespmem:$0x700]  }
0x284: {  	v52 =	vld [tilespmem:$0x780];
	v1 =	vadd.f32 v2, v1  }
0x285: {  	v2 =	vld [tilespmem:$0x300];
	v3 =	vadd.f32 v42, v3  }
0x286: {  	v53 =	vld [tilespmem:$0x380];
	[tilespmem:$0x400] =	vst v1;
	v1 =	vadd.f32 v44, v43  }
0x287: {  	[tilespmem:$0x480] =	vst v3;
	v3 =	vadd.f32 v46, v45  }
0x288: {  	[tilespmem:$0x500] =	vst v1;
	v1 =	vadd.f32 v48, v47  }
0x289: {  	[tilespmem:$0x580] =	vst v3;
	v3 =	vadd.f32 v50, v49  }
0x28a: {  	[tilespmem:$0x600] =	vst v1;
	v1 =	vadd.f32 v2, v51  }
0x28b: {  	[tilespmem:$0x680] =	vst v3;
	v2 =	vadd.f32 v53, v52  }
0x28c: {  	[tilespmem:$0x700] =	vst v1  }
0x28d: {  	[tilespmem:$0x780] =	vst v2  }
0x28e: {  	[tilespmem:s2], [sflag:$0x1] =	stream.linear.gather [hbm4b:s19+s2], $0x400, $0x38;
	[tilespmem:$0x800] =	vst v63  }
0x28f: {  	_ =	swait.ge [sflag:s31], $0x400  }
0x290: {  	[sflag:s31] =	ssyncset.done $0x0  }
0x291: {  	[sflag:s31] =	ssyncadd.s32 $0xFFFFFC00  }
0x292: {  	v1 =	vld [tilespmem:$0x400]  }
0x293: {  	v2 =	vld [tilespmem:$0x0]  }
0x294: {  	v3 =	vld [tilespmem:$0x480]  }
0x295: {  	v54 =	vld [tilespmem:$0x80]  }
0x296: {  	v55 =	vld [tilespmem:$0x500]  }
0x297: {  	v56 =	vld [tilespmem:$0x100]  }
0x298: {  	v57 =	vld [tilespmem:$0x580]  }
0x299: {  	v58 =	vld [tilespmem:$0x180]  }
0x29a: {  	v59 =	vld [tilespmem:$0x600]  }
0x29b: {  	v60 =	vld [tilespmem:$0x200]  }
0x29c: {  	v61 =	vld [tilespmem:$0x680]  }
0x29d: {  	v62 =	vld [tilespmem:$0x280]  }
0x29e: {  	v63 =	vld [tilespmem:$0x700]  }
0x29f: {  	v16 =	vld [tilespmem:$0x780];
	v1 =	vadd.f32 v2, v1  }
0x2a0: {  	v2 =	vld [tilespmem:$0x300];
	v3 =	vadd.f32 v54, v3  }
0x2a1: {  	v17 =	vld [tilespmem:$0x380];
	[tilespmem:$0x400] =	vst v1;
	v1 =	vadd.f32 v56, v55  }
0x2a2: {  	[tilespmem:$0x480] =	vst v3;
	v3 =	vadd.f32 v58, v57  }
0x2a3: {  	[tilespmem:$0x500] =	vst v1;
	v1 =	vadd.f32 v60, v59  }
0x2a4: {  	[tilespmem:$0x580] =	vst v3;
	v3 =	vadd.f32 v62, v61  }
0x2a5: {  	[tilespmem:$0x600] =	vst v1;
	v1 =	vadd.f32 v2, v63  }
0x2a6: {  	[tilespmem:$0x680] =	vst v3;
	v2 =	vadd.f32 v17, v16  }
0x2a7: {  	[tilespmem:$0x700] =	vst v1  }
0x2a8: {  	[tilespmem:$0x780] =	vst v2  }
0x2a9: {  	[tilespmem:s2], [sflag:$0x1] =	stream.linear.gather [hbm4b:s20+s2], $0x400, $0x38;
	[tilespmem:$0x800] =	vst v63  }
0x2aa: {  	_ =	swait.ge [sflag:s31], $0x400  }
0x2ab: {  	[sflag:s31] =	ssyncset.done $0x0  }
0x2ac: {  	[sflag:s31] =	ssyncadd.s32 $0xFFFFFC00  }
0x2ad: {  	v1 =	vld [tilespmem:$0x400]  }
0x2ae: {  	v2 =	vld [tilespmem:$0x0]  }
0x2af: {  	v3 =	vld [tilespmem:$0x480]  }
0x2b0: {  	v18 =	vld [tilespmem:$0x80]  }
0x2b1: {  	v19 =	vld [tilespmem:$0x500]  }
0x2b2: {  	v20 =	vld [tilespmem:$0x100]  }
0x2b3: {  	v21 =	vld [tilespmem:$0x580]  }
0x2b4: {  	v22 =	vld [tilespmem:$0x180]  }
0x2b5: {  	v23 =	vld [tilespmem:$0x600]  }
0x2b6: {  	v24 =	vld [tilespmem:$0x200]  }
0x2b7: {  	v25 =	vld [tilespmem:$0x680]  }
0x2b8: {  	v26 =	vld [tilespmem:$0x280]  }
0x2b9: {  	v27 =	vld [tilespmem:$0x700]  }
0x2ba: {  	v28 =	vld [tilespmem:$0x780];
	v1 =	vadd.f32 v2, v1  }
0x2bb: {  	v2 =	vld [tilespmem:$0x300];
	v3 =	vadd.f32 v18, v3  }
0x2bc: {  	v29 =	vld [tilespmem:$0x380];
	[tilespmem:$0x400] =	vst v1;
	v1 =	vadd.f32 v20, v19  }
0x2bd: {  	[tilespmem:$0x480] =	vst v3;
	v3 =	vadd.f32 v22, v21  }
0x2be: {  	[tilespmem:$0x500] =	vst v1;
	v1 =	vadd.f32 v24, v23  }
0x2bf: {  	[tilespmem:$0x580] =	vst v3;
	v3 =	vadd.f32 v26, v25  }
0x2c0: {  	[tilespmem:$0x600] =	vst v1;
	v1 =	vadd.f32 v2, v27  }
0x2c1: {  	[tilespmem:$0x680] =	vst v3;
	v2 =	vadd.f32 v29, v28  }
0x2c2: {  	[tilespmem:$0x700] =	vst v1  }
0x2c3: {  	[tilespmem:$0x780] =	vst v2  }
0x2c4: {  	[tilespmem:s2], [sflag:$0x1] =	stream.linear.gather [hbm4b:s21+s2], $0x400, $0x38;
	[tilespmem:$0x800] =	vst v63  }
0x2c5: {  	_ =	swait.ge [sflag:s31], $0x400  }
0x2c6: {  	[sflag:s31] =	ssyncset.done $0x0  }
0x2c7: {  	[sflag:s31] =	ssyncadd.s32 $0xFFFFFC00  }
0x2c8: {  	v1 =	vld [tilespmem:$0x400]  }
0x2c9: {  	v2 =	vld [tilespmem:$0x0]  }
0x2ca: {  	v3 =	vld [tilespmem:$0x480]  }
0x2cb: {  	v30 =	vld [tilespmem:$0x80]  }
0x2cc: {  	v31 =	vld [tilespmem:$0x500]  }
0x2cd: {  	v32 =	vld [tilespmem:$0x100]  }
0x2ce: {  	v33 =	vld [tilespmem:$0x580]  }
0x2cf: {  	v34 =	vld [tilespmem:$0x180]  }
0x2d0: {  	v35 =	vld [tilespmem:$0x600]  }
0x2d1: {  	v36 =	vld [tilespmem:$0x200]  }
0x2d2: {  	v37 =	vld [tilespmem:$0x680]  }
0x2d3: {  	v38 =	vld [tilespmem:$0x280]  }
0x2d4: {  	v39 =	vld [tilespmem:$0x700]  }
0x2d5: {  	v40 =	vld [tilespmem:$0x780];
	v1 =	vadd.f32 v2, v1  }
0x2d6: {  	v2 =	vld [tilespmem:$0x300];
	v3 =	vadd.f32 v30, v3  }
0x2d7: {  	v41 =	vld [tilespmem:$0x380];
	[tilespmem:$0x400] =	vst v1;
	v1 =	vadd.f32 v32, v31  }
0x2d8: {  	[tilespmem:$0x480] =	vst v3;
	v3 =	vadd.f32 v34, v33  }
0x2d9: {  	[tilespmem:$0x500] =	vst v1;
	v1 =	vadd.f32 v36, v35  }
0x2da: {  	[tilespmem:$0x580] =	vst v3;
	v3 =	vadd.f32 v38, v37  }
0x2db: {  	[tilespmem:$0x600] =	vst v1;
	v1 =	vadd.f32 v2, v39  }
0x2dc: {  	[tilespmem:$0x680] =	vst v3;
	v2 =	vadd.f32 v41, v40  }
0x2dd: {  	[tilespmem:$0x700] =	vst v1  }
0x2de: {  	[tilespmem:$0x780] =	vst v2  }
0x2df: {  	[tilespmem:s2], [sflag:$0x1] =	stream.linear.gather [hbm4b:s22+s2], $0x400, $0x38;
	[tilespmem:$0x800] =	vst v63  }
0x2e0: {  	_ =	swait.ge [sflag:s31], $0x400  }
0x2e1: {  	[sflag:s31] =	ssyncset.done $0x0  }
0x2e2: {  	[sflag:s31] =	ssyncadd.s32 $0xFFFFFC00  }
0x2e3: {  	v1 =	vld [tilespmem:$0x400]  }
0x2e4: {  	v2 =	vld [tilespmem:$0x0]  }
0x2e5: {  	v3 =	vld [tilespmem:$0x480]  }
0x2e6: {  	v42 =	vld [tilespmem:$0x80]  }
0x2e7: {  	v43 =	vld [tilespmem:$0x500]  }
0x2e8: {  	v44 =	vld [tilespmem:$0x100]  }
0x2e9: {  	v45 =	vld [tilespmem:$0x580]  }
0x2ea: {  	v46 =	vld [tilespmem:$0x180]  }
0x2eb: {  	v47 =	vld [tilespmem:$0x600]  }
0x2ec: {  	v48 =	vld [tilespmem:$0x200]  }
0x2ed: {  	v49 =	vld [tilespmem:$0x680]  }
0x2ee: {  	v50 =	vld [tilespmem:$0x280]  }
0x2ef: {  	v51 =	vld [tilespmem:$0x700]  }
0x2f0: {  	v52 =	vld [tilespmem:$0x780];
	v1 =	vadd.f32 v2, v1  }
0x2f1: {  	v2 =	vld [tilespmem:$0x300];
	v3 =	vadd.f32 v42, v3  }
0x2f2: {  	v53 =	vld [tilespmem:$0x380];
	[tilespmem:$0x400] =	vst v1;
	v1 =	vadd.f32 v44, v43  }
0x2f3: {  	[tilespmem:$0x480] =	vst v3;
	v3 =	vadd.f32 v46, v45  }
0x2f4: {  	[tilespmem:$0x500] =	vst v1;
	v1 =	vadd.f32 v48, v47  }
0x2f5: {  	[tilespmem:$0x580] =	vst v3;
	v3 =	vadd.f32 v50, v49  }
0x2f6: {  	[tilespmem:$0x600] =	vst v1;
	v1 =	vadd.f32 v2, v51  }
0x2f7: {  	[tilespmem:$0x680] =	vst v3;
	v2 =	vadd.f32 v53, v52  }
0x2f8: {  	[tilespmem:$0x700] =	vst v1  }
0x2f9: {  	[tilespmem:$0x780] =	vst v2  }
0x2fa: {  	[tilespmem:s2], [sflag:$0x1] =	stream.linear.gather [hbm4b:s23+s2], $0x400, $0x38;
	[tilespmem:$0x800] =	vst v63  }
0x2fb: {  	_ =	swait.ge [sflag:s31], $0x400  }
0x2fc: {  	[sflag:s31] =	ssyncset.done $0x0  }
0x2fd: {  	[sflag:s31] =	ssyncadd.s32 $0xFFFFFC00  }
0x2fe: {  	v1 =	vld [tilespmem:$0x400]  }
0x2ff: {  	v2 =	vld [tilespmem:$0x0]  }
0x300: {  	v3 =	vld [tilespmem:$0x480]  }
0x301: {  	v54 =	vld [tilespmem:$0x80]  }
0x302: {  	v55 =	vld [tilespmem:$0x500]  }
0x303: {  	v56 =	vld [tilespmem:$0x100]  }
0x304: {  	v57 =	vld [tilespmem:$0x580]  }
0x305: {  	v58 =	vld [tilespmem:$0x180]  }
0x306: {  	v59 =	vld [tilespmem:$0x600]  }
0x307: {  	v60 =	vld [tilespmem:$0x200]  }
0x308: {  	v61 =	vld [tilespmem:$0x680]  }
0x309: {  	v62 =	vld [tilespmem:$0x280]  }
0x30a: {  	v63 =	vld [tilespmem:$0x700]  }
0x30b: {  	v14 =	vld [tilespmem:$0x780];
	v1 =	vadd.f32 v2, v1  }
0x30c: {  	v2 =	vld [tilespmem:$0x300];
	v3 =	vadd.f32 v54, v3  }
0x30d: {  	v15 =	vld [tilespmem:$0x380];
	[tilespmem:$0x400] =	vst v1;
	v1 =	vadd.f32 v56, v55  }
0x30e: {  	[tilespmem:$0x480] =	vst v3;
	v3 =	vadd.f32 v58, v57  }
0x30f: {  	[tilespmem:$0x500] =	vst v1;
	v1 =	vadd.f32 v60, v59  }
0x310: {  	[tilespmem:$0x580] =	vst v3;
	v3 =	vadd.f32 v62, v61  }
0x311: {  	[tilespmem:$0x600] =	vst v1;
	v1 =	vadd.f32 v2, v63  }
0x312: {  	[tilespmem:$0x680] =	vst v3;
	v2 =	vadd.f32 v15, v14  }
0x313: {  	[tilespmem:$0x700] =	vst v1  }
0x314: {  	[tilespmem:$0x780] =	vst v2  }
0x315: {  	[tilespmem:s2], [sflag:$0x1] =	stream.linear.gather [hbm4b:s24+s2], $0x400, $0x38;
	[tilespmem:$0x800] =	vst v63  }
0x316: {  	_ =	swait.ge [sflag:s31], $0x400  }
0x317: {  	[sflag:s31] =	ssyncset.done $0x0  }
0x318: {  	[sflag:s31] =	ssyncadd.s32 $0xFFFFFC00  }
0x319: {  	v1 =	vld [tilespmem:$0x400]  }
0x31a: {  	v2 =	vld [tilespmem:$0x0]  }
0x31b: {  	v3 =	vld [tilespmem:$0x480]  }
0x31c: {  	v16 =	vld [tilespmem:$0x80]  }
0x31d: {  	v17 =	vld [tilespmem:$0x500]  }
0x31e: {  	v18 =	vld [tilespmem:$0x100]  }
0x31f: {  	v19 =	vld [tilespmem:$0x580]  }
0x320: {  	v20 =	vld [tilespmem:$0x180]  }
0x321: {  	v21 =	vld [tilespmem:$0x600]  }
0x322: {  	v22 =	vld [tilespmem:$0x200]  }
0x323: {  	v23 =	vld [tilespmem:$0x680]  }
0x324: {  	v24 =	vld [tilespmem:$0x280]  }
0x325: {  	v25 =	vld [tilespmem:$0x700]  }
0x326: {  	v26 =	vld [tilespmem:$0x780];
	v1 =	vadd.f32 v2, v1  }
0x327: {  	v2 =	vld [tilespmem:$0x300];
	v3 =	vadd.f32 v16, v3  }
0x328: {  	v27 =	vld [tilespmem:$0x380];
	[tilespmem:$0x400] =	vst v1;
	v1 =	vadd.f32 v18, v17  }
0x329: {  	[tilespmem:$0x480] =	vst v3;
	v3 =	vadd.f32 v20, v19  }
0x32a: {  	[tilespmem:$0x500] =	vst v1;
	v1 =	vadd.f32 v22, v21  }
0x32b: {  	[tilespmem:$0x580] =	vst v3;
	v3 =	vadd.f32 v24, v23  }
0x32c: {  	[tilespmem:$0x600] =	vst v1;
	v1 =	vadd.f32 v2, v25  }
0x32d: {  	[tilespmem:$0x680] =	vst v3;
	v2 =	vadd.f32 v27, v26  }
0x32e: {  	[tilespmem:$0x700] =	vst v1  }
0x32f: {  	[tilespmem:$0x780] =	vst v2  }
0x330: {  	[tilespmem:s2], [sflag:$0x1] =	stream.linear.gather [hbm4b:s25+s2], $0x400, $0x38;
	[tilespmem:$0x800] =	vst v63  }
0x331: {  	_ =	swait.ge [sflag:s31], $0x400  }
0x332: {  	[sflag:s31] =	ssyncset.done $0x0  }
0x333: {  	[sflag:s31] =	ssyncadd.s32 $0xFFFFFC00  }
0x334: {  	v1 =	vld [tilespmem:$0x400]  }
0x335: {  	v2 =	vld [tilespmem:$0x0]  }
0x336: {  	v3 =	vld [tilespmem:$0x480]  }
0x337: {  	v28 =	vld [tilespmem:$0x80]  }
0x338: {  	v29 =	vld [tilespmem:$0x500]  }
0x339: {  	v30 =	vld [tilespmem:$0x100]  }
0x33a: {  	v31 =	vld [tilespmem:$0x580]  }
0x33b: {  	v32 =	vld [tilespmem:$0x180]  }
0x33c: {  	v33 =	vld [tilespmem:$0x600]  }
0x33d: {  	v34 =	vld [tilespmem:$0x200]  }
0x33e: {  	v35 =	vld [tilespmem:$0x680]  }
0x33f: {  	v36 =	vld [tilespmem:$0x280]  }
0x340: {  	v37 =	vld [tilespmem:$0x700]  }
0x341: {  	v38 =	vld [tilespmem:$0x780];
	v1 =	vadd.f32 v2, v1  }
0x342: {  	v2 =	vld [tilespmem:$0x300];
	v3 =	vadd.f32 v28, v3  }
0x343: {  	v39 =	vld [tilespmem:$0x380];
	[tilespmem:$0x400] =	vst v1;
	v1 =	vadd.f32 v30, v29  }
0x344: {  	[tilespmem:$0x480] =	vst v3;
	v3 =	vadd.f32 v32, v31  }
0x345: {  	[tilespmem:$0x500] =	vst v1;
	v1 =	vadd.f32 v34, v33  }
0x346: {  	[tilespmem:$0x580] =	vst v3;
	v3 =	vadd.f32 v36, v35  }
0x347: {  	[tilespmem:$0x600] =	vst v1;
	v1 =	vadd.f32 v2, v37  }
0x348: {  	[tilespmem:$0x680] =	vst v3;
	v2 =	vadd.f32 v39, v38  }
0x349: {  	[tilespmem:$0x700] =	vst v1  }
0x34a: {  	[tilespmem:$0x780] =	vst v2  }
0x34b: {  	[tilespmem:s2], [sflag:$0x1] =	stream.linear.gather [hbm4b:s26+s2], $0x400, $0x38;
	[tilespmem:$0x800] =	vst v63  }
0x34c: {  	_ =	swait.ge [sflag:s31], $0x400  }
0x34d: {  	[sflag:s31] =	ssyncset.done $0x0  }
0x34e: {  	[sflag:s31] =	ssyncadd.s32 $0xFFFFFC00  }
0x34f: {  	v1 =	vld [tilespmem:$0x400]  }
0x350: {  	v2 =	vld [tilespmem:$0x0]  }
0x351: {  	v3 =	vld [tilespmem:$0x480]  }
0x352: {  	v40 =	vld [tilespmem:$0x80]  }
0x353: {  	v41 =	vld [tilespmem:$0x500]  }
0x354: {  	v42 =	vld [tilespmem:$0x100]  }
0x355: {  	v43 =	vld [tilespmem:$0x580]  }
0x356: {  	v44 =	vld [tilespmem:$0x180]  }
0x357: {  	v45 =	vld [tilespmem:$0x600]  }
0x358: {  	v46 =	vld [tilespmem:$0x200]  }
0x359: {  	v47 =	vld [tilespmem:$0x680]  }
0x35a: {  	v48 =	vld [tilespmem:$0x280]  }
0x35b: {  	v49 =	vld [tilespmem:$0x700]  }
0x35c: {  	v50 =	vld [tilespmem:$0x780];
	v1 =	vadd.f32 v2, v1  }
0x35d: {  	v2 =	vld [tilespmem:$0x300];
	v3 =	vadd.f32 v40, v3  }
0x35e: {  	v51 =	vld [tilespmem:$0x380];
	[tilespmem:$0x400] =	vst v1;
	v1 =	vadd.f32 v42, v41  }
0x35f: {  	[tilespmem:$0x480] =	vst v3;
	v3 =	vadd.f32 v44, v43  }
0x360: {  	[tilespmem:$0x500] =	vst v1;
	v1 =	vadd.f32 v46, v45  }
0x361: {  	[tilespmem:$0x580] =	vst v3;
	v3 =	vadd.f32 v48, v47  }
0x362: {  	[tilespmem:$0x600] =	vst v1;
	v1 =	vadd.f32 v2, v49  }
0x363: {  	[tilespmem:$0x680] =	vst v3;
	v2 =	vadd.f32 v51, v50  }
0x364: {  	[tilespmem:$0x700] =	vst v1  }
0x365: {  	[tilespmem:$0x780] =	vst v2  }
0x366: {  	[tilespmem:s2], [sflag:$0x1] =	stream.linear.gather [hbm4b:s28+s2], $0x400, $0x38;
	[tilespmem:$0x800] =	vst v63  }
0x367: {  	_ =	swait.ge [sflag:s31], $0x400  }
0x368: {  	[sflag:s31] =	ssyncset.done $0x0  }
0x369: {  	[sflag:s31] =	ssyncadd.s32 $0xFFFFFC00  }
0x36a: {  	v1 =	vld [tilespmem:$0x400]  }
0x36b: {  	v2 =	vld [tilespmem:$0x0]  }
0x36c: {  	v3 =	vld [tilespmem:$0x480]  }
0x36d: {  	v52 =	vld [tilespmem:$0x80]  }
0x36e: {  	v53 =	vld [tilespmem:$0x500]  }
0x36f: {  	v54 =	vld [tilespmem:$0x100]  }
0x370: {  	v55 =	vld [tilespmem:$0x580]  }
0x371: {  	v56 =	vld [tilespmem:$0x180]  }
0x372: {  	v57 =	vld [tilespmem:$0x600]  }
0x373: {  	v58 =	vld [tilespmem:$0x200]  }
0x374: {  	v59 =	vld [tilespmem:$0x680]  }
0x375: {  	v60 =	vld [tilespmem:$0x280]  }
0x376: {  	v61 =	vld [tilespmem:$0x700]  }
0x377: {  	v62 =	vld [tilespmem:$0x780];
	v1 =	vadd.f32 v2, v1  }
0x378: {  	v2 =	vld [tilespmem:$0x300];
	v3 =	vadd.f32 v52, v3  }
0x379: {  	v63 =	vld [tilespmem:$0x380];
	[tilespmem:$0x400] =	vst v1;
	v1 =	vadd.f32 v54, v53  }
0x37a: {  	[tilespmem:$0x480] =	vst v3;
	v3 =	vadd.f32 v56, v55  }
0x37b: {  	[tilespmem:$0x500] =	vst v1;
	v1 =	vadd.f32 v58, v57  }
0x37c: {  	[tilespmem:$0x580] =	vst v3;
	v3 =	vadd.f32 v60, v59  }
0x37d: {  	[tilespmem:$0x600] =	vst v1;
	v1 =	vadd.f32 v2, v61  }
0x37e: {  	[tilespmem:$0x680] =	vst v3;
	v2 =	vadd.f32 v63, v62  }
0x37f: {  	p0 =	sne.s32 s30, $0x1;
	[tilespmem:$0x700] =	vst v1  }
.Ltmp0:
0x380: {  	[tilespmem:$0x780] =	vst v2;
	(pc) =	sbr.rel @p0 .LBB2_1-.Ltmp0, $4  }
0x381: {  	[hbm4b:s29+s2] =	stream.linear.scatter [tilespmem:s1], [sflag:$0x1], $0x400, $0x38;
	[tilespmem:$0x800] =	vst v63  }
0x382: {  	_ =	swait.ge [sflag:s31], $0x400  }
0x383: {  	[sflag:s31] =	ssyncset.done $0x0  }
0x384: {  	s30 =	sadd.s32 $0xFFFFFFFF, s30;
	[sflag:s31] =	ssyncadd.s32 $0xFFFFFC00  }
0x385: {  	_ =	sfence.sel $0x180000  }
0x386: {  	[bflag:$0x0] =	sbarrier.arrive $0xFFFF  }
0x387: {  	_ =	strace $0x9000004A  }
0x388: {  	s0 =	stileid.u32;
	[bflag:$0x2] =	sbarrier.arrive $0xFFFF  }
0x389: {  	p0 =	sne.s32 s0, $0x0;
	s0 =	rddreg [dreg:$0x1]  }
0x38a: {  	s0 =	sadd.s32 @!p0 $0x100000, s0  }
0x38b: {  	[sflag:s0] =	ssyncadd.tile.s32 @!p0 $0x1;
	_ =	shalt  }
.Lfunc_end2:
_tile_overlayer_lowered:
.L_overlay_start_2:
0x38c: {  	(tag) =	ssettag $0x2  }
0x38d: {  	s0 =	rddreg [dreg:$0x0];
	s2 =	stileid.u32  }
0x38e: {  	s1 =	rddreg [dreg:$0x1];
	p0 =	sne.s32 s2, $0x0  }
0x38f: {  	s3 =	rddreg [dreg:$0x2];
	[bflag:$0x3] =	sbarrier.arrive $0xFFFF;
	s2 =	simm.s32 @!p0 $0x1C01  }
0x390: {  	[timem:s3], [sflag:s2] =	dma.local @!p0 [hbm:s0], s1  }
0x391: {  	s0 =	simm.s32 @!p0 $0x1  }
0x392: {  	_ =	swait.ge @!p0 [sflag:s0], s1  }
0x393: {  	s1 =	ssub.s32 @!p0 $0x0, s1;
	[sflag:s0] =	ssyncset.done @!p0 $0x0  }
0x394: {  	[sflag:s0] =	ssyncadd.s32 @!p0 s1  }
0x395: {  	[bflag:$0x3] =	sbarrier.arrive $0xFFFF  }
0x396: {  	_ =	shalt  }

// kernel: kernel.7.cloned.1.call-start
scs
__scs_entry_jumppad:
0x0: {  	(pc) =	sbr.rel $0x88, $3  }
0x1: {  	(tag) =	ssettag $0x0;
	lr =	simm.s32 $0x1  }
0x2: {  	[smem:$0x3F95] =	sst lr;
	_ =	strace $0xD0000000  }
0x3: {  	_ = 	snop  }
0x4: {  	_ = 	snop  }
0x5: {  	_ = 	snop  }
0x6: {  	_ = 	snop  }
0x7: {  	_ = 	snop  }
__scs_overlays_trampoline_lowered:
0x8: {  	[smem:$0x3FA4] =	sst s0  }
0x9: {  	[smem:$0x3FA5] =	sst s1  }
0xa: {  	[smem:$0x3FA6] =	sst s2  }
0xb: {  	[smem:$0x3FA7] =	sst s3  }
0xc: {  	[smem:$0x3FA8] =	sst s4  }
0xd: {  	[smem:$0x3FA9] =	sst s5  }
0xe: {  	[smem:$0x3FAA] =	sst s6  }
0xf: {  	[smem:$0x3FAB] =	sst s7  }
0x10: {  	[smem:$0x3FAC] =	sst s8  }
0x11: {  	[smem:$0x3FAD] =	sst s9;
	s0 =	simm.s32 @!p0 $0x0  }
0x12: {  	s1 =	sld [smem:$0x3F93];
	s0 =	simm.s32 @p0 $0x1  }
0x13: {  	[smem:$0x3FAE] =	sst s0;
	s0 =	simm.s32 @!p1 $0x0  }
0x14: {  	s2 =	sld [smem:$0x3F92];
	s0 =	simm.s32 @p1 $0x1  }
0x15: {  	[smem:$0x3FAF] =	sst s0;
	s0 =	simm.s32 @!p2 $0x0  }
0x16: {  	s3 =	sld [smem:$0x3FDB];
	s0 =	simm.s32 @p2 $0x1  }
0x17: {  	s4 =	simm.s32 $0x1BF5;
	[smem:$0x3FB1] =	sst s0  }
0x18: {  	s0 =	sld [smem:$0x3F94];
	_ =	swait.ge [sflag:s4], $0x0  }
0x19: {  	s7 =	sld [smem:$0x3F95]  }
0x1a: {  	s8 =	sadd.s32 $0xFFFFE003, lr  }
0x1b: {  	s9 =	sadd.s32 $0xFFFFFEF7, lr;
	s5 =	simm.s32 $0xFFFFFFFF;
	p2 =	slt.u32 s8, $0xFFFFF086  }
0x1c: {  	p1 =	slt.u32 s9, $0xF7A;
	s5 =	simm.s32 @!p2 $0x0  }
0x1d: {  	s5 =	simm.s32 @p1 $0x1;
	p0 =	seq.s32 s7, s2  }
0x1e: {  	s7 =	smul.u32 @!p0 $0xF7A, s2;
	p2 =	seq.s32 @!p0 s5, $0x0  }
0x1f: {  	s9 =	smul.u32 $0xF7A, s1;
	s8 =	simm.s32 @!p0 $0x1BF5;
	p2 =	por !p2, p0  }
0x20: {  	[sflag:s8] =	ssyncset.s32 @!p0 $0xFFFFF086;
	s6 =	sadd.s32 @!p0 s3, s7;
	s7 =	simm.s32 @!p0 $0x108  }
0x21: {  	s3 =	sadd.s32 s3, s9;
	s6 =	sadd.s32 @!p0 $0x88, s6;
	s7 =	simm.s32 @p2 $0x1082  }
0x22: {  	[simem:s7], [sflag:s8] =	dma.local @!p0 [hbm:s6], $0xF7A  }
0x23: {  	s9 =	sor.u32 $0xD0000000, s2;
	s6 =	simm.s32 $0x108;
	_ =	swait.ge @!p0 [sflag:s8], $0x0  }
0x24: {  	s3 =	sadd.s32 $0x88, s3;
	s6 =	simm.s32 @!p1 $0x1082;
	[sflag:s4] =	ssyncset.s32 $0xFFFFF086  }
0x25: {  	[simem:s6], [sflag:s4] =	dma.local [hbm:s3], $0xF7A  }
0x26: {  	[smem:$0x3F95] =	sst s1;
	(tag) =	ssettag s2;
	_ =	strace s9  }
0x27: {  	s1 =	sld [smem:$0x3FA5]  }
0x28: {  	s2 =	sld [smem:$0x3FA6]  }
0x29: {  	s4 =	sld [smem:$0x3FA8]  }
0x2a: {  	p0 =	seq.s32 s5, $0x0;
	s5 =	sld [smem:$0x3FA9]  }
0x2b: {  	s6 =	sld [smem:$0x3FAA]  }
0x2c: {  	s7 =	sld [smem:$0x3FAB]  }
0x2d: {  	s3 =	simm.s32 $0x108;
	s8 =	sld [smem:$0x3FAC]  }
0x2e: {  	s3 =	simm.s32 @!p0 $0x1082;
	s9 =	sld [smem:$0x3FAD]  }
0x2f: {  	lr =	sadd.s32 s0, s3;
	s0 =	sld [smem:$0x3FA4]  }
0x30: {  	s3 =	sld [smem:$0x3FA7]  }
0x31: {  	[smem:$0x3FB0] =	sst s10  }
0x32: {  	s10 =	sld [smem:$0x3FAE];
	_ =	sdelay $0x3  }
0x33: {  	p0 =	seq.s32 s10, $0x1;
	s10 =	sld [smem:$0x3FB0];
	_ =	sdelay $0x3  }
0x34: {  	[smem:$0x3FB0] =	sst s10  }
0x35: {  	s10 =	sld [smem:$0x3FAF];
	_ =	sdelay $0x3  }
0x36: {  	p1 =	seq.s32 s10, $0x1;
	s10 =	sld [smem:$0x3FB0];
	_ =	sdelay $0x3  }
0x37: {  	[smem:$0x3FB0] =	sst s10  }
0x38: {  	s10 =	sld [smem:$0x3FB1]  }
0x39: {  	_ = 	snop;
	(pc) =	sbr.ind lr, $3  }
0x3a: {  	_ = 	snop  }
0x3b: {  	_ = 	snop  }
0x3c: {  	p2 =	seq.s32 s10, $0x1;
	s10 =	sld [smem:$0x3FB0]  }
0x3d: {  	_ =	shalt  }
0x3e: {  	_ =	shalt  }
0x3f: {  	_ =	shalt  }
0x40: {  	_ =	shalt  }
0x41: {  	_ =	shalt  }
0x42: {  	_ =	shalt  }
0x43: {  	_ =	shalt  }
0x44: {  	_ =	shalt  }
0x45: {  	_ =	shalt  }
0x46: {  	_ =	shalt  }
0x47: {  	_ =	shalt  }
0x48: {  	_ =	shalt  }
0x49: {  	_ =	shalt  }
0x4a: {  	_ =	shalt  }
0x4b: {  	_ =	shalt  }
0x4c: {  	_ =	shalt  }
0x4d: {  	_ =	shalt  }
0x4e: {  	_ =	shalt  }
0x4f: {  	_ =	shalt  }
0x50: {  	_ =	shalt  }
0x51: {  	_ =	shalt  }
0x52: {  	_ =	shalt  }
0x53: {  	_ =	shalt  }
0x54: {  	_ =	shalt  }
0x55: {  	_ =	shalt  }
0x56: {  	_ =	shalt  }
0x57: {  	_ =	shalt  }
0x58: {  	_ =	shalt  }
0x59: {  	_ =	shalt  }
0x5a: {  	_ =	shalt  }
0x5b: {  	_ =	shalt  }
0x5c: {  	_ =	shalt  }
0x5d: {  	_ =	shalt  }
0x5e: {  	_ =	shalt  }
0x5f: {  	_ =	shalt  }
0x60: {  	_ =	shalt  }
0x61: {  	_ =	shalt  }
0x62: {  	_ =	shalt  }
0x63: {  	_ =	shalt  }
0x64: {  	_ =	shalt  }
0x65: {  	_ =	shalt  }
0x66: {  	_ =	shalt  }
0x67: {  	_ =	shalt  }
0x68: {  	_ =	shalt  }
0x69: {  	_ =	shalt  }
0x6a: {  	_ =	shalt  }
0x6b: {  	_ =	shalt  }
0x6c: {  	_ =	shalt  }
0x6d: {  	_ =	shalt  }
0x6e: {  	_ =	shalt  }
0x6f: {  	_ =	shalt  }
0x70: {  	_ =	shalt  }
0x71: {  	_ =	shalt  }
0x72: {  	_ =	shalt  }
0x73: {  	_ =	shalt  }
0x74: {  	_ =	shalt  }
0x75: {  	_ =	shalt  }
0x76: {  	_ =	shalt  }
0x77: {  	_ =	shalt  }
0x78: {  	_ =	shalt  }
0x79: {  	_ =	shalt  }
0x7a: {  	_ =	shalt  }
0x7b: {  	_ =	shalt  }
0x7c: {  	_ =	shalt  }
0x7d: {  	_ =	shalt  }
0x7e: {  	_ =	shalt  }
0x7f: {  	_ =	shalt  }
0x80: {  	_ =	shalt  }
0x81: {  	_ =	shalt  }
0x82: {  	_ =	shalt  }
0x83: {  	_ =	shalt  }
0x84: {  	_ =	shalt  }
0x85: {  	_ =	shalt  }
0x86: {  	_ =	shalt  }
0x87: {  	_ =	shalt  }
.Lfunc_end0:
.L_simem_size_0:
called_computation_lowered:
.L_overlay_start_0:
0x88: {  	s2 =	sld [smem:$0x3FD9]  }
0x89: {  	s3 =	sld [smem:$0x3FFE];
	_ =	sdelay $0x1  }
0x8a: {  	s1 =	srdreg.scid  }
0x8b: {  	s0 =	sand.u32 $0x1, s1  }
0x8c: {  	s17 =	sshll.u32 s0, $0xA;
	s2 =	sadd.s32 s3, s2  }
0x8d: {  	s2 =	sadd.s32 s2, s17  }
0x8e: {  	[smem:$0x3FBC] =	sst s2  }
0x8f: {  	_ = 	snop  }
0x90: {  	s2 =	sld [smem:$0x3FD0];
	(tm) =	ssettm $0x1  }
0x91: {  	s18 =	sld [smem:$0x3FFB];
	_ =	sdelay $0x3  }
0x92: {  	_ =	strace s18  }
0x93: {  	s3 =	sld [smem:$0x3FFC];
	_ =	sdelay $0x3  }
0x94: {  	_ =	strace s3  }
0x95: {  	s3 =	sld [smem:$0x3FFD];
	_ =	sdelay $0x3  }
0x96: {  	_ =	strace s3  }
0x97: {  	_ =	strace $0x8FFFFFFF  }
0x98: {  	s19 =	sld [smem:$0x3FDB];
	_ =	sdelay $0x1  }
0x99: {  	s4 =	simm.s32 $_scs_section_size  }
0x9a: {  	s5 =	simm.s32 $_size__tile_overlayer_lowered;
	s6 =	simm.s32 $_tile_overlayer_lowered  }
0x9b: {  	s22 =	simm.s32 $0x1BFF;
	s21 =	sshll.u32 s6, $0x1;
	s3 =	sadd.s32 s4, s19  }
0x9c: {  	s7 =	simm.s32 $0x0;
	s20 =	sshll.u32 s5, $0x1;
	s5 =	sadd.s32 s21, s3  }
0x9d: {  	[timem:s7], [sflag:s22] =	dma.local [hbm:s5], s20  }
0x9e: {  	_ =	swait.ge [sflag:s22], s20  }
0x9f: {  	s4 =	ssub.s32 $0x0, s20;
	[sflag:s22] =	ssyncset.done $0x0  }
0xa0: {  	[sflag:s22] =	ssyncadd.s32 s4;
	_ =	sdelay $0x1  }
0xa1: {  	s23 =	simm.s32 $0x1B8B  }
0xa2: {  	_ =	swait.ge [sflag:s23], $0x1  }
0xa3: {  	[sflag:s23] =	ssyncset.done $0x0  }
0xa4: {  	s25 =	simm.s32 $0x1B8E;
	s24 =	sld [smem:$0x3FFE];
	[sflag:s23] =	ssyncadd.s32 $0xFFFFFFFF  }
0xa5: {  	s26 =	simm.s32 $execute0_lowered;
	[smem:$0x3FD2] =	sst s25  }
0xa6: {  	s5 =	sshll.u32 s26, $0x1;
	_ =	strace $0x80000046;
	[dreg:$0x1] =	wrdreg $0xFFFFFFFF  }
0xa7: {  	s28 =	simm.s32 $_size_execute0_lowered;
	s3 =	sadd.s32 s3, s5;
	[dreg:$0x0] =	wrdreg $0x0  }
0xa8: {  	s5 =	sshll.u32 s28, $0x1;
	[dreg:$0x2] =	wrdreg s3  }
0xa9: {  	[dreg:$0x3] =	wrdreg s5  }
0xaa: {  	[dreg:$0x4] =	wrdreg $0xC0  }
0xab: {  	_ =	task [dreg:s7], $0x5FFFF  }
0xac: {  	[dreg:$0x1] =	wrdreg $0xFFFFFFFF  }
0xad: {  	[dreg:$0x0] =	wrdreg $0x60  }
0xae: {  	[dreg:$0x2] =	wrdreg s2  }
0xaf: {  	[dreg:$0x3] =	wrdreg s24  }
0xb0: {  	[dreg:$0x4] =	wrdreg $0x9  }
0xb1: {  	_ =	task.clear_ibuf [dreg:s7], $0x5FFFF;
	_ =	strace $0x90000046  }
0xb2: {  	s29 =	simm.s32 $0x9;
	_ =	strace $0x80000048  }
0xb3: {  	_ =	swait.ge [sflag:s29], $0x1  }
0xb4: {  	[sflag:s29] =	ssyncadd.s32 $0xFFFFFFFF  }
0xb5: {  	_ =	strace $0x90000048  }
0xb6: {  	_ =	sfence  }
0xb7: {  	s30 =	sld [smem:$0x0];
	_ =	sdelay $0x2  }
0xb8: {  	s31 =	sshll.u32 s1, $0xD;
	s1 =	sshrl.u32 s1, $0x2  }
0xb9: {  	s3 =	sand.u32 $0x4000, s31;
	s1 =	sadd.s32 s1, s30  }
0xba: {  	s0 =	sor.u32 s3, s0;
	s1 =	sshll.u32 s1, $0x11  }
0xbb: {  	s0 =	sor.u32 s1, s0  }
0xbc: {  	s0 =	sadd.s32 $0x8F2B, s0  }
0xbd: {  	[sflag:s0] =	ssyncadd.remote.s32 $0x1  }
0xbe: {  	_ =	sfence.sel $0xFFFF  }
0xbf: {  	[dreg:$0x0] =	wrdreg $0xFFFFFFFF;
	(pc) =	sbr.abs _section_cstart, $3  }
0xc0: {  	[dreg:$0x1] =	wrdreg $0xFFFFFFFF  }
0xc1: {  	_ =	task.clear_ibuf [dreg:s7], $0x2FFFF;
	_ =	strace $0x9FFFFFFF  }
0xc2: {  	(tm) =	ssettm $0x7FFFFFFF  }
0xc3: {  	_ =	shalt  }
tec
execute0_lowered:
.L_overlay_start_1:
0x0: {  	(tag) =	ssettag $0x1  }
0x1: {  	s3 =	rddreg [dreg:$0x0]  }
0x2: {  	s4 =	rddreg [dreg:$0x1];
	s1 =	srdreg.scid  }
0x3: {  	s0 =	rddreg [dreg:$0x2];
	s2 =	simm.s32 $0x0;
	s10 =	simm.s32 $0x9000  }
0x4: {  	s11 =	simm.s32 $0x0;
	s5 =	sand.u32 $0x1, s1;
	[smem:$0x7FF] =	sst s2  }
0x5: {  	s1 =	stileid.u32;
	s6 =	sshll.u32 s5, $0x4;
	s5 =	ssub.s32 $0x2, s5  }
0x6: {  	_ =	strace $0x80000047;
	s6 =	sor.u32 s1, s6;
	s8 =	sshrl.u32 s5, $0x1  }
0x7: {  	s7 =	sshll.u32 s6, $0xB;
	s6 =	sshll.u32 s6, $0xC;
	s8 =	ssub.s32 s5, s8  }
0x8: {  	s9 =	sadd.s32 s7, s4;
	s6 =	sadd.s32 s6, s4;
	s3 =	sadd.s32 s3, s7  }
0x9: {  	s7 =	simm.s32 $0x1;
	s4 =	sadd.s32 $0x3000, s9;
	s5 =	sadd.s32 $0x13000, s6  }
0xa: {  	v0 =	vimm.f32 $0.0e+00;
	s6 =	smax.u32 s8, $0x1;
	s8 =	simm.s32 $0x4000;
	s9 =	simm.s32 $0x8000  }
.LBB2_1:
0xb: {  	[tilespmem:s2], [sflag:$0x1] =	stream.linear.gather [hbm4b:s3+s2], $0x4000, $0x38;
	[tilespmem:$0x11000] =	vst v63  }
0xc: {  	_ =	swait.ge [sflag:s7], $0x4000  }
0xd: {  	[sflag:s7] =	ssyncset.done $0x0  }
0xe: {  	[sflag:s7] =	ssyncadd.s32 $0xFFFFC000  }
0xf: {  	[tilespmem:s8], [sflag:$0x1] =	stream.linear.gather [hbm4b:s4+s2], $0x4000, $0x38;
	[tilespmem:$0x11000] =	vst v63  }
0x10: {  	_ =	swait.ge [sflag:s7], $0x4000  }
0x11: {  	[sflag:s7] =	ssyncset.done $0x0  }
0x12: {  	s12 =	simm.s32 $0x40;
	s13 =	simm.s32 $0x0;
	[sflag:s7] =	ssyncadd.s32 $0xFFFFC000  }
.LBB2_2:
0x13: {  	p0 =	sne.s32 s12, $0x3FC0;
	[tilespmem:s13+$0x8000] =	vst v0;
	s13 =	smov.u32 s12;
	s12 =	sadd.s32 $0x40, s12  }
.Ltmp0:
0x14: {  	(pc) =	sbr.rel @p0 .LBB2_2-.Ltmp0, $2  }
0x15: {  	_ =	sdelay $0x2  }
0x16: {  	s13 =	sshra.s32 s13, $0x2  }
0x17: {  	[tilespmem:s13+$0x8000] =	vst v0;
	s12 =	simm.s32 $0x0  }
.LBB2_4:
0x18: {  	s13 =	sshra.s32 s12, $0x2  }
0x19: {  	v1 =	vld [tilespmem:s13+$0x0];
	_ =	sdelay $0x2  }
0x1a: {  	p0 =	sne.s32 s12, $0xFE00;
	v2 =	vld [tilespmem:s13+$0x4000]  }
.Ltmp1:
0x1b: {  	_ = 	snop;
	(pc) =	sbr.rel @p0 .LBB2_4-.Ltmp1, $2  }
0x1c: {  	_ =	sdelay $0x2  }
0x1d: {  	s12 =	sadd.s32 $0x200, s12;
	[tilespmem:v1+s9+$0x0] =	vst.idx.add.f32.msk $0xffff, v2  }
0x1e: {  	s14 =	simm.s32 $0x0  }
0x1f: {  	v1 =	vld [tilespmem:s14+$0x8000];
	_ =	sdelay $0x3  }
0x20: {  	s12 =	simm.s32 $0x9000;
	s13 =	simm.s32 $0x40  }
.LBB2_6:
0x21: {  	s14 =	sshra.s32 s13, $0x2;
	p0 =	sne.s32 s13, $0x3FC0;
	s13 =	sadd.s32 $0x40, s13;
	[tilespmem:s12+$0x0] =	vst v1  }
.Ltmp2:
0x22: {  	v1 =	vld [tilespmem:s14+$0x8000];
	(pc) =	sbr.rel @p0 .LBB2_6-.Ltmp2, $2  }
0x23: {  	_ =	sdelay $0x2  }
0x24: {  	s12 =	sadd.s32 $0x80, s12  }
0x25: {  	s11 =	sadd.s32 $0x1, s11  }
0x26: {  	p0 =	sne.s32 s11, s6  }
.Ltmp3:
0x27: {  	[tilespmem:s12+$0x0] =	vst v1;
	(pc) =	sbr.rel @p0 .LBB2_1-.Ltmp3, $4  }
0x28: {  	[hbm4b:s5+s2] =	stream.linear.scatter [tilespmem:s10], [sflag:$0x1], $0x8000, $0x38;
	[tilespmem:$0x11000] =	vst v63  }
0x29: {  	_ =	swait.ge [sflag:s7], $0x8000  }
0x2a: {  	[sflag:s7] =	ssyncset.done $0x0  }
0x2b: {  	[sflag:s7] =	ssyncadd.s32 $0xFFFF8000  }
0x2c: {  	_ =	sfence.sel $0x180000  }
0x2d: {  	[bflag:$0x0] =	sbarrier.arrive $0xFFFF  }
0x2e: {  	p0 =	sne.s32 s1, $0x0;
	_ =	strace $0x90000047  }
0x2f: {  	s0 =	sadd.s32 @!p0 $0x100000, s0;
	[bflag:$0x2] =	sbarrier.arrive $0xFFFF  }
0x30: {  	[sflag:s0] =	ssyncadd.tile.s32 @!p0 $0x1;
	_ =	shalt  }
.Lfunc_end2:
_tile_overlayer_lowered:
.L_overlay_start_2:
0x31: {  	(tag) =	ssettag $0x2  }
0x32: {  	s0 =	rddreg [dreg:$0x0];
	s2 =	stileid.u32  }
0x33: {  	s1 =	rddreg [dreg:$0x1];
	p0 =	sne.s32 s2, $0x0  }
0x34: {  	s3 =	rddreg [dreg:$0x2];
	[bflag:$0x3] =	sbarrier.arrive $0xFFFF;
	s2 =	simm.s32 @!p0 $0x1C01  }
0x35: {  	[timem:s3], [sflag:s2] =	dma.local @!p0 [hbm:s0], s1  }
0x36: {  	s0 =	simm.s32 @!p0 $0x1  }
0x37: {  	_ =	swait.ge @!p0 [sflag:s0], s1  }
0x38: {  	s1 =	ssub.s32 @!p0 $0x0, s1;
	[sflag:s0] =	ssyncset.done @!p0 $0x0  }
0x39: {  	[sflag:s0] =	ssyncadd.s32 @!p0 s1  }
0x3a: {  	[bflag:$0x3] =	sbarrier.arrive $0xFFFF  }
0x3b: {  	_ =	shalt  }

</sc_bundles>
